<compile_context>
chip_gen: v7x
topology: tpu7x:2x2x1
jax: 0.10.2.dev20260603
libtpu: 0.0.44.dev20260713+nightly
codegen_flags: <defaults>
</compile_context>

<pallas_src>
import functools
import jax
import jax.numpy as jnp
from jax import lax
from jax.experimental import pallas as pl
from jax.experimental.pallas import tpu as pltpu
from jax.experimental.pallas import tpu_sc as plsc

_L = 16
_NW = 32
_R = 32
_NBUF = 3


def _tanh16(x):
    e = jnp.exp(x * 2.0)
    return 1.0 - 2.0 / (e + 1.0)


def _sc_kernel(n, d, nch):
    rows_per_w = n // _NW
    nchunk = rows_per_w // _R
    trips = nchunk // _NBUF
    kgrp = nch // _L

    mesh = plsc.VectorSubcoreMesh(core_axis_name="c", subcore_axis_name="s")

    @functools.partial(
        pl.kernel,
        out_type=jax.ShapeDtypeStruct((n, d), jnp.float32),
        mesh=mesh,
        scratch_types=[
            [pltpu.VMEM((_R, d), jnp.float32) for _ in range(_NBUF)],
            pltpu.VMEM((nch,), jnp.int32),
            [pltpu.SemaphoreType.DMA for _ in range(_NBUF)],
            [pltpu.SemaphoreType.DMA for _ in range(_NBUF)],
        ],
        compiler_params=pltpu.CompilerParams(needs_layout_passes=False, skip_device_barrier=True),
    )
    def k(data_hbm, ch_hbm, out_hbm, bufs, ch_v, rsems, wsems):
        wid = lax.axis_index("s") * 2 + lax.axis_index("c")
        base = wid * rows_per_w
        pltpu.sync_copy(ch_hbm, ch_v)

        chv = [ch_v[pl.ds(g * _L, _L)] for g in range(kgrp)]

        def compute(buf):
            @plsc.parallel_loop(0, _R, unroll=2)
            def _rows(r):
                row = jnp.full((_L,), 0, jnp.int32) + r
                for g in range(kgrp):
                    x = plsc.load_gather(buf, [row, chv[g]])
                    plsc.store_scatter(buf, [row, chv[g]], _tanh16(x))

        def rd(g, j):
            return pltpu.make_async_copy(
                data_hbm.at[pl.ds(base + g * _R, _R)], bufs[j], rsems[j])

        def wr(g, j):
            return pltpu.make_async_copy(
                bufs[j], out_hbm.at[pl.ds(base + g * _R, _R)], wsems[j])

        for j in range(_NBUF):
            rd(j, j).start()

        def chunk_step(g, j):
            rd(g, j).wait()
            compute(bufs[j])
            wr(g, j).start()
            bpf = (j + 2) % _NBUF

            @pl.when(jnp.logical_and(g + 2 >= _NBUF, g + 2 < nchunk))
            def _prefetch():
                wr(g + 2 - _NBUF, bpf).wait()
                rd(g + 2, bpf).start()

        def trip(t, _):
            g0 = t * _NBUF
            for j in range(_NBUF):
                chunk_step(g0 + j, j)
            return 0

        full_trips = nchunk // _NBUF
        lax.fori_loop(0, full_trips, trip, 0)
        for g in range(full_trips * _NBUF, nchunk):
            chunk_step(g, g % _NBUF)
        for g in range(nchunk - _NBUF, nchunk):
            wr(g, g % _NBUF).wait()

    return k


def kernel(data, channels):
    n, d = data.shape
    return _sc_kernel(n, d, channels.shape[0])(data, channels)

# --- scband reference (transcript-rebuilt; emitter-appended) ---
"""Pipeline reference for scband-tfmstransform-channels-56994216018376 (READ-ONLY COPY).

The authoritative reference and input builder live on the scoring server;
editing this copy changes nothing except your own understanding.
"""

import jax, jax.numpy as jnp
import numpy as np


def setup_inputs(seed: int = 0) -> dict:
    key = jax.random.key(seed)
    data = jax.random.normal(key, (16384, 1024), dtype=jnp.float32)
    channels = jnp.arange(0, 1024, 16, dtype=jnp.int32)  # 64 channel indices, matches init_kwargs
    return {"data": data, "channels": channels}


def reference(data, channels):
    # gather selected channels, apply elementwise transform (Tanh), scatter back
    selected = jnp.take(data, channels, axis=1)
    transformed = jnp.tanh(selected)
    out = data.at[:, channels].set(transformed)
    return out

if __name__ == "__main__":
    import jax
    _d = setup_inputs()
    print(jax.jit(kernel)(*tuple(_d.values())))

</pallas_src>

<mosaic_0001>
#map = affine_map<(d0, d1) -> (0, 0)>
#map1 = affine_map<(d0, d1) -> (0)>
module attributes {stable_mosaic.version = 14 : i64} {
  func.func @k(%arg0: i32, %arg1: i32, %arg2: memref<16384x1024xf32, #tpu.memory_space<hbm>>, %arg3: memref<64xi32, #tpu.memory_space<hbm>>, %arg4: memref<16384x1024xf32, #tpu.memory_space<hbm>>, %arg5: memref<32x1024xf32, #tpu.memory_space<vmem>>, %arg6: memref<32x1024xf32, #tpu.memory_space<vmem>>, %arg7: memref<32x1024xf32, #tpu.memory_space<vmem>>, %arg8: memref<64xi32, #tpu.memory_space<vmem>>, %arg9: memref<!tpu.dma_semaphore, #tpu.memory_space<semaphore_mem>>, %arg10: memref<!tpu.dma_semaphore, #tpu.memory_space<semaphore_mem>>, %arg11: memref<!tpu.dma_semaphore, #tpu.memory_space<semaphore_mem>>, %arg12: memref<!tpu.dma_semaphore, #tpu.memory_space<semaphore_mem>>, %arg13: memref<!tpu.dma_semaphore, #tpu.memory_space<semaphore_mem>>, %arg14: memref<!tpu.dma_semaphore, #tpu.memory_space<semaphore_mem>>) attributes {dimension_semantics = [#tpu.dimension_semantics<core_parallel>, #tpu.dimension_semantics<subcore_parallel>], iteration_bounds = array<i64: 2, 16>, scalar_prefetch = 0 : i64, scratch_operands = 10 : i64, tpu.core_type = #tpu.core_type<sc_vector_subcore>, window_params = [{transform_indices = #map}, {transform_indices = #map1}, {transform_indices = #map}]} {
    %mul3A = arith.constant 2 : i32
    %mul3A_0 = arith.muli %arg1, %mul3A : i32
    %add3A = arith.addi %mul3A_0, %arg0 : i32
    %mul3A_1 = arith.constant 512 : i32
    %mul3A_2 = arith.muli %add3A, %mul3A_1 : i32
    "tpu.region"() ({
      %run_scoped3A = tpu.sem_alloc : memref<!tpu.dma_semaphore, #tpu.memory_space<semaphore_mem>>
      tpu.enqueue_dma source(%arg3 : memref<64xi32, #tpu.memory_space<hbm>>) target(%arg8 : memref<64xi32, #tpu.memory_space<vmem>>) target_semaphore(%run_scoped3A : memref<!tpu.dma_semaphore, #tpu.memory_space<semaphore_mem>>)
      tpu.wait_dma2 semaphore(%run_scoped3A : memref<!tpu.dma_semaphore, #tpu.memory_space<semaphore_mem>>) src(%arg3 : memref<64xi32, #tpu.memory_space<hbm>>) dst(%arg8 : memref<64xi32, #tpu.memory_space<vmem>>)
      tpu.yield
    }) : () -> ()
    %get3A = arith.constant 0 : index
    %get3A_3 = tpu.vector_load %arg8[%get3A] {strides = array<i32>} : memref<64xi32, #tpu.memory_space<vmem>>, vector<16xi32>,
    %get3A_4 = arith.constant 16 : index
    %get3A_5 = tpu.vector_load %arg8[%get3A_4] {strides = array<i32>} : memref<64xi32, #tpu.memory_space<vmem>>, vector<16xi32>,
    %get3A_6 = arith.constant 32 : index
    %get3A_7 = tpu.vector_load %arg8[%get3A_6] {strides = array<i32>} : memref<64xi32, #tpu.memory_space<vmem>>, vector<16xi32>,
    %get3A_8 = arith.constant 48 : index
    %get3A_9 = tpu.vector_load %arg8[%get3A_8] {strides = array<i32>} : memref<64xi32, #tpu.memory_space<vmem>>, vector<16xi32>,
    %add3A_10 = arith.constant 0 : i32
    %add3A_11 = arith.addi %mul3A_2, %add3A_10 : i32
    %dma_start3A = arith.constant 0 : i32
    %dma_start3A_12 = tpu.memref_slice %arg2[%add3A_11, %dma_start3A] : memref<16384x1024xf32, #tpu.memory_space<hbm>> -> memref<32x1024xf32, #tpu.memory_space<hbm>>
    %dma_start3A_13 = arith.constant 0 : i32
    %dma_start3A_14 = tpu.memref_slice %arg2[%add3A_11, %dma_start3A_13] : memref<16384x1024xf32, #tpu.memory_space<hbm>> -> memref<32x1024xf32, #tpu.memory_space<hbm>>
    tpu.enqueue_dma source(%dma_start3A_14 : memref<32x1024xf32, #tpu.memory_space<hbm>>) target(%arg5 : memref<32x1024xf32, #tpu.memory_space<vmem>>) target_semaphore(%arg9 : memref<!tpu.dma_semaphore, #tpu.memory_space<semaphore_mem>>)
    %add3A_15 = arith.constant 32 : i32
    %add3A_16 = arith.addi %mul3A_2, %add3A_15 : i32
    %dma_start3A_17 = arith.constant 0 : i32
    %dma_start3A_18 = tpu.memref_slice %arg2[%add3A_16, %dma_start3A_17] : memref<16384x1024xf32, #tpu.memory_space<hbm>> -> memref<32x1024xf32, #tpu.memory_space<hbm>>
    %dma_start3A_19 = arith.constant 0 : i32
    %dma_start3A_20 = tpu.memref_slice %arg2[%add3A_16, %dma_start3A_19] : memref<16384x1024xf32, #tpu.memory_space<hbm>> -> memref<32x1024xf32, #tpu.memory_space<hbm>>
    tpu.enqueue_dma source(%dma_start3A_20 : memref<32x1024xf32, #tpu.memory_space<hbm>>) target(%arg6 : memref<32x1024xf32, #tpu.memory_space<vmem>>) target_semaphore(%arg10 : memref<!tpu.dma_semaphore, #tpu.memory_space<semaphore_mem>>)
    %add3A_21 = arith.constant 64 : i32
    %add3A_22 = arith.addi %mul3A_2, %add3A_21 : i32
    %dma_start3A_23 = arith.constant 0 : i32
    %dma_start3A_24 = tpu.memref_slice %arg2[%add3A_22, %dma_start3A_23] : memref<16384x1024xf32, #tpu.memory_space<hbm>> -> memref<32x1024xf32, #tpu.memory_space<hbm>>
    %dma_start3A_25 = arith.constant 0 : i32
    %dma_start3A_26 = tpu.memref_slice %arg2[%add3A_22, %dma_start3A_25] : memref<16384x1024xf32, #tpu.memory_space<hbm>> -> memref<32x1024xf32, #tpu.memory_space<hbm>>
    tpu.enqueue_dma source(%dma_start3A_26 : memref<32x1024xf32, #tpu.memory_space<hbm>>) target(%arg7 : memref<32x1024xf32, #tpu.memory_space<vmem>>) target_semaphore(%arg11 : memref<!tpu.dma_semaphore, #tpu.memory_space<semaphore_mem>>)
    %scan3A = arith.constant 0 : i32
    %scan3A_27 = arith.constant 0 : i32
    %scan3A_28 = arith.constant 5 : i32
    %scan3A_29 = arith.addi %scan3A_27, %scan3A_28 : i32
    %scan3A_30 = arith.constant 1 : i32
    %scan3A_31 = scf.for %scan3A_67 = %scan3A_27 to %scan3A_29 step %scan3A_30 iter_args(%scan3A_68 = %scan3A) -> (i32)  : i32 {
      %mul3A_69 = arith.constant 3 : i32
      %mul3A_70 = arith.muli %scan3A_67, %mul3A_69 : i32
      %add3A_71 = arith.constant 0 : i32
      %add3A_72 = arith.addi %mul3A_70, %add3A_71 : i32
      %mul3A_73 = arith.constant 32 : i32
      %mul3A_74 = arith.muli %add3A_72, %mul3A_73 : i32
      %add3A_75 = arith.addi %mul3A_2, %mul3A_74 : i32
      %dma_wait3A_76 = arith.constant 0 : i32
      %dma_wait3A_77 = tpu.memref_slice %arg2[%add3A_75, %dma_wait3A_76] : memref<16384x1024xf32, #tpu.memory_space<hbm>> -> memref<32x1024xf32, #tpu.memory_space<hbm>>
      %dma_wait3A_78 = arith.constant 0 : i32
      %dma_wait3A_79 = tpu.memref_slice %arg2[%add3A_75, %dma_wait3A_78] : memref<16384x1024xf32, #tpu.memory_space<hbm>> -> memref<32x1024xf32, #tpu.memory_space<hbm>>
      tpu.wait_dma2 semaphore(%arg9 : memref<!tpu.dma_semaphore, #tpu.memory_space<semaphore_mem>>) src(%dma_wait3A_79 : memref<32x1024xf32, #tpu.memory_space<hbm>>) dst(%arg5 : memref<32x1024xf32, #tpu.memory_space<vmem>>)
      %parallel_loop3A_80 = arith.constant 0 : i32
      %parallel_loop3A_81 = arith.constant 32 : i32
      %parallel_loop3A_82 = arith.constant 1 : i32
      scf.for %parallel_loop3A_163 = %parallel_loop3A_80 to %parallel_loop3A_81 step %parallel_loop3A_82  : i32 {
        %parallel_loop3A_164 = arith.constant 0 : i32
        %parallel_loop3A_165 = vector.broadcast %parallel_loop3A_164 : i32 to vector<16xi32>
        %parallel_loop3A_166 = vector.broadcast %parallel_loop3A_163 : i32 to vector<16xi32>
        %parallel_loop3A_167 = arith.addi %parallel_loop3A_165, %parallel_loop3A_166 : vector<16xi32>
        %parallel_loop3A_168 = tpu.vector_load_idx %arg5[%parallel_loop3A_167, %get3A_3] : memref<32x1024xf32, #tpu.memory_space<vmem>>[vector<16xi32>, vector<16xi32>], vector<16xf32>,
        %parallel_loop3A_169 = arith.constant 2.000000e+00 : f32
        %parallel_loop3A_170 = vector.broadcast %parallel_loop3A_169 : f32 to vector<16xf32>
        %parallel_loop3A_171 = arith.mulf %parallel_loop3A_168, %parallel_loop3A_170 : vector<16xf32>
        %parallel_loop3A_172 = math.exp %parallel_loop3A_171 : vector<16xf32>
        %parallel_loop3A_173 = arith.constant 1.000000e+00 : f32
        %parallel_loop3A_174 = vector.broadcast %parallel_loop3A_173 : f32 to vector<16xf32>
        %parallel_loop3A_175 = arith.addf %parallel_loop3A_172, %parallel_loop3A_174 : vector<16xf32>
        %parallel_loop3A_176 = arith.constant 2.000000e+00 : f32
        %parallel_loop3A_177 = vector.broadcast %parallel_loop3A_176 : f32 to vector<16xf32>
        %parallel_loop3A_178 = arith.divf %parallel_loop3A_177, %parallel_loop3A_175 : vector<16xf32>
        %parallel_loop3A_179 = arith.constant 1.000000e+00 : f32
        %parallel_loop3A_180 = vector.broadcast %parallel_loop3A_179 : f32 to vector<16xf32>
        %parallel_loop3A_181 = arith.subf %parallel_loop3A_180, %parallel_loop3A_178 : vector<16xf32>
        tpu.vector_store_idx %arg5[%parallel_loop3A_167, %get3A_3], %parallel_loop3A_181 : memref<32x1024xf32, #tpu.memory_space<vmem>>[vector<16xi32>, vector<16xi32>], vector<16xf32>,
        %parallel_loop3A_182 = tpu.vector_load_idx %arg5[%parallel_loop3A_167, %get3A_5] : memref<32x1024xf32, #tpu.memory_space<vmem>>[vector<16xi32>, vector<16xi32>], vector<16xf32>,
        %parallel_loop3A_183 = arith.constant 2.000000e+00 : f32
        %parallel_loop3A_184 = vector.broadcast %parallel_loop3A_183 : f32 to vector<16xf32>
        %parallel_loop3A_185 = arith.mulf %parallel_loop3A_182, %parallel_loop3A_184 : vector<16xf32>
        %parallel_loop3A_186 = math.exp %parallel_loop3A_185 : vector<16xf32>
        %parallel_loop3A_187 = arith.constant 1.000000e+00 : f32
        %parallel_loop3A_188 = vector.broadcast %parallel_loop3A_187 : f32 to vector<16xf32>
        %parallel_loop3A_189 = arith.addf %parallel_loop3A_186, %parallel_loop3A_188 : vector<16xf32>
        %parallel_loop3A_190 = arith.constant 2.000000e+00 : f32
        %parallel_loop3A_191 = vector.broadcast %parallel_loop3A_190 : f32 to vector<16xf32>
        %parallel_loop3A_192 = arith.divf %parallel_loop3A_191, %parallel_loop3A_189 : vector<16xf32>
        %parallel_loop3A_193 = arith.constant 1.000000e+00 : f32
        %parallel_loop3A_194 = vector.broadcast %parallel_loop3A_193 : f32 to vector<16xf32>
        %parallel_loop3A_195 = arith.subf %parallel_loop3A_194, %parallel_loop3A_192 : vector<16xf32>
        tpu.vector_store_idx %arg5[%parallel_loop3A_167, %get3A_5], %parallel_loop3A_195 : memref<32x1024xf32, #tpu.memory_space<vmem>>[vector<16xi32>, vector<16xi32>], vector<16xf32>,
        %parallel_loop3A_196 = tpu.vector_load_idx %arg5[%parallel_loop3A_167, %get3A_7] : memref<32x1024xf32, #tpu.memory_space<vmem>>[vector<16xi32>, vector<16xi32>], vector<16xf32>,
        %parallel_loop3A_197 = arith.constant 2.000000e+00 : f32
        %parallel_loop3A_198 = vector.broadcast %parallel_loop3A_197 : f32 to vector<16xf32>
        %parallel_loop3A_199 = arith.mulf %parallel_loop3A_196, %parallel_loop3A_198 : vector<16xf32>
        %parallel_loop3A_200 = math.exp %parallel_loop3A_199 : vector<16xf32>
        %parallel_loop3A_201 = arith.constant 1.000000e+00 : f32
        %parallel_loop3A_202 = vector.broadcast %parallel_loop3A_201 : f32 to vector<16xf32>
        %parallel_loop3A_203 = arith.addf %parallel_loop3A_200, %parallel_loop3A_202 : vector<16xf32>
        %parallel_loop3A_204 = arith.constant 2.000000e+00 : f32
        %parallel_loop3A_205 = vector.broadcast %parallel_loop3A_204 : f32 to vector<16xf32>
        %parallel_loop3A_206 = arith.divf %parallel_loop3A_205, %parallel_loop3A_203 : vector<16xf32>
        %parallel_loop3A_207 = arith.constant 1.000000e+00 : f32
        %parallel_loop3A_208 = vector.broadcast %parallel_loop3A_207 : f32 to vector<16xf32>
        %parallel_loop3A_209 = arith.subf %parallel_loop3A_208, %parallel_loop3A_206 : vector<16xf32>
        tpu.vector_store_idx %arg5[%parallel_loop3A_167, %get3A_7], %parallel_loop3A_209 : memref<32x1024xf32, #tpu.memory_space<vmem>>[vector<16xi32>, vector<16xi32>], vector<16xf32>,
        %parallel_loop3A_210 = tpu.vector_load_idx %arg5[%parallel_loop3A_167, %get3A_9] : memref<32x1024xf32, #tpu.memory_space<vmem>>[vector<16xi32>, vector<16xi32>], vector<16xf32>,
        %parallel_loop3A_211 = arith.constant 2.000000e+00 : f32
        %parallel_loop3A_212 = vector.broadcast %parallel_loop3A_211 : f32 to vector<16xf32>
        %parallel_loop3A_213 = arith.mulf %parallel_loop3A_210, %parallel_loop3A_212 : vector<16xf32>
        %parallel_loop3A_214 = math.exp %parallel_loop3A_213 : vector<16xf32>
        %parallel_loop3A_215 = arith.constant 1.000000e+00 : f32
        %parallel_loop3A_216 = vector.broadcast %parallel_loop3A_215 : f32 to vector<16xf32>
        %parallel_loop3A_217 = arith.addf %parallel_loop3A_214, %parallel_loop3A_216 : vector<16xf32>
        %parallel_loop3A_218 = arith.constant 2.000000e+00 : f32
        %parallel_loop3A_219 = vector.broadcast %parallel_loop3A_218 : f32 to vector<16xf32>
        %parallel_loop3A_220 = arith.divf %parallel_loop3A_219, %parallel_loop3A_217 : vector<16xf32>
        %parallel_loop3A_221 = arith.constant 1.000000e+00 : f32
        %parallel_loop3A_222 = vector.broadcast %parallel_loop3A_221 : f32 to vector<16xf32>
        %parallel_loop3A_223 = arith.subf %parallel_loop3A_222, %parallel_loop3A_220 : vector<16xf32>
        tpu.vector_store_idx %arg5[%parallel_loop3A_167, %get3A_9], %parallel_loop3A_223 : memref<32x1024xf32, #tpu.memory_space<vmem>>[vector<16xi32>, vector<16xi32>], vector<16xf32>,
      } {sc.loop_unroll_factor = 2 : i64, sc.parallel_access}
      %mul3A_83 = arith.constant 32 : i32
      %mul3A_84 = arith.muli %add3A_72, %mul3A_83 : i32
      %add3A_85 = arith.addi %mul3A_2, %mul3A_84 : i32
      %dma_start3A_86 = arith.constant 0 : i32
      %dma_start3A_87 = tpu.memref_slice %arg4[%add3A_85, %dma_start3A_86] : memref<16384x1024xf32, #tpu.memory_space<hbm>> -> memref<32x1024xf32, #tpu.memory_space<hbm>>
      %dma_start3A_88 = arith.constant 0 : i32
      %dma_start3A_89 = tpu.memref_slice %arg4[%add3A_85, %dma_start3A_88] : memref<16384x1024xf32, #tpu.memory_space<hbm>> -> memref<32x1024xf32, #tpu.memory_space<hbm>>
      tpu.enqueue_dma source(%arg5 : memref<32x1024xf32, #tpu.memory_space<vmem>>) target(%dma_start3A_89 : memref<32x1024xf32, #tpu.memory_space<hbm>>) target_semaphore(%arg12 : memref<!tpu.dma_semaphore, #tpu.memory_space<semaphore_mem>>)
      %add3A_90 = arith.constant 2 : i32
      %add3A_91 = arith.addi %add3A_72, %add3A_90 : i32
      %ge3A = arith.constant 3 : i32
      %ge3A_92 = arith.cmpi sge, %add3A_91, %ge3A : i32
      %add3A_93 = arith.constant 2 : i32
      %add3A_94 = arith.addi %add3A_72, %add3A_93 : i32
      %lt3A = arith.constant 16 : i32
      %lt3A_95 = arith.cmpi slt, %add3A_94, %lt3A : i32
      %and3A_96 = arith.andi %ge3A_92, %lt3A_95 : i1
      %convert_element_type3A_97 = arith.extui %and3A_96 : i1 to i32
      %cond3A_98 = arith.constant 0 : i32
      %cond3A_99 = arith.cmpi ne, %convert_element_type3A_97, %cond3A_98 : i32
      scf.if %cond3A_99 {
        %add3A_163 = arith.constant 2 : i32
        %add3A_164 = arith.addi %add3A_72, %add3A_163 : i32
        %sub3A = arith.constant 3 : i32
        %sub3A_165 = arith.subi %add3A_164, %sub3A : i32
        %mul3A_166 = arith.constant 32 : i32
        %mul3A_167 = arith.muli %sub3A_165, %mul3A_166 : i32
        %add3A_168 = arith.addi %mul3A_2, %mul3A_167 : i32
        %dma_wait3A_169 = arith.constant 0 : i32
        %dma_wait3A_170 = tpu.memref_slice %arg4[%add3A_168, %dma_wait3A_169] : memref<16384x1024xf32, #tpu.memory_space<hbm>> -> memref<32x1024xf32, #tpu.memory_space<hbm>>
        %dma_wait3A_171 = arith.constant 0 : i32
        %dma_wait3A_172 = tpu.memref_slice %arg4[%add3A_168, %dma_wait3A_171] : memref<16384x1024xf32, #tpu.memory_space<hbm>> -> memref<32x1024xf32, #tpu.memory_space<hbm>>
        tpu.wait_dma2 semaphore(%arg14 : memref<!tpu.dma_semaphore, #tpu.memory_space<semaphore_mem>>) src(%arg7 : memref<32x1024xf32, #tpu.memory_space<vmem>>) dst(%dma_wait3A_172 : memref<32x1024xf32, #tpu.memory_space<hbm>>)
        %add3A_173 = arith.constant 2 : i32
        %add3A_174 = arith.addi %add3A_72, %add3A_173 : i32
        %mul3A_175 = arith.constant 32 : i32
        %mul3A_176 = arith.muli %add3A_174, %mul3A_175 : i32
        %add3A_177 = arith.addi %mul3A_2, %mul3A_176 : i32
        %dma_start3A_178 = arith.constant 0 : i32
        %dma_start3A_179 = tpu.memref_slice %arg2[%add3A_177, %dma_start3A_178] : memref<16384x1024xf32, #tpu.memory_space<hbm>> -> memref<32x1024xf32, #tpu.memory_space<hbm>>
        %dma_start3A_180 = arith.constant 0 : i32
        %dma_start3A_181 = tpu.memref_slice %arg2[%add3A_177, %dma_start3A_180] : memref<16384x1024xf32, #tpu.memory_space<hbm>> -> memref<32x1024xf32, #tpu.memory_space<hbm>>
        tpu.enqueue_dma source(%dma_start3A_181 : memref<32x1024xf32, #tpu.memory_space<hbm>>) target(%arg7 : memref<32x1024xf32, #tpu.memory_space<vmem>>) target_semaphore(%arg11 : memref<!tpu.dma_semaphore, #tpu.memory_space<semaphore_mem>>)
      } else {
      }
      %add3A_100 = arith.constant 1 : i32
      %add3A_101 = arith.addi %mul3A_70, %add3A_100 : i32
      %mul3A_102 = arith.constant 32 : i32
      %mul3A_103 = arith.muli %add3A_101, %mul3A_102 : i32
      %add3A_104 = arith.addi %mul3A_2, %mul3A_103 : i32
      %dma_wait3A_105 = arith.constant 0 : i32
      %dma_wait3A_106 = tpu.memref_slice %arg2[%add3A_104, %dma_wait3A_105] : memref<16384x1024xf32, #tpu.memory_space<hbm>> -> memref<32x1024xf32, #tpu.memory_space<hbm>>
      %dma_wait3A_107 = arith.constant 0 : i32
      %dma_wait3A_108 = tpu.memref_slice %arg2[%add3A_104, %dma_wait3A_107] : memref<16384x1024xf32, #tpu.memory_space<hbm>> -> memref<32x1024xf32, #tpu.memory_space<hbm>>
      tpu.wait_dma2 semaphore(%arg10 : memref<!tpu.dma_semaphore, #tpu.memory_space<semaphore_mem>>) src(%dma_wait3A_108 : memref<32x1024xf32, #tpu.memory_space<hbm>>) dst(%arg6 : memref<32x1024xf32, #tpu.memory_space<vmem>>)
      %parallel_loop3A_109 = arith.constant 0 : i32
      %parallel_loop3A_110 = arith.constant 32 : i32
      %parallel_loop3A_111 = arith.constant 1 : i32
      scf.for %parallel_loop3A_163 = %parallel_loop3A_109 to %parallel_loop3A_110 step %parallel_loop3A_111  : i32 {
        %parallel_loop3A_164 = arith.constant 0 : i32
        %parallel_loop3A_165 = vector.broadcast %parallel_loop3A_164 : i32 to vector<16xi32>
        %parallel_loop3A_166 = vector.broadcast %parallel_loop3A_163 : i32 to vector<16xi32>
        %parallel_loop3A_167 = arith.addi %parallel_loop3A_165, %parallel_loop3A_166 : vector<16xi32>
        %parallel_loop3A_168 = tpu.vector_load_idx %arg6[%parallel_loop3A_167, %get3A_3] : memref<32x1024xf32, #tpu.memory_space<vmem>>[vector<16xi32>, vector<16xi32>], vector<16xf32>,
        %parallel_loop3A_169 = arith.constant 2.000000e+00 : f32
        %parallel_loop3A_170 = vector.broadcast %parallel_loop3A_169 : f32 to vector<16xf32>
        %parallel_loop3A_171 = arith.mulf %parallel_loop3A_168, %parallel_loop3A_170 : vector<16xf32>
        %parallel_loop3A_172 = math.exp %parallel_loop3A_171 : vector<16xf32>
        %parallel_loop3A_173 = arith.constant 1.000000e+00 : f32
        %parallel_loop3A_174 = vector.broadcast %parallel_loop3A_173 : f32 to vector<16xf32>
        %parallel_loop3A_175 = arith.addf %parallel_loop3A_172, %parallel_loop3A_174 : vector<16xf32>
        %parallel_loop3A_176 = arith.constant 2.000000e+00 : f32
        %parallel_loop3A_177 = vector.broadcast %parallel_loop3A_176 : f32 to vector<16xf32>
        %parallel_loop3A_178 = arith.divf %parallel_loop3A_177, %parallel_loop3A_175 : vector<16xf32>
        %parallel_loop3A_179 = arith.constant 1.000000e+00 : f32
        %parallel_loop3A_180 = vector.broadcast %parallel_loop3A_179 : f32 to vector<16xf32>
        %parallel_loop3A_181 = arith.subf %parallel_loop3A_180, %parallel_loop3A_178 : vector<16xf32>
        tpu.vector_store_idx %arg6[%parallel_loop3A_167, %get3A_3], %parallel_loop3A_181 : memref<32x1024xf32, #tpu.memory_space<vmem>>[vector<16xi32>, vector<16xi32>], vector<16xf32>,
        %parallel_loop3A_182 = tpu.vector_load_idx %arg6[%parallel_loop3A_167, %get3A_5] : memref<32x1024xf32, #tpu.memory_space<vmem>>[vector<16xi32>, vector<16xi32>], vector<16xf32>,
        %parallel_loop3A_183 = arith.constant 2.000000e+00 : f32
        %parallel_loop3A_184 = vector.broadcast %parallel_loop3A_183 : f32 to vector<16xf32>
        %parallel_loop3A_185 = arith.mulf %parallel_loop3A_182, %parallel_loop3A_184 : vector<16xf32>
        %parallel_loop3A_186 = math.exp %parallel_loop3A_185 : vector<16xf32>
        %parallel_loop3A_187 = arith.constant 1.000000e+00 : f32
        %parallel_loop3A_188 = vector.broadcast %parallel_loop3A_187 : f32 to vector<16xf32>
        %parallel_loop3A_189 = arith.addf %parallel_loop3A_186, %parallel_loop3A_188 : vector<16xf32>
        %parallel_loop3A_190 = arith.constant 2.000000e+00 : f32
        %parallel_loop3A_191 = vector.broadcast %parallel_loop3A_190 : f32 to vector<16xf32>
        %parallel_loop3A_192 = arith.divf %parallel_loop3A_191, %parallel_loop3A_189 : vector<16xf32>
        %parallel_loop3A_193 = arith.constant 1.000000e+00 : f32
        %parallel_loop3A_194 = vector.broadcast %parallel_loop3A_193 : f32 to vector<16xf32>
        %parallel_loop3A_195 = arith.subf %parallel_loop3A_194, %parallel_loop3A_192 : vector<16xf32>
        tpu.vector_store_idx %arg6[%parallel_loop3A_167, %get3A_5], %parallel_loop3A_195 : memref<32x1024xf32, #tpu.memory_space<vmem>>[vector<16xi32>, vector<16xi32>], vector<16xf32>,
        %parallel_loop3A_196 = tpu.vector_load_idx %arg6[%parallel_loop3A_167, %get3A_7] : memref<32x1024xf32, #tpu.memory_space<vmem>>[vector<16xi32>, vector<16xi32>], vector<16xf32>,
        %parallel_loop3A_197 = arith.constant 2.000000e+00 : f32
        %parallel_loop3A_198 = vector.broadcast %parallel_loop3A_197 : f32 to vector<16xf32>
        %parallel_loop3A_199 = arith.mulf %parallel_loop3A_196, %parallel_loop3A_198 : vector<16xf32>
        %parallel_loop3A_200 = math.exp %parallel_loop3A_199 : vector<16xf32>
        %parallel_loop3A_201 = arith.constant 1.000000e+00 : f32
        %parallel_loop3A_202 = vector.broadcast %parallel_loop3A_201 : f32 to vector<16xf32>
        %parallel_loop3A_203 = arith.addf %parallel_loop3A_200, %parallel_loop3A_202 : vector<16xf32>
        %parallel_loop3A_204 = arith.constant 2.000000e+00 : f32
        %parallel_loop3A_205 = vector.broadcast %parallel_loop3A_204 : f32 to vector<16xf32>
        %parallel_loop3A_206 = arith.divf %parallel_loop3A_205, %parallel_loop3A_203 : vector<16xf32>
        %parallel_loop3A_207 = arith.constant 1.000000e+00 : f32
        %parallel_loop3A_208 = vector.broadcast %parallel_loop3A_207 : f32 to vector<16xf32>
        %parallel_loop3A_209 = arith.subf %parallel_loop3A_208, %parallel_loop3A_206 : vector<16xf32>
        tpu.vector_store_idx %arg6[%parallel_loop3A_167, %get3A_7], %parallel_loop3A_209 : memref<32x1024xf32, #tpu.memory_space<vmem>>[vector<16xi32>, vector<16xi32>], vector<16xf32>,
        %parallel_loop3A_210 = tpu.vector_load_idx %arg6[%parallel_loop3A_167, %get3A_9] : memref<32x1024xf32, #tpu.memory_space<vmem>>[vector<16xi32>, vector<16xi32>], vector<16xf32>,
        %parallel_loop3A_211 = arith.constant 2.000000e+00 : f32
        %parallel_loop3A_212 = vector.broadcast %parallel_loop3A_211 : f32 to vector<16xf32>
        %parallel_loop3A_213 = arith.mulf %parallel_loop3A_210, %parallel_loop3A_212 : vector<16xf32>
        %parallel_loop3A_214 = math.exp %parallel_loop3A_213 : vector<16xf32>
        %parallel_loop3A_215 = arith.constant 1.000000e+00 : f32
        %parallel_loop3A_216 = vector.broadcast %parallel_loop3A_215 : f32 to vector<16xf32>
        %parallel_loop3A_217 = arith.addf %parallel_loop3A_214, %parallel_loop3A_216 : vector<16xf32>
        %parallel_loop3A_218 = arith.constant 2.000000e+00 : f32
        %parallel_loop3A_219 = vector.broadcast %parallel_loop3A_218 : f32 to vector<16xf32>
        %parallel_loop3A_220 = arith.divf %parallel_loop3A_219, %parallel_loop3A_217 : vector<16xf32>
        %parallel_loop3A_221 = arith.constant 1.000000e+00 : f32
        %parallel_loop3A_222 = vector.broadcast %parallel_loop3A_221 : f32 to vector<16xf32>
        %parallel_loop3A_223 = arith.subf %parallel_loop3A_222, %parallel_loop3A_220 : vector<16xf32>
        tpu.vector_store_idx %arg6[%parallel_loop3A_167, %get3A_9], %parallel_loop3A_223 : memref<32x1024xf32, #tpu.memory_space<vmem>>[vector<16xi32>, vector<16xi32>], vector<16xf32>,
      } {sc.loop_unroll_factor = 2 : i64, sc.parallel_access}
      %mul3A_112 = arith.constant 32 : i32
      %mul3A_113 = arith.muli %add3A_101, %mul3A_112 : i32
      %add3A_114 = arith.addi %mul3A_2, %mul3A_113 : i32
      %dma_start3A_115 = arith.constant 0 : i32
      %dma_start3A_116 = tpu.memref_slice %arg4[%add3A_114, %dma_start3A_115] : memref<16384x1024xf32, #tpu.memory_space<hbm>> -> memref<32x1024xf32, #tpu.memory_space<hbm>>
      %dma_start3A_117 = arith.constant 0 : i32
      %dma_start3A_118 = tpu.memref_slice %arg4[%add3A_114, %dma_start3A_117] : memref<16384x1024xf32, #tpu.memory_space<hbm>> -> memref<32x1024xf32, #tpu.memory_space<hbm>>
      tpu.enqueue_dma source(%arg6 : memref<32x1024xf32, #tpu.memory_space<vmem>>) target(%dma_start3A_118 : memref<32x1024xf32, #tpu.memory_space<hbm>>) target_semaphore(%arg13 : memref<!tpu.dma_semaphore, #tpu.memory_space<semaphore_mem>>)
      %add3A_119 = arith.constant 2 : i32
      %add3A_120 = arith.addi %add3A_101, %add3A_119 : i32
      %ge3A_121 = arith.constant 3 : i32
      %ge3A_122 = arith.cmpi sge, %add3A_120, %ge3A_121 : i32
      %add3A_123 = arith.constant 2 : i32
      %add3A_124 = arith.addi %add3A_101, %add3A_123 : i32
      %lt3A_125 = arith.constant 16 : i32
      %lt3A_126 = arith.cmpi slt, %add3A_124, %lt3A_125 : i32
      %and3A_127 = arith.andi %ge3A_122, %lt3A_126 : i1
      %convert_element_type3A_128 = arith.extui %and3A_127 : i1 to i32
      %cond3A_129 = arith.constant 0 : i32
      %cond3A_130 = arith.cmpi ne, %convert_element_type3A_128, %cond3A_129 : i32
      scf.if %cond3A_130 {
        %add3A_163 = arith.constant 2 : i32
        %add3A_164 = arith.addi %add3A_101, %add3A_163 : i32
        %sub3A = arith.constant 3 : i32
        %sub3A_165 = arith.subi %add3A_164, %sub3A : i32
        %mul3A_166 = arith.constant 32 : i32
        %mul3A_167 = arith.muli %sub3A_165, %mul3A_166 : i32
        %add3A_168 = arith.addi %mul3A_2, %mul3A_167 : i32
        %dma_wait3A_169 = arith.constant 0 : i32
        %dma_wait3A_170 = tpu.memref_slice %arg4[%add3A_168, %dma_wait3A_169] : memref<16384x1024xf32, #tpu.memory_space<hbm>> -> memref<32x1024xf32, #tpu.memory_space<hbm>>
        %dma_wait3A_171 = arith.constant 0 : i32
        %dma_wait3A_172 = tpu.memref_slice %arg4[%add3A_168, %dma_wait3A_171] : memref<16384x1024xf32, #tpu.memory_space<hbm>> -> memref<32x1024xf32, #tpu.memory_space<hbm>>
        tpu.wait_dma2 semaphore(%arg12 : memref<!tpu.dma_semaphore, #tpu.memory_space<semaphore_mem>>) src(%arg5 : memref<32x1024xf32, #tpu.memory_space<vmem>>) dst(%dma_wait3A_172 : memref<32x1024xf32, #tpu.memory_space<hbm>>)
        %add3A_173 = arith.constant 2 : i32
        %add3A_174 = arith.addi %add3A_101, %add3A_173 : i32
        %mul3A_175 = arith.constant 32 : i32
        %mul3A_176 = arith.muli %add3A_174, %mul3A_175 : i32
        %add3A_177 = arith.addi %mul3A_2, %mul3A_176 : i32
        %dma_start3A_178 = arith.constant 0 : i32
        %dma_start3A_179 = tpu.memref_slice %arg2[%add3A_177, %dma_start3A_178] : memref<16384x1024xf32, #tpu.memory_space<hbm>> -> memref<32x1024xf32, #tpu.memory_space<hbm>>
        %dma_start3A_180 = arith.constant 0 : i32
        %dma_start3A_181 = tpu.memref_slice %arg2[%add3A_177, %dma_start3A_180] : memref<16384x1024xf32, #tpu.memory_space<hbm>> -> memref<32x1024xf32, #tpu.memory_space<hbm>>
        tpu.enqueue_dma source(%dma_start3A_181 : memref<32x1024xf32, #tpu.memory_space<hbm>>) target(%arg5 : memref<32x1024xf32, #tpu.memory_space<vmem>>) target_semaphore(%arg9 : memref<!tpu.dma_semaphore, #tpu.memory_space<semaphore_mem>>)
      } else {
      }
      %add3A_131 = arith.constant 2 : i32
      %add3A_132 = arith.addi %mul3A_70, %add3A_131 : i32
      %mul3A_133 = arith.constant 32 : i32
      %mul3A_134 = arith.muli %add3A_132, %mul3A_133 : i32
      %add3A_135 = arith.addi %mul3A_2, %mul3A_134 : i32
      %dma_wait3A_136 = arith.constant 0 : i32
      %dma_wait3A_137 = tpu.memref_slice %arg2[%add3A_135, %dma_wait3A_136] : memref<16384x1024xf32, #tpu.memory_space<hbm>> -> memref<32x1024xf32, #tpu.memory_space<hbm>>
      %dma_wait3A_138 = arith.constant 0 : i32
      %dma_wait3A_139 = tpu.memref_slice %arg2[%add3A_135, %dma_wait3A_138] : memref<16384x1024xf32, #tpu.memory_space<hbm>> -> memref<32x1024xf32, #tpu.memory_space<hbm>>
      tpu.wait_dma2 semaphore(%arg11 : memref<!tpu.dma_semaphore, #tpu.memory_space<semaphore_mem>>) src(%dma_wait3A_139 : memref<32x1024xf32, #tpu.memory_space<hbm>>) dst(%arg7 : memref<32x1024xf32, #tpu.memory_space<vmem>>)
      %parallel_loop3A_140 = arith.constant 0 : i32
      %parallel_loop3A_141 = arith.constant 32 : i32
      %parallel_loop3A_142 = arith.constant 1 : i32
      scf.for %parallel_loop3A_163 = %parallel_loop3A_140 to %parallel_loop3A_141 step %parallel_loop3A_142  : i32 {
        %parallel_loop3A_164 = arith.constant 0 : i32
        %parallel_loop3A_165 = vector.broadcast %parallel_loop3A_164 : i32 to vector<16xi32>
        %parallel_loop3A_166 = vector.broadcast %parallel_loop3A_163 : i32 to vector<16xi32>
        %parallel_loop3A_167 = arith.addi %parallel_loop3A_165, %parallel_loop3A_166 : vector<16xi32>
        %parallel_loop3A_168 = tpu.vector_load_idx %arg7[%parallel_loop3A_167, %get3A_3] : memref<32x1024xf32, #tpu.memory_space<vmem>>[vector<16xi32>, vector<16xi32>], vector<16xf32>,
        %parallel_loop3A_169 = arith.constant 2.000000e+00 : f32
        %parallel_loop3A_170 = vector.broadcast %parallel_loop3A_169 : f32 to vector<16xf32>
        %parallel_loop3A_171 = arith.mulf %parallel_loop3A_168, %parallel_loop3A_170 : vector<16xf32>
        %parallel_loop3A_172 = math.exp %parallel_loop3A_171 : vector<16xf32>
        %parallel_loop3A_173 = arith.constant 1.000000e+00 : f32
        %parallel_loop3A_174 = vector.broadcast %parallel_loop3A_173 : f32 to vector<16xf32>
        %parallel_loop3A_175 = arith.addf %parallel_loop3A_172, %parallel_loop3A_174 : vector<16xf32>
        %parallel_loop3A_176 = arith.constant 2.000000e+00 : f32
        %parallel_loop3A_177 = vector.broadcast %parallel_loop3A_176 : f32 to vector<16xf32>
        %parallel_loop3A_178 = arith.divf %parallel_loop3A_177, %parallel_loop3A_175 : vector<16xf32>
        %parallel_loop3A_179 = arith.constant 1.000000e+00 : f32
        %parallel_loop3A_180 = vector.broadcast %parallel_loop3A_179 : f32 to vector<16xf32>
        %parallel_loop3A_181 = arith.subf %parallel_loop3A_180, %parallel_loop3A_178 : vector<16xf32>
        tpu.vector_store_idx %arg7[%parallel_loop3A_167, %get3A_3], %parallel_loop3A_181 : memref<32x1024xf32, #tpu.memory_space<vmem>>[vector<16xi32>, vector<16xi32>], vector<16xf32>,
        %parallel_loop3A_182 = tpu.vector_load_idx %arg7[%parallel_loop3A_167, %get3A_5] : memref<32x1024xf32, #tpu.memory_space<vmem>>[vector<16xi32>, vector<16xi32>], vector<16xf32>,
        %parallel_loop3A_183 = arith.constant 2.000000e+00 : f32
        %parallel_loop3A_184 = vector.broadcast %parallel_loop3A_183 : f32 to vector<16xf32>
        %parallel_loop3A_185 = arith.mulf %parallel_loop3A_182, %parallel_loop3A_184 : vector<16xf32>
        %parallel_loop3A_186 = math.exp %parallel_loop3A_185 : vector<16xf32>
        %parallel_loop3A_187 = arith.constant 1.000000e+00 : f32
        %parallel_loop3A_188 = vector.broadcast %parallel_loop3A_187 : f32 to vector<16xf32>
        %parallel_loop3A_189 = arith.addf %parallel_loop3A_186, %parallel_loop3A_188 : vector<16xf32>
        %parallel_loop3A_190 = arith.constant 2.000000e+00 : f32
        %parallel_loop3A_191 = vector.broadcast %parallel_loop3A_190 : f32 to vector<16xf32>
        %parallel_loop3A_192 = arith.divf %parallel_loop3A_191, %parallel_loop3A_189 : vector<16xf32>
        %parallel_loop3A_193 = arith.constant 1.000000e+00 : f32
        %parallel_loop3A_194 = vector.broadcast %parallel_loop3A_193 : f32 to vector<16xf32>
        %parallel_loop3A_195 = arith.subf %parallel_loop3A_194, %parallel_loop3A_192 : vector<16xf32>
        tpu.vector_store_idx %arg7[%parallel_loop3A_167, %get3A_5], %parallel_loop3A_195 : memref<32x1024xf32, #tpu.memory_space<vmem>>[vector<16xi32>, vector<16xi32>], vector<16xf32>,
        %parallel_loop3A_196 = tpu.vector_load_idx %arg7[%parallel_loop3A_167, %get3A_7] : memref<32x1024xf32, #tpu.memory_space<vmem>>[vector<16xi32>, vector<16xi32>], vector<16xf32>,
        %parallel_loop3A_197 = arith.constant 2.000000e+00 : f32
        %parallel_loop3A_198 = vector.broadcast %parallel_loop3A_197 : f32 to vector<16xf32>
        %parallel_loop3A_199 = arith.mulf %parallel_loop3A_196, %parallel_loop3A_198 : vector<16xf32>
        %parallel_loop3A_200 = math.exp %parallel_loop3A_199 : vector<16xf32>
        %parallel_loop3A_201 = arith.constant 1.000000e+00 : f32
        %parallel_loop3A_202 = vector.broadcast %parallel_loop3A_201 : f32 to vector<16xf32>
        %parallel_loop3A_203 = arith.addf %parallel_loop3A_200, %parallel_loop3A_202 : vector<16xf32>
        %parallel_loop3A_204 = arith.constant 2.000000e+00 : f32
        %parallel_loop3A_205 = vector.broadcast %parallel_loop3A_204 : f32 to vector<16xf32>
        %parallel_loop3A_206 = arith.divf %parallel_loop3A_205, %parallel_loop3A_203 : vector<16xf32>
        %parallel_loop3A_207 = arith.constant 1.000000e+00 : f32
        %parallel_loop3A_208 = vector.broadcast %parallel_loop3A_207 : f32 to vector<16xf32>
        %parallel_loop3A_209 = arith.subf %parallel_loop3A_208, %parallel_loop3A_206 : vector<16xf32>
        tpu.vector_store_idx %arg7[%parallel_loop3A_167, %get3A_7], %parallel_loop3A_209 : memref<32x1024xf32, #tpu.memory_space<vmem>>[vector<16xi32>, vector<16xi32>], vector<16xf32>,
        %parallel_loop3A_210 = tpu.vector_load_idx %arg7[%parallel_loop3A_167, %get3A_9] : memref<32x1024xf32, #tpu.memory_space<vmem>>[vector<16xi32>, vector<16xi32>], vector<16xf32>,
        %parallel_loop3A_211 = arith.constant 2.000000e+00 : f32
        %parallel_loop3A_212 = vector.broadcast %parallel_loop3A_211 : f32 to vector<16xf32>
        %parallel_loop3A_213 = arith.mulf %parallel_loop3A_210, %parallel_loop3A_212 : vector<16xf32>
        %parallel_loop3A_214 = math.exp %parallel_loop3A_213 : vector<16xf32>
        %parallel_loop3A_215 = arith.constant 1.000000e+00 : f32
        %parallel_loop3A_216 = vector.broadcast %parallel_loop3A_215 : f32 to vector<16xf32>
        %parallel_loop3A_217 = arith.addf %parallel_loop3A_214, %parallel_loop3A_216 : vector<16xf32>
        %parallel_loop3A_218 = arith.constant 2.000000e+00 : f32
        %parallel_loop3A_219 = vector.broadcast %parallel_loop3A_218 : f32 to vector<16xf32>
        %parallel_loop3A_220 = arith.divf %parallel_loop3A_219, %parallel_loop3A_217 : vector<16xf32>
        %parallel_loop3A_221 = arith.constant 1.000000e+00 : f32
        %parallel_loop3A_222 = vector.broadcast %parallel_loop3A_221 : f32 to vector<16xf32>
        %parallel_loop3A_223 = arith.subf %parallel_loop3A_222, %parallel_loop3A_220 : vector<16xf32>
        tpu.vector_store_idx %arg7[%parallel_loop3A_167, %get3A_9], %parallel_loop3A_223 : memref<32x1024xf32, #tpu.memory_space<vmem>>[vector<16xi32>, vector<16xi32>], vector<16xf32>,
      } {sc.loop_unroll_factor = 2 : i64, sc.parallel_access}
      %mul3A_143 = arith.constant 32 : i32
      %mul3A_144 = arith.muli %add3A_132, %mul3A_143 : i32
      %add3A_145 = arith.addi %mul3A_2, %mul3A_144 : i32
      %dma_start3A_146 = arith.constant 0 : i32
      %dma_start3A_147 = tpu.memref_slice %arg4[%add3A_145, %dma_start3A_146] : memref<16384x1024xf32, #tpu.memory_space<hbm>> -> memref<32x1024xf32, #tpu.memory_space<hbm>>
      %dma_start3A_148 = arith.constant 0 : i32
      %dma_start3A_149 = tpu.memref_slice %arg4[%add3A_145, %dma_start3A_148] : memref<16384x1024xf32, #tpu.memory_space<hbm>> -> memref<32x1024xf32, #tpu.memory_space<hbm>>
      tpu.enqueue_dma source(%arg7 : memref<32x1024xf32, #tpu.memory_space<vmem>>) target(%dma_start3A_149 : memref<32x1024xf32, #tpu.memory_space<hbm>>) target_semaphore(%arg14 : memref<!tpu.dma_semaphore, #tpu.memory_space<semaphore_mem>>)
      %add3A_150 = arith.constant 2 : i32
      %add3A_151 = arith.addi %add3A_132, %add3A_150 : i32
      %ge3A_152 = arith.constant 3 : i32
      %ge3A_153 = arith.cmpi sge, %add3A_151, %ge3A_152 : i32
      %add3A_154 = arith.constant 2 : i32
      %add3A_155 = arith.addi %add3A_132, %add3A_154 : i32
      %lt3A_156 = arith.constant 16 : i32
      %lt3A_157 = arith.cmpi slt, %add3A_155, %lt3A_156 : i32
      %and3A_158 = arith.andi %ge3A_153, %lt3A_157 : i1
      %convert_element_type3A_159 = arith.extui %and3A_158 : i1 to i32
      %cond3A_160 = arith.constant 0 : i32
      %cond3A_161 = arith.cmpi ne, %convert_element_type3A_159, %cond3A_160 : i32
      scf.if %cond3A_161 {
        %add3A_163 = arith.constant 2 : i32
        %add3A_164 = arith.addi %add3A_132, %add3A_163 : i32
        %sub3A = arith.constant 3 : i32
        %sub3A_165 = arith.subi %add3A_164, %sub3A : i32
        %mul3A_166 = arith.constant 32 : i32
        %mul3A_167 = arith.muli %sub3A_165, %mul3A_166 : i32
        %add3A_168 = arith.addi %mul3A_2, %mul3A_167 : i32
        %dma_wait3A_169 = arith.constant 0 : i32
        %dma_wait3A_170 = tpu.memref_slice %arg4[%add3A_168, %dma_wait3A_169] : memref<16384x1024xf32, #tpu.memory_space<hbm>> -> memref<32x1024xf32, #tpu.memory_space<hbm>>
        %dma_wait3A_171 = arith.constant 0 : i32
        %dma_wait3A_172 = tpu.memref_slice %arg4[%add3A_168, %dma_wait3A_171] : memref<16384x1024xf32, #tpu.memory_space<hbm>> -> memref<32x1024xf32, #tpu.memory_space<hbm>>
        tpu.wait_dma2 semaphore(%arg13 : memref<!tpu.dma_semaphore, #tpu.memory_space<semaphore_mem>>) src(%arg6 : memref<32x1024xf32, #tpu.memory_space<vmem>>) dst(%dma_wait3A_172 : memref<32x1024xf32, #tpu.memory_space<hbm>>)
        %add3A_173 = arith.constant 2 : i32
        %add3A_174 = arith.addi %add3A_132, %add3A_173 : i32
        %mul3A_175 = arith.constant 32 : i32
        %mul3A_176 = arith.muli %add3A_174, %mul3A_175 : i32
        %add3A_177 = arith.addi %mul3A_2, %mul3A_176 : i32
        %dma_start3A_178 = arith.constant 0 : i32
        %dma_start3A_179 = tpu.memref_slice %arg2[%add3A_177, %dma_start3A_178] : memref<16384x1024xf32, #tpu.memory_space<hbm>> -> memref<32x1024xf32, #tpu.memory_space<hbm>>
        %dma_start3A_180 = arith.constant 0 : i32
        %dma_start3A_181 = tpu.memref_slice %arg2[%add3A_177, %dma_start3A_180] : memref<16384x1024xf32, #tpu.memory_space<hbm>> -> memref<32x1024xf32, #tpu.memory_space<hbm>>
        tpu.enqueue_dma source(%dma_start3A_181 : memref<32x1024xf32, #tpu.memory_space<hbm>>) target(%arg6 : memref<32x1024xf32, #tpu.memory_space<vmem>>) target_semaphore(%arg10 : memref<!tpu.dma_semaphore, #tpu.memory_space<semaphore_mem>>)
      } else {
      }
      %scan3A_162 = arith.constant 0 : i32
      scf.yield %scan3A_162 : i32
    }
    %scan3A_32 = arith.constant 5 : i32
    %add3A_33 = arith.constant 480 : i32
    %add3A_34 = arith.addi %mul3A_2, %add3A_33 : i32
    %dma_wait3A = arith.constant 0 : i32
    %dma_wait3A_35 = tpu.memref_slice %arg2[%add3A_34, %dma_wait3A] : memref<16384x1024xf32, #tpu.memory_space<hbm>> -> memref<32x1024xf32, #tpu.memory_space<hbm>>
    %dma_wait3A_36 = arith.constant 0 : i32
    %dma_wait3A_37 = tpu.memref_slice %arg2[%add3A_34, %dma_wait3A_36] : memref<16384x1024xf32, #tpu.memory_space<hbm>> -> memref<32x1024xf32, #tpu.memory_space<hbm>>
    tpu.wait_dma2 semaphore(%arg9 : memref<!tpu.dma_semaphore, #tpu.memory_space<semaphore_mem>>) src(%dma_wait3A_37 : memref<32x1024xf32, #tpu.memory_space<hbm>>) dst(%arg5 : memref<32x1024xf32, #tpu.memory_space<vmem>>)
    %parallel_loop3A = arith.constant 0 : i32
    %parallel_loop3A_38 = arith.constant 32 : i32
    %parallel_loop3A_39 = arith.constant 1 : i32
    scf.for %parallel_loop3A_67 = %parallel_loop3A to %parallel_loop3A_38 step %parallel_loop3A_39  : i32 {
      %parallel_loop3A_68 = arith.constant 0 : i32
      %parallel_loop3A_69 = vector.broadcast %parallel_loop3A_68 : i32 to vector<16xi32>
      %parallel_loop3A_70 = vector.broadcast %parallel_loop3A_67 : i32 to vector<16xi32>
      %parallel_loop3A_71 = arith.addi %parallel_loop3A_69, %parallel_loop3A_70 : vector<16xi32>
      %parallel_loop3A_72 = tpu.vector_load_idx %arg5[%parallel_loop3A_71, %get3A_3] : memref<32x1024xf32, #tpu.memory_space<vmem>>[vector<16xi32>, vector<16xi32>], vector<16xf32>,
      %parallel_loop3A_73 = arith.constant 2.000000e+00 : f32
      %parallel_loop3A_74 = vector.broadcast %parallel_loop3A_73 : f32 to vector<16xf32>
      %parallel_loop3A_75 = arith.mulf %parallel_loop3A_72, %parallel_loop3A_74 : vector<16xf32>
      %parallel_loop3A_76 = math.exp %parallel_loop3A_75 : vector<16xf32>
      %parallel_loop3A_77 = arith.constant 1.000000e+00 : f32
      %parallel_loop3A_78 = vector.broadcast %parallel_loop3A_77 : f32 to vector<16xf32>
      %parallel_loop3A_79 = arith.addf %parallel_loop3A_76, %parallel_loop3A_78 : vector<16xf32>
      %parallel_loop3A_80 = arith.constant 2.000000e+00 : f32
      %parallel_loop3A_81 = vector.broadcast %parallel_loop3A_80 : f32 to vector<16xf32>
      %parallel_loop3A_82 = arith.divf %parallel_loop3A_81, %parallel_loop3A_79 : vector<16xf32>
      %parallel_loop3A_83 = arith.constant 1.000000e+00 : f32
      %parallel_loop3A_84 = vector.broadcast %parallel_loop3A_83 : f32 to vector<16xf32>
      %parallel_loop3A_85 = arith.subf %parallel_loop3A_84, %parallel_loop3A_82 : vector<16xf32>
      tpu.vector_store_idx %arg5[%parallel_loop3A_71, %get3A_3], %parallel_loop3A_85 : memref<32x1024xf32, #tpu.memory_space<vmem>>[vector<16xi32>, vector<16xi32>], vector<16xf32>,
      %parallel_loop3A_86 = tpu.vector_load_idx %arg5[%parallel_loop3A_71, %get3A_5] : memref<32x1024xf32, #tpu.memory_space<vmem>>[vector<16xi32>, vector<16xi32>], vector<16xf32>,
      %parallel_loop3A_87 = arith.constant 2.000000e+00 : f32
      %parallel_loop3A_88 = vector.broadcast %parallel_loop3A_87 : f32 to vector<16xf32>
      %parallel_loop3A_89 = arith.mulf %parallel_loop3A_86, %parallel_loop3A_88 : vector<16xf32>
      %parallel_loop3A_90 = math.exp %parallel_loop3A_89 : vector<16xf32>
      %parallel_loop3A_91 = arith.constant 1.000000e+00 : f32
      %parallel_loop3A_92 = vector.broadcast %parallel_loop3A_91 : f32 to vector<16xf32>
      %parallel_loop3A_93 = arith.addf %parallel_loop3A_90, %parallel_loop3A_92 : vector<16xf32>
      %parallel_loop3A_94 = arith.constant 2.000000e+00 : f32
      %parallel_loop3A_95 = vector.broadcast %parallel_loop3A_94 : f32 to vector<16xf32>
      %parallel_loop3A_96 = arith.divf %parallel_loop3A_95, %parallel_loop3A_93 : vector<16xf32>
      %parallel_loop3A_97 = arith.constant 1.000000e+00 : f32
      %parallel_loop3A_98 = vector.broadcast %parallel_loop3A_97 : f32 to vector<16xf32>
      %parallel_loop3A_99 = arith.subf %parallel_loop3A_98, %parallel_loop3A_96 : vector<16xf32>
      tpu.vector_store_idx %arg5[%parallel_loop3A_71, %get3A_5], %parallel_loop3A_99 : memref<32x1024xf32, #tpu.memory_space<vmem>>[vector<16xi32>, vector<16xi32>], vector<16xf32>,
      %parallel_loop3A_100 = tpu.vector_load_idx %arg5[%parallel_loop3A_71, %get3A_7] : memref<32x1024xf32, #tpu.memory_space<vmem>>[vector<16xi32>, vector<16xi32>], vector<16xf32>,
      %parallel_loop3A_101 = arith.constant 2.000000e+00 : f32
      %parallel_loop3A_102 = vector.broadcast %parallel_loop3A_101 : f32 to vector<16xf32>
      %parallel_loop3A_103 = arith.mulf %parallel_loop3A_100, %parallel_loop3A_102 : vector<16xf32>
      %parallel_loop3A_104 = math.exp %parallel_loop3A_103 : vector<16xf32>
      %parallel_loop3A_105 = arith.constant 1.000000e+00 : f32
      %parallel_loop3A_106 = vector.broadcast %parallel_loop3A_105 : f32 to vector<16xf32>
      %parallel_loop3A_107 = arith.addf %parallel_loop3A_104, %parallel_loop3A_106 : vector<16xf32>
      %parallel_loop3A_108 = arith.constant 2.000000e+00 : f32
      %parallel_loop3A_109 = vector.broadcast %parallel_loop3A_108 : f32 to vector<16xf32>
      %parallel_loop3A_110 = arith.divf %parallel_loop3A_109, %parallel_loop3A_107 : vector<16xf32>
      %parallel_loop3A_111 = arith.constant 1.000000e+00 : f32
      %parallel_loop3A_112 = vector.broadcast %parallel_loop3A_111 : f32 to vector<16xf32>
      %parallel_loop3A_113 = arith.subf %parallel_loop3A_112, %parallel_loop3A_110 : vector<16xf32>
      tpu.vector_store_idx %arg5[%parallel_loop3A_71, %get3A_7], %parallel_loop3A_113 : memref<32x1024xf32, #tpu.memory_space<vmem>>[vector<16xi32>, vector<16xi32>], vector<16xf32>,
      %parallel_loop3A_114 = tpu.vector_load_idx %arg5[%parallel_loop3A_71, %get3A_9] : memref<32x1024xf32, #tpu.memory_space<vmem>>[vector<16xi32>, vector<16xi32>], vector<16xf32>,
      %parallel_loop3A_115 = arith.constant 2.000000e+00 : f32
      %parallel_loop3A_116 = vector.broadcast %parallel_loop3A_115 : f32 to vector<16xf32>
      %parallel_loop3A_117 = arith.mulf %parallel_loop3A_114, %parallel_loop3A_116 : vector<16xf32>
      %parallel_loop3A_118 = math.exp %parallel_loop3A_117 : vector<16xf32>
      %parallel_loop3A_119 = arith.constant 1.000000e+00 : f32
      %parallel_loop3A_120 = vector.broadcast %parallel_loop3A_119 : f32 to vector<16xf32>
      %parallel_loop3A_121 = arith.addf %parallel_loop3A_118, %parallel_loop3A_120 : vector<16xf32>
      %parallel_loop3A_122 = arith.constant 2.000000e+00 : f32
      %parallel_loop3A_123 = vector.broadcast %parallel_loop3A_122 : f32 to vector<16xf32>
      %parallel_loop3A_124 = arith.divf %parallel_loop3A_123, %parallel_loop3A_121 : vector<16xf32>
      %parallel_loop3A_125 = arith.constant 1.000000e+00 : f32
      %parallel_loop3A_126 = vector.broadcast %parallel_loop3A_125 : f32 to vector<16xf32>
      %parallel_loop3A_127 = arith.subf %parallel_loop3A_126, %parallel_loop3A_124 : vector<16xf32>
      tpu.vector_store_idx %arg5[%parallel_loop3A_71, %get3A_9], %parallel_loop3A_127 : memref<32x1024xf32, #tpu.memory_space<vmem>>[vector<16xi32>, vector<16xi32>], vector<16xf32>,
    } {sc.loop_unroll_factor = 2 : i64, sc.parallel_access}
    %add3A_40 = arith.constant 480 : i32
    %add3A_41 = arith.addi %mul3A_2, %add3A_40 : i32
    %dma_start3A_42 = arith.constant 0 : i32
    %dma_start3A_43 = tpu.memref_slice %arg4[%add3A_41, %dma_start3A_42] : memref<16384x1024xf32, #tpu.memory_space<hbm>> -> memref<32x1024xf32, #tpu.memory_space<hbm>>
    %dma_start3A_44 = arith.constant 0 : i32
    %dma_start3A_45 = tpu.memref_slice %arg4[%add3A_41, %dma_start3A_44] : memref<16384x1024xf32, #tpu.memory_space<hbm>> -> memref<32x1024xf32, #tpu.memory_space<hbm>>
    tpu.enqueue_dma source(%arg5 : memref<32x1024xf32, #tpu.memory_space<vmem>>) target(%dma_start3A_45 : memref<32x1024xf32, #tpu.memory_space<hbm>>) target_semaphore(%arg12 : memref<!tpu.dma_semaphore, #tpu.memory_space<semaphore_mem>>)
    %and3A = arith.constant true
    %and3A_46 = arith.constant false
    %and3A_47 = arith.andi %and3A, %and3A_46 : i1
    %convert_element_type3A = arith.extui %and3A_47 : i1 to i32
    %cond3A = arith.constant 0 : i32
    %cond3A_48 = arith.cmpi ne, %convert_element_type3A, %cond3A : i32
    scf.if %cond3A_48 {
      %add3A_67 = arith.constant 448 : i32
      %add3A_68 = arith.addi %mul3A_2, %add3A_67 : i32
      %dma_wait3A_69 = arith.constant 0 : i32
      %dma_wait3A_70 = tpu.memref_slice %arg4[%add3A_68, %dma_wait3A_69] : memref<16384x1024xf32, #tpu.memory_space<hbm>> -> memref<32x1024xf32, #tpu.memory_space<hbm>>
      %dma_wait3A_71 = arith.constant 0 : i32
      %dma_wait3A_72 = tpu.memref_slice %arg4[%add3A_68, %dma_wait3A_71] : memref<16384x1024xf32, #tpu.memory_space<hbm>> -> memref<32x1024xf32, #tpu.memory_space<hbm>>
      tpu.wait_dma2 semaphore(%arg14 : memref<!tpu.dma_semaphore, #tpu.memory_space<semaphore_mem>>) src(%arg7 : memref<32x1024xf32, #tpu.memory_space<vmem>>) dst(%dma_wait3A_72 : memref<32x1024xf32, #tpu.memory_space<hbm>>)
      %add3A_73 = arith.constant 544 : i32
      %add3A_74 = arith.addi %mul3A_2, %add3A_73 : i32
      %dma_start3A_75 = arith.constant 0 : i32
      %dma_start3A_76 = tpu.memref_slice %arg2[%add3A_74, %dma_start3A_75] : memref<16384x1024xf32, #tpu.memory_space<hbm>> -> memref<32x1024xf32, #tpu.memory_space<hbm>>
      %dma_start3A_77 = arith.constant 0 : i32
      %dma_start3A_78 = tpu.memref_slice %arg2[%add3A_74, %dma_start3A_77] : memref<16384x1024xf32, #tpu.memory_space<hbm>> -> memref<32x1024xf32, #tpu.memory_space<hbm>>
      tpu.enqueue_dma source(%dma_start3A_78 : memref<32x1024xf32, #tpu.memory_space<hbm>>) target(%arg7 : memref<32x1024xf32, #tpu.memory_space<vmem>>) target_semaphore(%arg11 : memref<!tpu.dma_semaphore, #tpu.memory_space<semaphore_mem>>)
    } else {
    }
    %add3A_49 = arith.constant 416 : i32
    %add3A_50 = arith.addi %mul3A_2, %add3A_49 : i32
    %dma_wait3A_51 = arith.constant 0 : i32
    %dma_wait3A_52 = tpu.memref_slice %arg4[%add3A_50, %dma_wait3A_51] : memref<16384x1024xf32, #tpu.memory_space<hbm>> -> memref<32x1024xf32, #tpu.memory_space<hbm>>
    %dma_wait3A_53 = arith.constant 0 : i32
    %dma_wait3A_54 = tpu.memref_slice %arg4[%add3A_50, %dma_wait3A_53] : memref<16384x1024xf32, #tpu.memory_space<hbm>> -> memref<32x1024xf32, #tpu.memory_space<hbm>>
    tpu.wait_dma2 semaphore(%arg13 : memref<!tpu.dma_semaphore, #tpu.memory_space<semaphore_mem>>) src(%arg6 : memref<32x1024xf32, #tpu.memory_space<vmem>>) dst(%dma_wait3A_54 : memref<32x1024xf32, #tpu.memory_space<hbm>>)
    %add3A_55 = arith.constant 448 : i32
    %add3A_56 = arith.addi %mul3A_2, %add3A_55 : i32
    %dma_wait3A_57 = arith.constant 0 : i32
    %dma_wait3A_58 = tpu.memref_slice %arg4[%add3A_56, %dma_wait3A_57] : memref<16384x1024xf32, #tpu.memory_space<hbm>> -> memref<32x1024xf32, #tpu.memory_space<hbm>>
    %dma_wait3A_59 = arith.constant 0 : i32
    %dma_wait3A_60 = tpu.memref_slice %arg4[%add3A_56, %dma_wait3A_59] : memref<16384x1024xf32, #tpu.memory_space<hbm>> -> memref<32x1024xf32, #tpu.memory_space<hbm>>
    tpu.wait_dma2 semaphore(%arg14 : memref<!tpu.dma_semaphore, #tpu.memory_space<semaphore_mem>>) src(%arg7 : memref<32x1024xf32, #tpu.memory_space<vmem>>) dst(%dma_wait3A_60 : memref<32x1024xf32, #tpu.memory_space<hbm>>)
    %add3A_61 = arith.constant 480 : i32
    %add3A_62 = arith.addi %mul3A_2, %add3A_61 : i32
    %dma_wait3A_63 = arith.constant 0 : i32
    %dma_wait3A_64 = tpu.memref_slice %arg4[%add3A_62, %dma_wait3A_63] : memref<16384x1024xf32, #tpu.memory_space<hbm>> -> memref<32x1024xf32, #tpu.memory_space<hbm>>
    %dma_wait3A_65 = arith.constant 0 : i32
    %dma_wait3A_66 = tpu.memref_slice %arg4[%add3A_62, %dma_wait3A_65] : memref<16384x1024xf32, #tpu.memory_space<hbm>> -> memref<32x1024xf32, #tpu.memory_space<hbm>>
    tpu.wait_dma2 semaphore(%arg12 : memref<!tpu.dma_semaphore, #tpu.memory_space<semaphore_mem>>) src(%arg5 : memref<32x1024xf32, #tpu.memory_space<vmem>>) dst(%dma_wait3A_66 : memref<32x1024xf32, #tpu.memory_space<hbm>>)
    return
  }
}

</mosaic_0001>

<sc_bundles>
// kernel: kernel.3.cloned.1.call-start
scs
__scs_entry_jumppad:
0x0: {  	(pc) =	sbr.rel $0x88, $3  }
0x1: {  	(tag) =	ssettag $0x0;
	lr =	simm.s32 $0x1  }
0x2: {  	[smem:$0x3F9F] =	sst lr;
	_ =	strace $0xD0000000  }
0x3: {  	_ = 	snop  }
0x4: {  	_ = 	snop  }
0x5: {  	_ = 	snop  }
0x6: {  	_ = 	snop  }
0x7: {  	_ = 	snop  }
__scs_overlays_trampoline_lowered:
0x8: {  	[smem:$0x3FAE] =	sst s0  }
0x9: {  	[smem:$0x3FAF] =	sst s1  }
0xa: {  	[smem:$0x3FB0] =	sst s2  }
0xb: {  	[smem:$0x3FB1] =	sst s3  }
0xc: {  	[smem:$0x3FB2] =	sst s4  }
0xd: {  	[smem:$0x3FB3] =	sst s5  }
0xe: {  	[smem:$0x3FB4] =	sst s6  }
0xf: {  	[smem:$0x3FB5] =	sst s7  }
0x10: {  	[smem:$0x3FB6] =	sst s8  }
0x11: {  	[smem:$0x3FB7] =	sst s9;
	s0 =	simm.s32 @!p0 $0x0  }
0x12: {  	s1 =	sld [smem:$0x3F9D];
	s0 =	simm.s32 @p0 $0x1  }
0x13: {  	[smem:$0x3FB8] =	sst s0;
	s0 =	simm.s32 @!p1 $0x0  }
0x14: {  	s2 =	sld [smem:$0x3F9C];
	s0 =	simm.s32 @p1 $0x1  }
0x15: {  	[smem:$0x3FB9] =	sst s0;
	s0 =	simm.s32 @!p2 $0x0  }
0x16: {  	s3 =	sld [smem:$0x3FDB];
	s0 =	simm.s32 @p2 $0x1  }
0x17: {  	s4 =	simm.s32 $0x1BF5;
	[smem:$0x3FBB] =	sst s0  }
0x18: {  	s0 =	sld [smem:$0x3F9E];
	_ =	swait.ge [sflag:s4], $0x0  }
0x19: {  	s7 =	sld [smem:$0x3F9F]  }
0x1a: {  	s8 =	sadd.s32 $0xFFFFE003, lr  }
0x1b: {  	s9 =	sadd.s32 $0xFFFFFEF7, lr;
	s5 =	simm.s32 $0xFFFFFFFF;
	p2 =	slt.u32 s8, $0xFFFFF086  }
0x1c: {  	p1 =	slt.u32 s9, $0xF7A;
	s5 =	simm.s32 @!p2 $0x0  }
0x1d: {  	s5 =	simm.s32 @p1 $0x1;
	p0 =	seq.s32 s7, s2  }
0x1e: {  	s7 =	smul.u32 @!p0 $0xF7A, s2;
	p2 =	seq.s32 @!p0 s5, $0x0  }
0x1f: {  	s9 =	smul.u32 $0xF7A, s1;
	s8 =	simm.s32 @!p0 $0x1BF5;
	p2 =	por !p2, p0  }
0x20: {  	[sflag:s8] =	ssyncset.s32 @!p0 $0xFFFFF086;
	s6 =	sadd.s32 @!p0 s3, s7;
	s7 =	simm.s32 @!p0 $0x108  }
0x21: {  	s3 =	sadd.s32 s3, s9;
	s6 =	sadd.s32 @!p0 $0x88, s6;
	s7 =	simm.s32 @p2 $0x1082  }
0x22: {  	[simem:s7], [sflag:s8] =	dma.local @!p0 [hbm:s6], $0xF7A  }
0x23: {  	s9 =	sor.u32 $0xD0000000, s2;
	s6 =	simm.s32 $0x108;
	_ =	swait.ge @!p0 [sflag:s8], $0x0  }
0x24: {  	s3 =	sadd.s32 $0x88, s3;
	s6 =	simm.s32 @!p1 $0x1082;
	[sflag:s4] =	ssyncset.s32 $0xFFFFF086  }
0x25: {  	[simem:s6], [sflag:s4] =	dma.local [hbm:s3], $0xF7A  }
0x26: {  	[smem:$0x3F9F] =	sst s1;
	(tag) =	ssettag s2;
	_ =	strace s9  }
0x27: {  	s1 =	sld [smem:$0x3FAF]  }
0x28: {  	s2 =	sld [smem:$0x3FB0]  }
0x29: {  	s4 =	sld [smem:$0x3FB2]  }
0x2a: {  	p0 =	seq.s32 s5, $0x0;
	s5 =	sld [smem:$0x3FB3]  }
0x2b: {  	s6 =	sld [smem:$0x3FB4]  }
0x2c: {  	s7 =	sld [smem:$0x3FB5]  }
0x2d: {  	s3 =	simm.s32 $0x108;
	s8 =	sld [smem:$0x3FB6]  }
0x2e: {  	s3 =	simm.s32 @!p0 $0x1082;
	s9 =	sld [smem:$0x3FB7]  }
0x2f: {  	lr =	sadd.s32 s0, s3;
	s0 =	sld [smem:$0x3FAE]  }
0x30: {  	s3 =	sld [smem:$0x3FB1]  }
0x31: {  	[smem:$0x3FBA] =	sst s10  }
0x32: {  	s10 =	sld [smem:$0x3FB8];
	_ =	sdelay $0x3  }
0x33: {  	p0 =	seq.s32 s10, $0x1;
	s10 =	sld [smem:$0x3FBA];
	_ =	sdelay $0x3  }
0x34: {  	[smem:$0x3FBA] =	sst s10  }
0x35: {  	s10 =	sld [smem:$0x3FB9];
	_ =	sdelay $0x3  }
0x36: {  	p1 =	seq.s32 s10, $0x1;
	s10 =	sld [smem:$0x3FBA];
	_ =	sdelay $0x3  }
0x37: {  	[smem:$0x3FBA] =	sst s10  }
0x38: {  	s10 =	sld [smem:$0x3FBB]  }
0x39: {  	_ = 	snop;
	(pc) =	sbr.ind lr, $3  }
0x3a: {  	_ = 	snop  }
0x3b: {  	_ = 	snop  }
0x3c: {  	p2 =	seq.s32 s10, $0x1;
	s10 =	sld [smem:$0x3FBA]  }
0x3d: {  	_ =	shalt  }
0x3e: {  	_ =	shalt  }
0x3f: {  	_ =	shalt  }
0x40: {  	_ =	shalt  }
0x41: {  	_ =	shalt  }
0x42: {  	_ =	shalt  }
0x43: {  	_ =	shalt  }
0x44: {  	_ =	shalt  }
0x45: {  	_ =	shalt  }
0x46: {  	_ =	shalt  }
0x47: {  	_ =	shalt  }
0x48: {  	_ =	shalt  }
0x49: {  	_ =	shalt  }
0x4a: {  	_ =	shalt  }
0x4b: {  	_ =	shalt  }
0x4c: {  	_ =	shalt  }
0x4d: {  	_ =	shalt  }
0x4e: {  	_ =	shalt  }
0x4f: {  	_ =	shalt  }
0x50: {  	_ =	shalt  }
0x51: {  	_ =	shalt  }
0x52: {  	_ =	shalt  }
0x53: {  	_ =	shalt  }
0x54: {  	_ =	shalt  }
0x55: {  	_ =	shalt  }
0x56: {  	_ =	shalt  }
0x57: {  	_ =	shalt  }
0x58: {  	_ =	shalt  }
0x59: {  	_ =	shalt  }
0x5a: {  	_ =	shalt  }
0x5b: {  	_ =	shalt  }
0x5c: {  	_ =	shalt  }
0x5d: {  	_ =	shalt  }
0x5e: {  	_ =	shalt  }
0x5f: {  	_ =	shalt  }
0x60: {  	_ =	shalt  }
0x61: {  	_ =	shalt  }
0x62: {  	_ =	shalt  }
0x63: {  	_ =	shalt  }
0x64: {  	_ =	shalt  }
0x65: {  	_ =	shalt  }
0x66: {  	_ =	shalt  }
0x67: {  	_ =	shalt  }
0x68: {  	_ =	shalt  }
0x69: {  	_ =	shalt  }
0x6a: {  	_ =	shalt  }
0x6b: {  	_ =	shalt  }
0x6c: {  	_ =	shalt  }
0x6d: {  	_ =	shalt  }
0x6e: {  	_ =	shalt  }
0x6f: {  	_ =	shalt  }
0x70: {  	_ =	shalt  }
0x71: {  	_ =	shalt  }
0x72: {  	_ =	shalt  }
0x73: {  	_ =	shalt  }
0x74: {  	_ =	shalt  }
0x75: {  	_ =	shalt  }
0x76: {  	_ =	shalt  }
0x77: {  	_ =	shalt  }
0x78: {  	_ =	shalt  }
0x79: {  	_ =	shalt  }
0x7a: {  	_ =	shalt  }
0x7b: {  	_ =	shalt  }
0x7c: {  	_ =	shalt  }
0x7d: {  	_ =	shalt  }
0x7e: {  	_ =	shalt  }
0x7f: {  	_ =	shalt  }
0x80: {  	_ =	shalt  }
0x81: {  	_ =	shalt  }
0x82: {  	_ =	shalt  }
0x83: {  	_ =	shalt  }
0x84: {  	_ =	shalt  }
0x85: {  	_ =	shalt  }
0x86: {  	_ =	shalt  }
0x87: {  	_ =	shalt  }
.Lfunc_end0:
.L_simem_size_0:
called_computation_lowered:
.L_overlay_start_0:
0x88: {  	s2 =	sld [smem:$0x3FD9]  }
0x89: {  	s3 =	sld [smem:$0x3FFE];
	_ =	sdelay $0x1  }
0x8a: {  	s1 =	srdreg.scid  }
0x8b: {  	s0 =	sand.u32 $0x1, s1  }
0x8c: {  	s18 =	sshll.u32 s0, $0xA;
	s2 =	sadd.s32 s3, s2  }
0x8d: {  	s2 =	sadd.s32 s2, s18  }
0x8e: {  	[smem:$0x3FC6] =	sst s2  }
0x8f: {  	_ = 	snop  }
0x90: {  	s2 =	sld [smem:$0x3FC9]  }
0x91: {  	s19 =	sld [smem:$0x3FC8]  }
0x92: {  	s4 =	sld [smem:$0x3FD0];
	(tm) =	ssettm $0x1  }
0x93: {  	s5 =	sld [smem:$0x3FFB];
	_ =	sdelay $0x3  }
0x94: {  	_ =	strace s5  }
0x95: {  	s5 =	sld [smem:$0x3FFC];
	_ =	sdelay $0x3  }
0x96: {  	_ =	strace s5  }
0x97: {  	s5 =	sld [smem:$0x3FFD];
	_ =	sdelay $0x3  }
0x98: {  	_ =	strace s5  }
0x99: {  	_ =	strace $0x8FFFFFFF  }
0x9a: {  	s20 =	sld [smem:$0x3FDB];
	_ =	sdelay $0x1  }
0x9b: {  	s6 =	simm.s32 $_scs_section_size  }
0x9c: {  	s7 =	simm.s32 $_size__tile_overlayer_lowered;
	s8 =	simm.s32 $_tile_overlayer_lowered  }
0x9d: {  	s23 =	simm.s32 $0x1BFF;
	s22 =	sshll.u32 s8, $0x1;
	s5 =	sadd.s32 s6, s20  }
0x9e: {  	s9 =	simm.s32 $0x0;
	s21 =	sshll.u32 s7, $0x1;
	s7 =	sadd.s32 s22, s5  }
0x9f: {  	[timem:s9], [sflag:s23] =	dma.local [hbm:s7], s21  }
0xa0: {  	_ =	swait.ge [sflag:s23], s21  }
0xa1: {  	s6 =	ssub.s32 $0x0, s21;
	[sflag:s23] =	ssyncset.done $0x0  }
0xa2: {  	[sflag:s23] =	ssyncadd.s32 s6;
	_ =	sdelay $0x1  }
0xa3: {  	s24 =	simm.s32 $0x1B8B  }
0xa4: {  	_ =	swait.ge [sflag:s24], $0x1  }
0xa5: {  	[sflag:s24] =	ssyncset.done $0x0  }
0xa6: {  	s25 =	simm.s32 $0x1B8E;
	[sflag:s24] =	ssyncadd.s32 $0xFFFFFFFF  }
0xa7: {  	s26 =	simm.s32 $execute0_lowered;
	[smem:$0x3FD2] =	sst s25  }
0xa8: {  	s6 =	sshll.u32 s26, $0x1;
	_ =	strace $0x80000046;
	[dreg:$0x1] =	wrdreg $0xFFFFFFFF  }
0xa9: {  	s28 =	simm.s32 $_size_execute0_lowered;
	s5 =	sadd.s32 s5, s6;
	[dreg:$0x0] =	wrdreg $0x0  }
0xaa: {  	s6 =	sshll.u32 s28, $0x1;
	[dreg:$0x2] =	wrdreg s5  }
0xab: {  	[dreg:$0x3] =	wrdreg s6  }
0xac: {  	[dreg:$0x4] =	wrdreg $0xC0  }
0xad: {  	_ =	task [dreg:s9], $0x5FFFF  }
0xae: {  	[dreg:$0x1] =	wrdreg $0xFFFFFFFF  }
0xaf: {  	[dreg:$0x0] =	wrdreg $0x60  }
0xb0: {  	[dreg:$0x2] =	wrdreg s2  }
0xb1: {  	[dreg:$0x3] =	wrdreg s19  }
0xb2: {  	[dreg:$0x4] =	wrdreg s4  }
0xb3: {  	[dreg:$0x5] =	wrdreg $0x9  }
0xb4: {  	_ =	task.clear_ibuf [dreg:s9], $0x6FFFF;
	_ =	strace $0x90000046  }
0xb5: {  	s29 =	simm.s32 $0x9;
	_ =	strace $0x80000048  }
0xb6: {  	_ =	swait.ge [sflag:s29], $0x1  }
0xb7: {  	[sflag:s29] =	ssyncadd.s32 $0xFFFFFFFF  }
0xb8: {  	_ =	strace $0x90000048  }
0xb9: {  	_ =	sfence  }
0xba: {  	s30 =	sld [smem:$0x0];
	_ =	sdelay $0x2  }
0xbb: {  	s31 =	sshll.u32 s1, $0xD;
	s1 =	sshrl.u32 s1, $0x2  }
0xbc: {  	s3 =	sand.u32 $0x4000, s31;
	s1 =	sadd.s32 s1, s30  }
0xbd: {  	s0 =	sor.u32 s3, s0;
	s1 =	sshll.u32 s1, $0x11  }
0xbe: {  	s0 =	sor.u32 s1, s0  }
0xbf: {  	s0 =	sadd.s32 $0x8F2B, s0  }
0xc0: {  	[sflag:s0] =	ssyncadd.remote.s32 $0x1  }
0xc1: {  	_ =	sfence.sel $0xFFFF  }
0xc2: {  	[dreg:$0x0] =	wrdreg $0xFFFFFFFF;
	(pc) =	sbr.abs _section_cstart, $3  }
0xc3: {  	[dreg:$0x1] =	wrdreg $0xFFFFFFFF  }
0xc4: {  	_ =	task.clear_ibuf [dreg:s9], $0x2FFFF;
	_ =	strace $0x9FFFFFFF  }
0xc5: {  	(tm) =	ssettm $0x7FFFFFFF  }
tec
execute0_lowered:
.L_overlay_start_1:
0x0: {  	(tag) =	ssettag $0x1  }
0x1: {  	s1 =	rddreg [dreg:$0x0]  }
0x2: {  	s2 =	srdreg.scid;
	s3 =	rddreg [dreg:$0x1]  }
0x3: {  	s0 =	stileid.u32;
	s4 =	rddreg [dreg:$0x2];
	s16 =	simm.s32 $0x18000  }
0x4: {  	s17 =	simm.s32 $0x7;
	s18 =	simm.s32 $0x8000;
	s19 =	simm.s32 $0x10000  }
0x5: {  	s20 =	simm.s32 $0x1;
	s21 =	simm.s32 $0x2;
	s22 =	simm.s32 $0x4  }
0x6: {  	s23 =	simm.s32 $0x3;
	s24 =	simm.s32 $0x5;
	s2 =	sand.u32 $0x1, s2  }
0x7: {  	s25 =	simm.s32 $0x6;
	s5 =	sshll.u32 s0, $0xA;
	s6 =	sshll.u32 s2, $0x9  }
0x8: {  	s26 =	simm.s32 $0x0;
	s2 =	ssub.s32 $0x2, s2;
	s5 =	sor.u32 s6, s5  }
0x9: {  	s6 =	simm.s32 $0x0;
	s8 =	sshrl.u32 s2, $0x1;
	s11 =	sshll.u32 s5, $0x7  }
0xa: {  	[smem:$0x7FF] =	sst s6;
	s2 =	ssub.s32 s2, s8;
	s10 =	sor.u32 $0x20, s5  }
0xb: {  	s12 =	sor.u32 $0x60, s5;
	s13 =	sor.u32 $0x80, s5;
	s7 =	sadd.s32 s1, s11  }
0xc: {  	_ =	strace $0x80000047;
	s11 =	sadd.s32 s4, s11;
	s15 =	smax.u32 s2, $0x1  }
0xd: {  	s8 =	sadd.s32 $0x1000, s7;
	s9 =	sadd.s32 $0x2000, s7;
	s14 =	sadd.s32 $0xF000, s11  }
.LBB2_1:
0xe: {  	[tilespmem:s16], [sflag:$0x7] =	stream.linear.gather [hbm4b:s3+s6], $0x80, $0x38;
	[tilespmem:$0x18080] =	vst v63  }
0xf: {  	_ =	swait.ge [sflag:s17], $0x80  }
0x10: {  	[sflag:s17] =	ssyncset.done $0x0  }
0x11: {  	[sflag:s17] =	ssyncadd.s32 $0xFFFFFF80  }
0x12: {  	v0 =	vld [tilespmem:$0x18000]  }
0x13: {  	v1 =	vld [tilespmem:$0x18010]  }
0x14: {  	v8 =	vld [tilespmem:$0x18030]  }
0x15: {  	v3 =	vld [tilespmem:$0x18020];
	_ =	sdelay $0x1  }
0x16: {  	[tilespmem:s6], [sflag:$0x1] =	stream.linear.gather [hbm4b:s7+s6], $0x8000, $0x38;
	[tilespmem:$0x18080] =	vst v63  }
0x17: {  	v6 =	vand.u32 $0x7F, v0;
	v0 =	vshll.u32 v0, $0x3;
	v2 =	vshll.u32 v1, $0x3  }
0x18: {  	[tilespmem:s18], [sflag:$0x2] =	stream.linear.gather [hbm4b:s8+s6], $0x8000, $0x38;
	v4 =	vand.u32 $0x7F, v1;
	v1 =	vshll.u32 v8, $0x3;
	v7 =	vand.u32 $0xFFFFFC00, v0;
	[tilespmem:$0x18080] =	vst v63  }
0x19: {  	s28 =	simm.s32 $0x0;
	v5 =	vand.u32 $0xFFFFFC00, v2;
	v2 =	vand.u32 $0x7F, v3;
	v0 =	vshll.u32 v3, $0x3  }
0x1a: {  	[tilespmem:s19], [sflag:$0x3] =	stream.linear.gather [hbm4b:s9+s6], $0x8000, $0x38;
	v1 =	vand.u32 $0xFFFFFC00, v1;
	v3 =	vand.u32 $0xFFFFFC00, v0;
	v0 =	vand.u32 $0x7F, v8;
	[tilespmem:$0x18080] =	vst v63  }
.LBB2_2:
0x1b: {  	s2 =	simm.s32 $0x1  }
0x1c: {  	v8 =	vmov s2  }
0x1d: {  	v9 =	vshll.u32 v8, $0xA  }
0x1e: {  	v8 =	vshll.u32 v8, $0x7;
	v9 =	vand.u32 $0x6000, v9  }
0x1f: {  	v14 =	vand.u32 $0x380, v8;
	v10 =	vadd.s32 v7, v9  }
0x20: {  	v8 =	vor.u32 v14, v10  }
0x21: {  	v8 =	vor.u32 v6, v8;
	_ =	sdelay $0x1  }
0x22: {  	_ =	swait.ge [sflag:s20], $0x8000  }
0x23: {  	[sflag:s20] =	ssyncset.done $0x0  }
0x24: {  	[sflag:s20] =	ssyncadd.s32 $0xFFFF8000  }
0x25: {  	v10 =	vld.idx.msk [tilespmem:v8+s6+$0x0], $0xffff;
	_ =	sdelay $0x4  }
0x26: {  	v10 =	vadd.f32 v10, v10;
	_ =	sdelay $0x1  }
0x27: {  	v10 =	vmul.f32 $1.442695020e+00, v10;
	_ =	sdelay $0x1  }
0x28: {  	s30 =	simm.s32 $0x0;
	(erf) = vpow2.f32 v10  }
0x29: {  	v10 =	vmov s30  }
0x2a: {  	v11 =	vshll.u32 v10, $0xA  }
0x2b: {  	v10 =	vshll.u32 v10, $0x7;
	v15 =	vand.u32 $0x6000, v11  }
0x2c: {  	v10 =	vand.u32 $0x300, v10;
	v11 =	vadd.s32 v7, v15  }
0x2d: {  	v11 =	vor.u32 v10, v11  }
0x2e: {  	v12 =	vor.u32 v6, v11  }
0x2f: {  	s31 =	simm.s32 $0x3  }
0x30: {  	v11 =	vmov s31  }
0x31: {  	v16 =	vshll.u32 v11, $0xA;
	v13 =	vpop (erf)  }
0x32: {  	v11 =	vshll.u32 v11, $0x7;
	v16 =	vand.u32 $0x6000, v16;
	v13 =	vadd.f32 $1.000000000e+00, v13  }
0x33: {  	v11 =	vand.u32 $0x380, v11;
	v17 =	vadd.s32 v7, v16;
	v18 =	vld.idx.msk [tilespmem:v12+s6+$0x0], $0xffff  }
0x34: {  	(erf) = vrcp.f32 v13;
	v13 =	vor.u32 v11, v17  }
0x35: {  	v17 =	vor.u32 v6, v13;
	_ =	sdelay $0x2  }
0x36: {  	v13 =	vadd.f32 v18, v18;
	_ =	sdelay $0x1  }
0x37: {  	v13 =	vmul.f32 $1.442695020e+00, v13;
	v18 =	vld.idx.msk [tilespmem:v17+s6+$0x0], $0xffff;
	_ =	sdelay $0x2  }
0x38: {  	v19 =	vadd.s32 v5, v9;
	(erf) = vpow2.f32 v13  }
0x39: {  	v19 =	vor.u32 v14, v19;
	v13 =	vpop (erf)  }
0x3a: {  	v19 =	vor.u32 v4, v19;
	v13 =	vadd.f32 v13, v13;
	v18 =	vadd.f32 v18, v18;
	_ =	sdelay $0x1  }
0x3b: {  	v13 =	vsub.f32 $1.000000000e+00, v13;
	v18 =	vmul.f32 $1.442695020e+00, v18  }
0x3c: {  	s0 =	simm.s32 $0x2  }
0x3d: {  	[tilespmem:v8+s6+$0x0] =	vst.idx.msk $0xffff, v13;
	v13 =	vmov s0;
	(erf) = vpow2.f32 v18  }
0x3e: {  	v8 =	vld.idx.msk [tilespmem:v19+s6+$0x0], $0xffff;
	v18 =	vshll.u32 v13, $0xA  }
0x3f: {  	v13 =	vshll.u32 v13, $0x7;
	v18 =	vand.u32 $0x6000, v18  }
0x40: {  	v20 =	vpop (erf);
	v21 =	vand.u32 $0x300, v13;
	v13 =	vadd.s32 v7, v18  }
0x41: {  	v20 =	vadd.f32 $1.000000000e+00, v20;
	v13 =	vor.u32 v21, v13  }
0x42: {  	v22 =	vor.u32 v6, v13  }
0x43: {  	(erf) = vrcp.f32 v20;
	v8 =	vadd.f32 v8, v8  }
0x44: {  	s30 =	simm.s32 $0x5  }
0x45: {  	v13 =	vmov s30;
	v8 =	vmul.f32 $1.442695020e+00, v8  }
0x46: {  	v23 =	vshll.u32 v13, $0xA;
	v13 =	vshll.u32 v13, $0x7;
	v20 =	vpop (erf)  }
0x47: {  	v23 =	vand.u32 $0x6000, v23;
	(erf) = vpow2.f32 v8;
	v8 =	vadd.f32 $1.000000000e+00, v20;
	v20 =	vld.idx.msk [tilespmem:v22+s6+$0x0], $0xffff  }
0x48: {  	v25 =	vand.u32 $0x380, v13;
	v24 =	vadd.s32 v7, v23  }
0x49: {  	(erf) = vrcp.f32 v8;
	v8 =	vor.u32 v25, v24  }
0x4a: {  	v26 =	vor.u32 v6, v8  }
0x4b: {  	v8 =	vadd.s32 v5, v15  }
0x4c: {  	v24 =	vpop (erf);
	v8 =	vor.u32 v10, v8;
	v20 =	vadd.f32 v20, v20  }
0x4d: {  	v13 =	vor.u32 v4, v8;
	v8 =	vadd.f32 v24, v24  }
0x4e: {  	v20 =	vmul.f32 $1.442695020e+00, v20  }
0x4f: {  	v8 =	vsub.f32 $1.000000000e+00, v8;
	v24 =	vld.idx.msk [tilespmem:v26+s6+$0x0], $0xffff  }
0x50: {  	(erf) = vpow2.f32 v20;
	v20 =	vadd.s32 v5, v16  }
0x51: {  	v27 =	vpop (erf);
	[tilespmem:v12+s6+$0x0] =	vst.idx.msk $0xffff, v8  }
0x52: {  	v27 =	vadd.f32 $1.000000000e+00, v27;
	v12 =	vld.idx.msk [tilespmem:v13+s6+$0x0], $0xffff  }
0x53: {  	v8 =	vor.u32 v11, v20;
	v20 =	vpop (erf)  }
0x54: {  	(erf) = vrcp.f32 v27;
	v20 =	vadd.f32 v20, v20;
	v24 =	vadd.f32 v24, v24  }
0x55: {  	v8 =	vor.u32 v4, v8  }
0x56: {  	v20 =	vsub.f32 $1.000000000e+00, v20;
	v24 =	vmul.f32 $1.442695020e+00, v24  }
0x57: {  	v27 =	vadd.s32 v3, v9;
	v12 =	vadd.f32 v12, v12  }
0x58: {  	s31 =	simm.s32 $0x4;
	[tilespmem:v17+s6+$0x0] =	vst.idx.msk $0xffff, v20;
	v17 =	vor.u32 v14, v27;
	(erf) = vpow2.f32 v24  }
0x59: {  	v24 =	vmov s31;
	v27 =	vadd.s32 v1, v9;
	v9 =	vmul.f32 $1.442695020e+00, v12  }
0x5a: {  	v20 =	vld.idx.msk [tilespmem:v8+s6+$0x0], $0xffff;
	v28 =	vshll.u32 v24, $0xA;
	v24 =	vshll.u32 v24, $0x7;
	v27 =	vor.u32 v14, v27  }
0x5b: {  	v14 =	vadd.s32 v3, v16;
	v12 =	vpop (erf);
	v30 =	vand.u32 $0x6000, v28;
	(erf) = vpow2.f32 v9  }
0x5c: {  	v31 =	vand.u32 $0x300, v24;
	v12 =	vadd.f32 $1.000000000e+00, v12;
	v24 =	vadd.s32 v7, v30  }
0x5d: {  	v9 =	vor.u32 v2, v17;
	v32 =	vor.u32 v11, v14;
	v28 =	vpop (erf);
	v24 =	vor.u32 v31, v24  }
0x5e: {  	v17 =	vadd.f32 v28, v28;
	(erf) = vrcp.f32 v12;
	v12 =	vor.u32 v6, v24  }
0x5f: {  	v24 =	vadd.s32 v3, v15;
	v15 =	vadd.s32 v1, v15;
	v20 =	vadd.f32 v20, v20  }
0x60: {  	s0 =	simm.s32 $0x7;
	v33 =	vor.u32 v10, v24;
	v10 =	vor.u32 v10, v15;
	v17 =	vsub.f32 $1.000000000e+00, v17  }
0x61: {  	v15 =	vadd.s32 v5, v18;
	v14 =	vmul.f32 $1.442695020e+00, v20;
	v20 =	vmov s0  }
0x62: {  	v15 =	vor.u32 v21, v15;
	[tilespmem:v19+s6+$0x0] =	vst.idx.msk $0xffff, v17;
	v17 =	vshll.u32 v20, $0xA  }
0x63: {  	v19 =	vpop (erf);
	(erf) = vpow2.f32 v14;
	v17 =	vand.u32 $0x6000, v17;
	v14 =	vshll.u32 v20, $0x7  }
0x64: {  	v28 =	vld.idx.msk [tilespmem:v9+s6+$0x0], $0xffff;
	v19 =	vadd.f32 $1.000000000e+00, v19;
	v20 =	vadd.s32 v7, v17;
	v34 =	vand.u32 $0x380, v14  }
0x65: {  	v29 =	vld.idx.msk [tilespmem:v12+s6+$0x0], $0xffff;
	v14 =	vor.u32 v34, v20  }
0x66: {  	v24 =	vpop (erf);
	(erf) = vrcp.f32 v19;
	v20 =	vor.u32 v6, v14  }
0x67: {  	s30 =	simm.s32 $0x6;
	v19 =	vor.u32 v4, v15;
	v14 =	vadd.s32 v1, v16;
	v16 =	vadd.f32 $1.000000000e+00, v24;
	v15 =	vpop (erf)  }
0x68: {  	v57 =	vmov s30;
	v15 =	vadd.f32 v15, v15  }
0x69: {  	v24 =	vadd.s32 v5, v23;
	v35 =	vadd.f32 v28, v28;
	(erf) = vrcp.f32 v16  }
0x6a: {  	v29 =	vadd.f32 v29, v29;
	v28 =	vor.u32 v11, v14;
	v15 =	vsub.f32 $1.000000000e+00, v15  }
0x6b: {  	v11 =	vor.u32 v25, v24;
	v16 =	vadd.s32 v3, v23;
	v14 =	vmul.f32 $1.442695020e+00, v35;
	v54 =	vld.idx.msk [tilespmem:v20+s6+$0x0], $0xffff  }
0x6c: {  	v24 =	vmul.f32 $1.442695020e+00, v29;
	v29 =	vor.u32 v25, v16;
	v16 =	vadd.s32 v3, v18;
	v36 =	vpop (erf);
	[tilespmem:v22+s6+$0x0] =	vst.idx.msk $0xffff, v15  }
0x6d: {  	(erf) = vpow2.f32 v14;
	v14 =	vadd.s32 v1, v18;
	v15 =	vadd.f32 $1.000000000e+00, v36;
	v18 =	vld.idx.msk [tilespmem:v19+s6+$0x0], $0xffff  }
0x6e: {  	v55 =	vor.u32 v21, v16;
	v22 =	vadd.s32 v5, v17;
	(erf) = vpow2.f32 v24  }
0x6f: {  	v16 =	vor.u32 v21, v14;
	v14 =	vadd.s32 v1, v23;
	v23 =	vpop (erf);
	(erf) = vrcp.f32 v15  }
0x70: {  	v24 =	vor.u32 v4, v11;
	v15 =	vadd.f32 v23, v23;
	v11 =	vadd.f32 v54, v54  }
0x71: {  	v58 =	vshll.u32 v57, $0xA;
	v38 =	vor.u32 v34, v22  }
0x72: {  	v15 =	vsub.f32 $1.000000000e+00, v15;
	v22 =	vpop (erf);
	v11 =	vmul.f32 $1.442695020e+00, v11;
	v18 =	vadd.f32 v18, v18  }
0x73: {  	v14 =	vor.u32 v25, v14;
	v25 =	vor.u32 v2, v33;
	v22 =	vadd.f32 v22, v22  }
0x74: {  	v39 =	vand.u32 $0x6000, v58;
	[tilespmem:v26+s6+$0x0] =	vst.idx.msk $0xffff, v15;
	(erf) = vpow2.f32 v11;
	v11 =	vmul.f32 $1.442695020e+00, v18  }
0x75: {  	v21 =	vadd.s32 v5, v30;
	v23 =	vadd.s32 v3, v30;
	v15 =	vld.idx.msk [tilespmem:v24+s6+$0x0], $0xffff;
	v18 =	vsub.f32 $1.000000000e+00, v22  }
0x76: {  	v56 =	vor.u32 v31, v21;
	v21 =	vadd.s32 v3, v17;
	v23 =	vor.u32 v31, v23;
	v26 =	vpop (erf)  }
0x77: {  	v22 =	vor.u32 v2, v32;
	v32 =	vadd.s32 v7, v39;
	v37 =	vpop (erf);
	[tilespmem:v13+s6+$0x0] =	vst.idx.msk $0xffff, v18  }
0x78: {  	v13 =	vshll.u32 v57, $0x7;
	(erf) = vpow2.f32 v11;
	v37 =	vadd.f32 $1.000000000e+00, v37;
	v18 =	vld.idx.msk [tilespmem:v25+s6+$0x0], $0xffff;
	v11 =	vpop (erf)  }
0x79: {  	v26 =	vadd.f32 $1.000000000e+00, v26;
	v13 =	vand.u32 $0x300, v13;
	v11 =	vadd.f32 v11, v11  }
0x7a: {  	v32 =	vor.u32 v13, v32;
	(erf) = vrcp.f32 v37;
	v59 =	vadd.f32 v15, v15  }
0x7b: {  	v33 =	vor.u32 v6, v32;
	v15 =	vadd.s32 v1, v30;
	v30 =	vsub.f32 $1.000000000e+00, v11  }
0x7c: {  	s31 =	simm.s32 $0x9;
	(erf) = vrcp.f32 v26;
	v11 =	vadd.s32 v1, v17;
	v17 =	vmul.f32 $1.442695020e+00, v59  }
0x7d: {  	v15 =	vor.u32 v31, v15;
	v26 =	vpop (erf);
	[tilespmem:v8+s6+$0x0] =	vst.idx.msk $0xffff, v30;
	v8 =	vadd.f32 v18, v18;
	v18 =	vmov s31  }
0x7e: {  	(erf) = vpow2.f32 v17;
	v26 =	vadd.f32 $1.000000000e+00, v26;
	v31 =	vshll.u32 v18, $0xA  }
0x7f: {  	v17 =	vmul.f32 $1.442695020e+00, v8;
	v31 =	vand.u32 $0x6000, v31;
	v8 =	vshll.u32 v18, $0x7  }
0x80: {  	v60 =	vadd.s32 v7, v31;
	v61 =	vand.u32 $0x380, v8  }
0x81: {  	v8 =	vor.u32 v0, v27;
	v27 =	vor.u32 v61, v60  }
0x82: {  	v30 =	vld.idx.msk [tilespmem:v22+s6+$0x0], $0xffff  }
0x83: {  	v18 =	vld.idx.msk [tilespmem:v33+s6+$0x0], $0xffff;
	(erf) = vrcp.f32 v26;
	v26 =	vpop (erf)  }
0x84: {  	v32 =	vor.u32 v6, v27;
	v27 =	vpop (erf)  }
0x85: {  	(erf) = vpow2.f32 v17;
	v26 =	vadd.f32 $1.000000000e+00, v26;
	v27 =	vadd.f32 v27, v27  }
0x86: {  	v37 =	vor.u32 v4, v56  }
0x87: {  	v30 =	vadd.f32 v30, v30;
	v40 =	vpop (erf);
	(erf) = vrcp.f32 v26;
	v27 =	vsub.f32 $1.000000000e+00, v27  }
0x88: {  	v18 =	vadd.f32 v18, v18  }
0x89: {  	v17 =	vadd.s32 v5, v39;
	v30 =	vmul.f32 $1.442695020e+00, v30;
	v26 =	vadd.f32 v40, v40;
	[tilespmem:v12+s6+$0x0] =	vst.idx.msk $0xffff, v27;
	v12 =	vpop (erf)  }
0x8a: {  	v63 =	vor.u32 v13, v17;
	v17 =	vmul.f32 $1.442695020e+00, v18;
	v12 =	vadd.f32 $1.000000000e+00, v12  }
0x8b: {  	(erf) = vpow2.f32 v30;
	v18 =	vsub.f32 $1.000000000e+00, v26;
	v27 =	vld.idx.msk [tilespmem:v37+s6+$0x0], $0xffff  }
0x8c: {  	v21 =	vor.u32 v34, v21;
	v11 =	vor.u32 v34, v11;
	v41 =	vld.idx.msk [tilespmem:v32+s6+$0x0], $0xffff;
	(erf) = vpow2.f32 v17  }
0x8d: {  	v62 =	vadd.s32 v5, v31;
	v30 =	vadd.s32 v3, v39;
	[tilespmem:v9+s6+$0x0] =	vst.idx.msk $0xffff, v18;
	v9 =	vpop (erf);
	(erf) = vrcp.f32 v12  }
0x8e: {  	v26 =	vadd.s32 v3, v31;
	v31 =	vadd.s32 v1, v31;
	v17 =	vor.u32 v13, v30;
	v12 =	vpop (erf)  }
0x8f: {  	v18 =	vor.u32 v61, v26;
	v26 =	vor.u32 v4, v38;
	v42 =	vadd.f32 $1.000000000e+00, v12  }
0x90: {  	v30 =	vld.idx.msk [tilespmem:v8+s6+$0x0], $0xffff;
	v9 =	vadd.f32 v9, v9;
	v12 =	vor.u32 v61, v31;
	v31 =	vadd.f32 v27, v27;
	v44 =	vpop (erf)  }
0x91: {  	v43 =	vadd.f32 v41, v41;
	v34 =	vadd.f32 v44, v44;
	(erf) = vrcp.f32 v42  }
0x92: {  	v9 =	vsub.f32 $1.000000000e+00, v9;
	v31 =	vmul.f32 $1.442695020e+00, v31  }
0x93: {  	s0 =	simm.s32 $0x8;
	v45 =	vmul.f32 $1.442695020e+00, v43;
	v27 =	vor.u32 v2, v55;
	v34 =	vsub.f32 $1.000000000e+00, v34  }
0x94: {  	v47 =	vmov s0;
	[tilespmem:v20+s6+$0x0] =	vst.idx.msk $0xffff, v9;
	v9 =	vor.u32 v0, v28;
	v20 =	vor.u32 v2, v29;
	v46 =	vpop (erf)  }
0x95: {  	v28 =	vadd.f32 v30, v30;
	v30 =	vld.idx.msk [tilespmem:v26+s6+$0x0], $0xffff;
	(erf) = vpow2.f32 v45;
	v29 =	vpop (erf);
	[tilespmem:v19+s6+$0x0] =	vst.idx.msk $0xffff, v34;
	v19 =	vshll.u32 v47, $0xA  }
0x96: {  	s30 =	simm.s32 $0xB;
	(erf) = vpow2.f32 v31;
	v31 =	vpop (erf);
	v50 =	vand.u32 $0x6000, v19  }
0x97: {  	v53 =	vmov s30;
	v19 =	vadd.f32 v31, v31;
	v31 =	vadd.s32 v7, v50  }
0x98: {  	v10 =	vor.u32 v0, v10;
	v48 =	vshll.u32 v47, $0x7;
	v29 =	vadd.f32 $1.000000000e+00, v29;
	v49 =	vld.idx.msk [tilespmem:v27+s6+$0x0], $0xffff  }
0x99: {  	v51 =	vand.u32 $0x300, v48;
	v36 =	vadd.f32 $1.000000000e+00, v46;
	v28 =	vmul.f32 $1.442695020e+00, v28  }
0x9a: {  	(erf) = vrcp.f32 v29;
	v30 =	vadd.f32 v30, v30;
	v29 =	vor.u32 v51, v31;
	v31 =	vpop (erf)  }
0x9b: {  	(erf) = vrcp.f32 v36;
	v19 =	vsub.f32 $1.000000000e+00, v19;
	v31 =	vadd.f32 v31, v31  }
0x9c: {  	v30 =	vmul.f32 $1.442695020e+00, v30;
	v29 =	vor.u32 v6, v29;
	(erf) = vpow2.f32 v28  }
0x9d: {  	v52 =	vadd.f32 v49, v49;
	[tilespmem:v24+s6+$0x0] =	vst.idx.msk $0xffff, v19;
	v24 =	vshll.u32 v53, $0xA;
	v19 =	vsub.f32 $1.000000000e+00, v31  }
0x9e: {  	v54 =	vpop (erf);
	(erf) = vpow2.f32 v30;
	v24 =	vand.u32 $0x6000, v24;
	v31 =	vshll.u32 v53, $0x7  }
0x9f: {  	v55 =	vld.idx.msk [tilespmem:v20+s6+$0x0], $0xffff;
	v30 =	vadd.f32 $1.000000000e+00, v54;
	v43 =	vand.u32 $0x380, v31;
	[tilespmem:v25+s6+$0x0] =	vst.idx.msk $0xffff, v19;
	v19 =	vadd.s32 v7, v24  }
0xa0: {  	v16 =	vor.u32 v0, v16;
	v14 =	vor.u32 v0, v14;
	v19 =	vor.u32 v43, v19  }
0xa1: {  	v39 =	vadd.s32 v1, v39;
	v56 =	vmul.f32 $1.442695020e+00, v52;
	v42 =	vld.idx.msk [tilespmem:v29+s6+$0x0], $0xffff;
	v25 =	vpop (erf);
	(erf) = vrcp.f32 v30  }
0xa2: {  	v35 =	vor.u32 v61, v62;
	v13 =	vor.u32 v13, v39;
	v44 =	vld.idx.msk [tilespmem:v10+s6+$0x0], $0xffff;
	v25 =	vadd.f32 $1.000000000e+00, v25  }
0xa3: {  	v39 =	vadd.s32 v1, v50;
	v31 =	vor.u32 v6, v19;
	v19 =	vpop (erf);
	(erf) = vpow2.f32 v56  }
0xa4: {  	v28 =	vadd.s32 v5, v50;
	v38 =	vadd.f32 v55, v55;
	v57 =	vpop (erf);
	(erf) = vrcp.f32 v25  }
0xa5: {  	v34 =	vor.u32 v51, v28;
	v28 =	vor.u32 v4, v63;
	v19 =	vadd.f32 v19, v19  }
0xa6: {  	v58 =	vadd.f32 v42, v42;
	v38 =	vmul.f32 $1.442695020e+00, v38;
	v36 =	vadd.f32 v57, v57  }
0xa7: {  	v63 =	vadd.s32 v3, v50;
	v59 =	vadd.f32 v44, v44;
	v19 =	vsub.f32 $1.000000000e+00, v19  }
0xa8: {  	v60 =	vadd.s32 v3, v24;
	v40 =	vmul.f32 $1.442695020e+00, v58;
	v25 =	vpop (erf);
	(erf) = vpow2.f32 v38;
	v61 =	vld.idx.msk [tilespmem:v31+s6+$0x0], $0xffff  }
0xa9: {  	v45 =	vpop (erf);
	v46 =	vadd.f32 $1.000000000e+00, v25;
	v36 =	vsub.f32 $1.000000000e+00, v36;
	v25 =	vmul.f32 $1.442695020e+00, v59;
	[tilespmem:v33+s6+$0x0] =	vst.idx.msk $0xffff, v19  }
0xaa: {  	v30 =	vadd.s32 v5, v24;
	(erf) = vpow2.f32 v40;
	v45 =	vadd.f32 $1.000000000e+00, v45;
	v44 =	vpop (erf);
	v62 =	vld.idx.msk [tilespmem:v28+s6+$0x0], $0xffff  }
0xab: {  	[tilespmem:v22+s6+$0x0] =	vst.idx.msk $0xffff, v36;
	(erf) = vpow2.f32 v25;
	v48 =	vadd.f32 v44, v44;
	v36 =	vor.u32 v4, v35  }
0xac: {  	v24 =	vadd.s32 v1, v24;
	v25 =	vor.u32 v51, v39;
	v35 =	vor.u32 v2, v23;
	v47 =	vld.idx.msk [tilespmem:v9+s6+$0x0], $0xffff;
	v49 =	vpop (erf)  }
0xad: {  	(erf) = vrcp.f32 v45;
	v33 =	vadd.f32 v61, v61;
	v39 =	vsub.f32 $1.000000000e+00, v48;
	v23 =	vpop (erf)  }
0xae: {  	(erf) = vrcp.f32 v46;
	v50 =	vadd.f32 $1.000000000e+00, v49;
	v23 =	vadd.f32 v23, v23  }
0xaf: {  	v30 =	vor.u32 v43, v30;
	v24 =	vor.u32 v43, v24;
	[tilespmem:v32+s6+$0x0] =	vst.idx.msk $0xffff, v39  }
0xb0: {  	v33 =	vmul.f32 $1.442695020e+00, v33;
	v38 =	vadd.f32 v62, v62;
	v52 =	vld.idx.msk [tilespmem:v36+s6+$0x0], $0xffff;
	(erf) = vrcp.f32 v50  }
0xb1: {  	v19 =	vor.u32 v43, v60;
	v22 =	vor.u32 v51, v63;
	v40 =	vadd.f32 v47, v47  }
0xb2: {  	s31 =	simm.s32 $0xA;
	v38 =	vmul.f32 $1.442695020e+00, v38;
	(erf) = vpow2.f32 v33;
	v51 =	vsub.f32 $1.000000000e+00, v23;
	v23 =	vpop (erf)  }
0xb3: {  	v33 =	vor.u32 v2, v21;
	v21 =	vmov s31;
	v55 =	vmul.f32 $1.442695020e+00, v40;
	v53 =	vpop (erf)  }
0xb4: {  	v57 =	vshll.u32 v21, $0xA;
	v21 =	vshll.u32 v21, $0x7;
	v54 =	vadd.f32 $1.000000000e+00, v23;
	v23 =	vpop (erf)  }
0xb5: {  	(erf) = vpow2.f32 v38;
	[tilespmem:v37+s6+$0x0] =	vst.idx.msk $0xffff, v51;
	v41 =	vadd.f32 v52, v52;
	v59 =	vadd.f32 $1.000000000e+00, v23  }
0xb6: {  	v21 =	vand.u32 $0x300, v21;
	v39 =	vld.idx.msk [tilespmem:v35+s6+$0x0], $0xffff;
	v56 =	vadd.f32 $1.000000000e+00, v53;
	v58 =	vpop (erf);
	v23 =	vand.u32 $0x6000, v57  }
0xb7: {  	v40 =	vmul.f32 $1.442695020e+00, v41;
	v60 =	vpop (erf);
	v61 =	vadd.s32 v7, v23;
	(erf) = vrcp.f32 v59  }
0xb8: {  	v38 =	vadd.f32 v58, v58;
	v62 =	vor.u32 v21, v61;
	(erf) = vrcp.f32 v56  }
0xb9: {  	v32 =	vadd.f32 v60, v60;
	v37 =	vor.u32 v6, v62;
	v63 =	vpop (erf);
	(erf) = vrcp.f32 v54  }
0xba: {  	s29 =	simm.s32 $0xC;
	v42 =	vsub.f32 $1.000000000e+00, v38;
	v41 =	vadd.f32 v63, v63;
	(erf) = vpow2.f32 v55  }
.LBB2_3:
0xbb: {  	s2 =	sadd.s32 $0x1, s29;
	v43 =	vadd.s32 v5, v23;
	v44 =	vpop (erf);
	v39 =	vadd.f32 v39, v39;
	v32 =	vsub.f32 $1.000000000e+00, v32  }
0xbc: {  	p0 =	slt.u32 s29, $0x1E;
	[tilespmem:v26+s6+$0x0] =	vst.idx.msk $0xffff, v42;
	v38 =	vmovc v25;
	v26 =	vmovc v36;
	v42 =	vmov v11;
	v11 =	vmov v12;
	v12 =	vmov v24;
	s30 =	smov.u32 s29;
	s29 =	sadd.s32 $0x2, s29  }
0xbd: {  	v24 =	vmov s2;
	v25 =	vadd.f32 $1.000000000e+00, v44;
	v36 =	vld.idx.msk [tilespmem:v33+s6+$0x0], $0xffff;
	v41 =	vsub.f32 $1.000000000e+00, v41  }
0xbe: {  	v44 =	vshll.u32 v24, $0xA;
	(erf) = vpow2.f32 v40;
	v40 =	vpop (erf);
	v39 =	vmul.f32 $1.442695020e+00, v39;
	[tilespmem:v8+s6+$0x0] =	vst.idx.msk $0xffff, v32  }
0xbf: {  	v43 =	vor.u32 v21, v43;
	v45 =	vshll.u32 v24, $0x7;
	v32 =	vand.u32 $0x6000, v44;
	v24 =	vld.idx.msk [tilespmem:v37+s6+$0x0], $0xffff;
	[tilespmem:v27+s6+$0x0] =	vst.idx.msk $0xffff, v41  }
0xc0: {  	v8 =	vmovc v9;
	v44 =	vand.u32 $0x380, v45;
	v27 =	vmovc v35;
	v46 =	vadd.s32 v7, v32;
	(erf) = vrcp.f32 v25;
	v25 =	vld.idx.msk [tilespmem:v16+s6+$0x0], $0xffff  }
0xc1: {  	v40 =	vadd.f32 $1.000000000e+00, v40;
	v35 =	vadd.s32 v5, v32;
	v47 =	vor.u32 v44, v46;
	v41 =	vpop (erf)  }
0xc2: {  	v46 =	vor.u32 v4, v34;
	v45 =	vor.u32 v6, v47;
	v9 =	vpop (erf);
	v49 =	vadd.f32 v41, v41  }
0xc3: {  	v36 =	vadd.f32 v36, v36;
	v50 =	vadd.f32 v9, v9;
	(erf) = vpow2.f32 v39;
	v39 =	vpop (erf)  }
0xc4: {  	v35 =	vor.u32 v44, v35;
	v39 =	vadd.f32 v39, v39;
	v41 =	vpop (erf);
	v47 =	vsub.f32 $1.000000000e+00, v49  }
0xc5: {  	v34 =	vmovc v43;
	v9 =	vmovc v14;
	v24 =	vadd.f32 v24, v24;
	v48 =	vsub.f32 $1.000000000e+00, v50;
	(erf) = vrcp.f32 v40  }
0xc6: {  	v36 =	vmul.f32 $1.442695020e+00, v36;
	v25 =	vadd.f32 v25, v25;
	v39 =	vsub.f32 $1.000000000e+00, v39;
	[tilespmem:v10+s6+$0x0] =	vst.idx.msk $0xffff, v47;
	v10 =	vmovc v16  }
0xc7: {  	v40 =	vadd.s32 v3, v32;
	v41 =	vadd.f32 $1.000000000e+00, v41;
	v49 =	vmul.f32 $1.442695020e+00, v24;
	v16 =	vld.idx.msk [tilespmem:v45+s6+$0x0], $0xffff;
	[tilespmem:v29+s6+$0x0] =	vst.idx.msk $0xffff, v48;
	v29 =	vpop (erf)  }
0xc8: {  	v25 =	vmul.f32 $1.442695020e+00, v25;
	v43 =	vld.idx.msk [tilespmem:v46+s6+$0x0], $0xffff;
	v47 =	vadd.f32 $1.000000000e+00, v29;
	(erf) = vpow2.f32 v36;
	[tilespmem:v20+s6+$0x0] =	vst.idx.msk $0xffff, v39;
	v20 =	vmovc v33  }
0xc9: {  	v40 =	vor.u32 v44, v40;
	v36 =	vadd.s32 v3, v23;
	(erf) = vpow2.f32 v49;
	v24 =	vpop (erf);
	v33 =	vld.idx.msk [tilespmem:v14+s6+$0x0], $0xffff  }
0xca: {  	v23 =	vadd.s32 v1, v23;
	v29 =	vmovc v37;
	v14 =	vor.u32 v21, v36;
	(erf) = vpow2.f32 v25  }
0xcb: {  	v25 =	vor.u32 v21, v23;
	v21 =	vadd.f32 v24, v24;
	(erf) = vrcp.f32 v47  }
0xcc: {  	v36 =	vor.u32 v4, v30;
	v23 =	vadd.s32 v1, v32;
	v30 =	vpop (erf);
	(erf) = vrcp.f32 v41  }
0xcd: {  	v24 =	vor.u32 v44, v23;
	v16 =	vadd.f32 v16, v16;
	v23 =	vadd.f32 $1.000000000e+00, v30;
	v30 =	vmovc v35  }
0xce: {  	v21 =	vsub.f32 $1.000000000e+00, v21;
	v39 =	vadd.f32 v43, v43;
	v35 =	vor.u32 v2, v17;
	v17 =	vpop (erf)  }
0xcf: {  	v16 =	vmul.f32 $1.442695020e+00, v16;
	v37 =	vadd.f32 v17, v17;
	(erf) = vrcp.f32 v23;
	v17 =	vmovc v22;
	v22 =	vmovc v14  }
0xd0: {  	v39 =	vmul.f32 $1.442695020e+00, v39;
	v14 =	vor.u32 v0, v42;
	v23 =	vadd.f32 v33, v33;
	[tilespmem:v31+s6+$0x0] =	vst.idx.msk $0xffff, v21  }
0xd1: {  	(erf) = vpow2.f32 v16;
	v41 =	vld.idx.msk [tilespmem:v36+s6+$0x0], $0xffff;
	v31 =	vsub.f32 $1.000000000e+00, v37;
	v32 =	vpop (erf);
	v16 =	vor.u32 v0, v15  }
0xd2: {  	v33 =	vor.u32 v2, v18;
	v44 =	vmul.f32 $1.442695020e+00, v23;
	v15 =	vpop (erf);
	v43 =	vadd.f32 $1.000000000e+00, v32  }
0xd3: {  	v37 =	vmov s30;
	v15 =	vadd.f32 $1.000000000e+00, v15;
	(erf) = vpow2.f32 v39;
	[tilespmem:v28+s6+$0x0] =	vst.idx.msk $0xffff, v31;
	v21 =	vpop (erf)  }
0xd4: {  	v23 =	vshll.u32 v37, $0xA;
	v32 =	vshll.u32 v37, $0x7;
	v28 =	vpop (erf);
	v39 =	vld.idx.msk [tilespmem:v35+s6+$0x0], $0xffff;
	v47 =	vadd.f32 $1.000000000e+00, v21  }
.Ltmp0:
0xd5: {  	v23 =	vand.u32 $0x6000, v23;
	v21 =	vand.u32 $0x300, v32;
	v42 =	vadd.f32 v28, v28;
	v18 =	vpop (erf);
	(pc) =	sbr.rel @p0 .LBB2_3-.Ltmp0, $4  }
0xd6: {  	v37 =	vadd.s32 v7, v23;
	v31 =	vmovc v45;
	v28 =	vmovc v46;
	v32 =	vadd.f32 v18, v18;
	(erf) = vrcp.f32 v47  }
0xd7: {  	v37 =	vor.u32 v21, v37;
	v41 =	vadd.f32 v41, v41;
	v18 =	vmovc v19;
	v19 =	vmovc v40;
	(erf) = vrcp.f32 v15  }
0xd8: {  	v37 =	vor.u32 v6, v37;
	v42 =	vsub.f32 $1.000000000e+00, v42;
	(erf) = vrcp.f32 v43;
	v15 =	vpop (erf)  }
0xd9: {  	v40 =	vmul.f32 $1.442695020e+00, v41;
	v41 =	vadd.f32 v15, v15;
	(erf) = vpow2.f32 v44;
	v15 =	vmovc v13;
	v13 =	vmovc v38  }
0xda: {  	_ =	sdelay $0x3  }
0xdb: {  	[tilespmem:v26+s6+$0x0] =	vst.idx.msk $0xffff, v42;
	v26 =	vsub.f32 $1.000000000e+00, v41;
	_ =	sdelay $0x3  }
0xdc: {  	v47 =	vld.idx.msk [tilespmem:v37+s6+$0x0], $0xffff;
	[tilespmem:v27+s6+$0x0] =	vst.idx.msk $0xffff, v26;
	v26 =	vpop (erf)  }
0xdd: {  	v38 =	vld.idx.msk [tilespmem:v33+s6+$0x0], $0xffff;
	v27 =	vadd.f32 v39, v39;
	v26 =	vadd.f32 $1.000000000e+00, v26;
	_ =	sdelay $0x1  }
0xde: {  	(erf) = vpow2.f32 v40;
	v27 =	vmul.f32 $1.442695020e+00, v27  }
0xdf: {  	v48 =	vld.idx.msk [tilespmem:v16+s6+$0x0], $0xffff;
	v49 =	vpop (erf);
	(erf) = vrcp.f32 v26  }
0xe0: {  	v26 =	vpop (erf);
	(erf) = vpow2.f32 v27;
	v27 =	vadd.f32 v47, v47  }
0xe1: {  	v38 =	vadd.f32 v38, v38  }
0xe2: {  	v40 =	vadd.f32 $1.000000000e+00, v49;
	v27 =	vmul.f32 $1.442695020e+00, v27  }
0xe3: {  	v34 =	vor.u32 v4, v34;
	v38 =	vmul.f32 $1.442695020e+00, v38;
	v50 =	vpop (erf)  }
0xe4: {  	v39 =	vadd.f32 v48, v48;
	(erf) = vrcp.f32 v40;
	v41 =	vadd.f32 v50, v50  }
0xe5: {  	(erf) = vpow2.f32 v38  }
0xe6: {  	v51 =	vmul.f32 $1.442695020e+00, v39;
	v52 =	vsub.f32 $1.000000000e+00, v41;
	(erf) = vpow2.f32 v27;
	v27 =	vpop (erf)  }
0xe7: {  	v53 =	vpop (erf)  }
0xe8: {  	(erf) = vpow2.f32 v51;
	[tilespmem:v29+s6+$0x0] =	vst.idx.msk $0xffff, v52;
	v29 =	vpop (erf)  }
0xe9: {  	v39 =	vld.idx.msk [tilespmem:v34+s6+$0x0], $0xffff;
	v29 =	vadd.f32 $1.000000000e+00, v29;
	v54 =	vpop (erf)  }
0xea: {  	v55 =	vpop (erf)  }
0xeb: {  	v27 =	vadd.f32 v27, v27;
	(erf) = vrcp.f32 v29;
	v29 =	vadd.f32 $1.000000000e+00, v55  }
0xec: {  	v38 =	vadd.f32 $1.000000000e+00, v53  }
0xed: {  	v30 =	vor.u32 v4, v30;
	v27 =	vsub.f32 $1.000000000e+00, v27;
	v40 =	vadd.f32 v54, v54  }
0xee: {  	v57 =	vor.u32 v2, v17;
	v56 =	vpop (erf);
	(erf) = vrcp.f32 v38;
	v39 =	vadd.f32 v39, v39  }
0xef: {  	v40 =	vsub.f32 $1.000000000e+00, v40;
	v17 =	vadd.f32 v56, v56;
	(erf) = vrcp.f32 v29;
	v29 =	vpop (erf)  }
0xf0: {  	[tilespmem:v20+s6+$0x0] =	vst.idx.msk $0xffff, v27;
	v58 =	vpop (erf)  }
0xf1: {  	v59 =	vld.idx.msk [tilespmem:v14+s6+$0x0], $0xffff;
	v20 =	vmul.f32 $1.442695020e+00, v39;
	[tilespmem:v31+s6+$0x0] =	vst.idx.msk $0xffff, v40;
	v17 =	vsub.f32 $1.000000000e+00, v17;
	v27 =	vpop (erf)  }
0xf2: {  	v31 =	vld.idx.msk [tilespmem:v30+s6+$0x0], $0xffff;
	v27 =	vadd.f32 $1.000000000e+00, v27  }
0xf3: {  	(erf) = vpow2.f32 v20;
	v38 =	vadd.f32 $1.000000000e+00, v58  }
0xf4: {  	(erf) = vrcp.f32 v27  }
0xf5: {  	[tilespmem:v28+s6+$0x0] =	vst.idx.msk $0xffff, v17;
	v17 =	vpop (erf);
	(erf) = vrcp.f32 v38  }
0xf6: {  	v20 =	vld.idx.msk [tilespmem:v57+s6+$0x0], $0xffff;
	v27 =	vadd.f32 v59, v59;
	v28 =	vadd.f32 v17, v17  }
0xf7: {  	v60 =	vor.u32 v2, v18;
	v18 =	vadd.f32 $1.000000000e+00, v29;
	v29 =	vadd.f32 v31, v31;
	v17 =	vpop (erf)  }
0xf8: {  	v15 =	vor.u32 v0, v15;
	v31 =	vpop (erf);
	v27 =	vmul.f32 $1.442695020e+00, v27;
	v28 =	vsub.f32 $1.000000000e+00, v28  }
0xf9: {  	(erf) = vrcp.f32 v18;
	v18 =	vmul.f32 $1.442695020e+00, v29;
	v31 =	vadd.f32 v31, v31;
	_ =	sdelay $0x1  }
0xfa: {  	v20 =	vadd.f32 v20, v20;
	(erf) = vpow2.f32 v27;
	v27 =	vsub.f32 $1.000000000e+00, v31  }
0xfb: {  	[tilespmem:v36+s6+$0x0] =	vst.idx.msk $0xffff, v28;
	v28 =	vpop (erf)  }
0xfc: {  	v29 =	vadd.s32 v5, v23;
	v20 =	vmul.f32 $1.442695020e+00, v20;
	(erf) = vpow2.f32 v18;
	v31 =	vld.idx.msk [tilespmem:v60+s6+$0x0], $0xffff;
	[tilespmem:v35+s6+$0x0] =	vst.idx.msk $0xffff, v27;
	v18 =	vpop (erf)  }
0xfd: {  	v27 =	vor.u32 v21, v29;
	v29 =	vld.idx.msk [tilespmem:v15+s6+$0x0], $0xffff;
	v61 =	vpop (erf)  }
0xfe: {  	(erf) = vpow2.f32 v20;
	v20 =	vor.u32 v4, v27;
	v27 =	vadd.f32 v61, v61  }
0xff: {  	v28 =	vadd.f32 $1.000000000e+00, v28  }
0x100: {  	v27 =	vsub.f32 $1.000000000e+00, v27  }
0x101: {  	(erf) = vrcp.f32 v28  }
0x102: {  	v28 =	vadd.f32 v31, v31;
	v29 =	vadd.f32 v29, v29  }
0x103: {  	v31 =	vpop (erf);
	[tilespmem:v37+s6+$0x0] =	vst.idx.msk $0xffff, v27  }
0x104: {  	v28 =	vmul.f32 $1.442695020e+00, v28;
	v29 =	vmul.f32 $1.442695020e+00, v29;
	v62 =	vld.idx.msk [tilespmem:v20+s6+$0x0], $0xffff;
	v27 =	vpop (erf)  }
0x105: {  	v63 =	vpop (erf)  }
0x106: {  	(erf) = vpow2.f32 v28;
	v28 =	vadd.f32 v31, v31;
	v36 =	vadd.f32 $1.000000000e+00, v63  }
0x107: {  	v11 =	vor.u32 v0, v11;
	(erf) = vpow2.f32 v29;
	v27 =	vadd.f32 $1.000000000e+00, v27  }
0x108: {  	v28 =	vsub.f32 $1.000000000e+00, v28;
	v29 =	vpop (erf);
	(erf) = vrcp.f32 v36  }
0x109: {  	v29 =	vadd.f32 $1.000000000e+00, v29;
	(erf) = vrcp.f32 v27;
	v27 =	vadd.f32 v62, v62  }
0x10a: {  	v22 =	vor.u32 v2, v22;
	v31 =	vpop (erf)  }
0x10b: {  	[tilespmem:v33+s6+$0x0] =	vst.idx.msk $0xffff, v28;
	v31 =	vadd.f32 v31, v31;
	(erf) = vrcp.f32 v29;
	v27 =	vmul.f32 $1.442695020e+00, v27  }
0x10c: {  	v29 =	vld.idx.msk [tilespmem:v11+s6+$0x0], $0xffff  }
0x10d: {  	v28 =	vsub.f32 $1.000000000e+00, v31;
	_ =	sdelay $0x1  }
0x10e: {  	[tilespmem:v34+s6+$0x0] =	vst.idx.msk $0xffff, v28;
	(erf) = vpow2.f32 v27;
	v27 =	vpop (erf)  }
0x10f: {  	v28 =	vld.idx.msk [tilespmem:v22+s6+$0x0], $0xffff;
	v31 =	vpop (erf)  }
0x110: {  	v29 =	vadd.f32 v29, v29;
	v37 =	vpop (erf)  }
0x111: {  	v19 =	vor.u32 v2, v19;
	v31 =	vadd.f32 $1.000000000e+00, v31;
	v33 =	vadd.f32 v37, v37  }
0x112: {  	v27 =	vadd.f32 $1.000000000e+00, v27;
	v39 =	vpop (erf)  }
0x113: {  	v29 =	vmul.f32 $1.442695020e+00, v29;
	v40 =	vpop (erf);
	(erf) = vrcp.f32 v31;
	v31 =	vsub.f32 $1.000000000e+00, v33  }
0x114: {  	v13 =	vor.u32 v0, v13;
	v28 =	vadd.f32 v28, v28;
	v35 =	vadd.f32 v40, v40  }
0x115: {  	[tilespmem:v30+s6+$0x0] =	vst.idx.msk $0xffff, v31  }
0x116: {  	(erf) = vrcp.f32 v27;
	v28 =	vmul.f32 $1.442695020e+00, v28;
	v27 =	vsub.f32 $1.000000000e+00, v35;
	v30 =	vld.idx.msk [tilespmem:v19+s6+$0x0], $0xffff  }
0x117: {  	(erf) = vpow2.f32 v29;
	v29 =	vpop (erf)  }
0x118: {  	(erf) = vpow2.f32 v28;
	[tilespmem:v57+s6+$0x0] =	vst.idx.msk $0xffff, v27;
	v27 =	vadd.f32 $1.000000000e+00, v29  }
0x119: {  	v28 =	vld.idx.msk [tilespmem:v13+s6+$0x0], $0xffff  }
0x11a: {  	(erf) = vrcp.f32 v27  }
0x11b: {  	v27 =	vadd.f32 v30, v30;
	_ =	sdelay $0x1  }
0x11c: {  	v27 =	vmul.f32 $1.442695020e+00, v27  }
0x11d: {  	v29 =	vpop (erf);
	v28 =	vadd.f32 v28, v28  }
0x11e: {  	v30 =	vpop (erf)  }
0x11f: {  	v31 =	vadd.s32 v3, v23;
	v41 =	vpop (erf);
	v28 =	vmul.f32 $1.442695020e+00, v28  }
0x120: {  	v30 =	vadd.f32 v30, v30;
	v33 =	vadd.f32 $1.000000000e+00, v41;
	(erf) = vpow2.f32 v27;
	v27 =	vpop (erf)  }
0x121: {  	v12 =	vor.u32 v0, v12;
	(erf) = vpow2.f32 v28;
	v27 =	vadd.f32 $1.000000000e+00, v27  }
0x122: {  	v30 =	vsub.f32 $1.000000000e+00, v30;
	v28 =	vor.u32 v21, v31;
	(erf) = vrcp.f32 v33;
	v31 =	vpop (erf)  }
0x123: {  	v28 =	vor.u32 v2, v28;
	v31 =	vadd.f32 v31, v31;
	(erf) = vrcp.f32 v27;
	_ =	sdelay $0x1  }
0x124: {  	[tilespmem:v60+s6+$0x0] =	vst.idx.msk $0xffff, v30;
	v27 =	vsub.f32 $1.000000000e+00, v31  }
0x125: {  	v30 =	vld.idx.msk [tilespmem:v12+s6+$0x0], $0xffff  }
0x126: {  	[tilespmem:v20+s6+$0x0] =	vst.idx.msk $0xffff, v27  }
0x127: {  	v20 =	vld.idx.msk [tilespmem:v28+s6+$0x0], $0xffff  }
0x128: {  	v27 =	vpop (erf)  }
0x129: {  	v31 =	vpop (erf)  }
0x12a: {  	v30 =	vadd.f32 v30, v30;
	v33 =	vpop (erf)  }
0x12b: {  	v27 =	vadd.f32 $1.000000000e+00, v27;
	v31 =	vadd.f32 $1.000000000e+00, v31;
	v42 =	vpop (erf)  }
0x12c: {  	v25 =	vor.u32 v0, v25;
	v20 =	vadd.f32 v20, v20;
	v35 =	vadd.f32 v42, v42  }
0x12d: {  	v30 =	vmul.f32 $1.442695020e+00, v30;
	(erf) = vrcp.f32 v31  }
0x12e: {  	(erf) = vrcp.f32 v27;
	v20 =	vmul.f32 $1.442695020e+00, v20;
	v27 =	vsub.f32 $1.000000000e+00, v35  }
0x12f: {  	(erf) = vpow2.f32 v30  }
0x130: {  	(erf) = vpow2.f32 v20;
	[tilespmem:v22+s6+$0x0] =	vst.idx.msk $0xffff, v27  }
0x131: {  	v20 =	vld.idx.msk [tilespmem:v25+s6+$0x0], $0xffff;
	_ =	sdelay $0x4  }
0x132: {  	v22 =	vpop (erf);
	v20 =	vadd.f32 v20, v20  }
0x133: {  	v27 =	vpop (erf)  }
0x134: {  	v30 =	vpop (erf);
	v20 =	vmul.f32 $1.442695020e+00, v20  }
0x135: {  	v30 =	vadd.f32 $1.000000000e+00, v30;
	v31 =	vpop (erf)  }
0x136: {  	(erf) = vpow2.f32 v20;
	v20 =	vadd.f32 $1.000000000e+00, v31  }
0x137: {  	(erf) = vrcp.f32 v30  }
0x138: {  	(erf) = vrcp.f32 v20;
	_ =	sdelay $0x6  }
0x139: {  	v20 =	vpop (erf)  }
0x13a: {  	v23 =	vadd.s32 v1, v23;
	v30 =	vpop (erf)  }
0x13b: {  	v21 =	vor.u32 v21, v23;
	v23 =	vor.u32 v0, v24;
	v24 =	vadd.f32 v27, v27;
	v27 =	vpop (erf)  }
0x13c: {  	v21 =	vor.u32 v0, v21;
	v27 =	vadd.f32 v27, v27  }
0x13d: {  	v24 =	vsub.f32 $1.000000000e+00, v24  }
0x13e: {  	v27 =	vsub.f32 $1.000000000e+00, v27  }
0x13f: {  	[tilespmem:v19+s6+$0x0] =	vst.idx.msk $0xffff, v24  }
0x140: {  	v19 =	vld.idx.msk [tilespmem:v23+s6+$0x0], $0xffff;
	[tilespmem:v28+s6+$0x0] =	vst.idx.msk $0xffff, v27  }
0x141: {  	v24 =	vld.idx.msk [tilespmem:v21+s6+$0x0], $0xffff;
	_ =	sdelay $0x3  }
0x142: {  	v19 =	vadd.f32 v19, v19  }
0x143: {  	v20 =	vadd.f32 $1.000000000e+00, v20;
	v24 =	vadd.f32 v24, v24  }
0x144: {  	v19 =	vmul.f32 $1.442695020e+00, v19  }
0x145: {  	(erf) = vrcp.f32 v20;
	v20 =	vmul.f32 $1.442695020e+00, v24  }
0x146: {  	(erf) = vpow2.f32 v19  }
0x147: {  	(erf) = vpow2.f32 v20;
	_ =	sdelay $0x6  }
0x148: {  	v19 =	vpop (erf)  }
0x149: {  	v20 =	vpop (erf)  }
0x14a: {  	v20 =	vadd.f32 $1.000000000e+00, v20;
	v24 =	vpop (erf)  }
0x14b: {  	v24 =	vadd.f32 $1.000000000e+00, v24  }
0x14c: {  	(erf) = vrcp.f32 v20  }
0x14d: {  	v20 =	vadd.f32 v26, v26;
	(erf) = vrcp.f32 v24  }
0x14e: {  	v17 =	vadd.f32 v17, v17;
	v24 =	vsub.f32 $1.000000000e+00, v32  }
0x14f: {  	v18 =	vadd.f32 v18, v18;
	v20 =	vsub.f32 $1.000000000e+00, v20  }
0x150: {  	[tilespmem:v8+s6+$0x0] =	vst.idx.msk $0xffff, v24;
	v8 =	vsub.f32 $1.000000000e+00, v17;
	v17 =	vadd.f32 v39, v39  }
0x151: {  	[tilespmem:v10+s6+$0x0] =	vst.idx.msk $0xffff, v20;
	v10 =	vsub.f32 $1.000000000e+00, v18;
	v18 =	vadd.f32 v29, v29  }
0x152: {  	[tilespmem:v9+s6+$0x0] =	vst.idx.msk $0xffff, v8;
	v8 =	vsub.f32 $1.000000000e+00, v17;
	v9 =	vadd.f32 v33, v33  }
0x153: {  	[tilespmem:v16+s6+$0x0] =	vst.idx.msk $0xffff, v10;
	v10 =	vsub.f32 $1.000000000e+00, v18;
	v16 =	vadd.f32 v22, v22  }
0x154: {  	[tilespmem:v14+s6+$0x0] =	vst.idx.msk $0xffff, v8;
	v8 =	vsub.f32 $1.000000000e+00, v9;
	v9 =	vadd.f32 v30, v30  }
0x155: {  	[tilespmem:v15+s6+$0x0] =	vst.idx.msk $0xffff, v10;
	v10 =	vsub.f32 $1.000000000e+00, v16;
	v15 =	vpop (erf);
	v14 =	vadd.f32 v19, v19  }
0x156: {  	[tilespmem:v11+s6+$0x0] =	vst.idx.msk $0xffff, v8;
	v8 =	vsub.f32 $1.000000000e+00, v9;
	v9 =	vadd.f32 v15, v15;
	v11 =	vpop (erf)  }
0x157: {  	s29 =	smul.u32 $0x60, s28;
	[tilespmem:v13+s6+$0x0] =	vst.idx.msk $0xffff, v10;
	v10 =	vsub.f32 $1.000000000e+00, v14;
	v11 =	vadd.f32 v11, v11  }
0x158: {  	s30 =	smul.u32 $0x3, s28;
	[tilespmem:v12+s6+$0x0] =	vst.idx.msk $0xffff, v8;
	v8 =	vsub.f32 $1.000000000e+00, v9  }
0x159: {  	s2 =	sadd.s32 s5, s29;
	[tilespmem:v25+s6+$0x0] =	vst.idx.msk $0xffff, v10;
	v9 =	vsub.f32 $1.000000000e+00, v11  }
0x15a: {  	s0 =	sadd.s32 $0xFFFFFFFF, s30;
	s2 =	sshll.u32 s2, $0x7;
	[tilespmem:v23+s6+$0x0] =	vst.idx.msk $0xffff, v8  }
0x15b: {  	s31 =	simm.s32 $0x1;
	p0 =	sgt.u32 s0, $0xC;
	s2 =	sadd.s32 s4, s2;
	[tilespmem:v21+s6+$0x0] =	vst.idx.msk $0xffff, v9  }
0x15c: {  	v8 =	vmov s31;
	[hbm4b:s2+s6] =	stream.linear.scatter [tilespmem:s6], [sflag:$0x4], $0x8000, $0x38;
	[tilespmem:$0x18080] =	vst v63  }
0x15d: {  	v9 =	vshll.u32 v8, $0xA;
	s2 =	simm.s32 @!p0 $0x6  }
0x15e: {  	v8 =	vshll.u32 v8, $0x7;
	v9 =	vand.u32 $0x6000, v9;
	_ =	swait.ge @!p0 [sflag:s2], $0x8000  }
0x15f: {  	s30 =	sadd.s32 $0x2, s30;
	v10 =	vand.u32 $0x380, v8;
	v11 =	vadd.s32 v7, v9;
	[sflag:s2] =	ssyncset.done @!p0 $0x0  }
0x160: {  	v8 =	vor.u32 v10, v11;
	[sflag:s2] =	ssyncadd.s32 @!p0 $0xFFFF8000;
	s2 =	sshll.u32 @!p0 s30, $0xC  }
0x161: {  	s0 =	simm.s32 @!p0 $0x10000;
	s31 =	simm.s32 @!p0 $0x0;
	v8 =	vor.u32 v6, v8;
	s2 =	sadd.s32 @!p0 s2, s7  }
0x162: {  	[tilespmem:s0], [sflag:$0x3] =	stream.linear.gather @!p0 [hbm4b:s2+s31], $0x8000, $0x38;
	[tilespmem:$0x18080] =	vst v63  }
0x163: {  	_ =	swait.ge [sflag:s21], $0x8000  }
0x164: {  	[sflag:s21] =	ssyncset.done $0x0  }
0x165: {  	[sflag:s21] =	ssyncadd.s32 $0xFFFF8000  }
0x166: {  	v11 =	vld.idx.msk [tilespmem:v8+s18+$0x0], $0xffff;
	_ =	sdelay $0x4  }
0x167: {  	v11 =	vadd.f32 v11, v11;
	_ =	sdelay $0x1  }
0x168: {  	v11 =	vmul.f32 $1.442695020e+00, v11;
	_ =	sdelay $0x1  }
0x169: {  	s2 =	simm.s32 $0x0;
	(erf) = vpow2.f32 v11  }
0x16a: {  	v11 =	vmov s2  }
0x16b: {  	v12 =	vshll.u32 v11, $0xA  }
0x16c: {  	v11 =	vshll.u32 v11, $0x7;
	v15 =	vand.u32 $0x6000, v12  }
0x16d: {  	v14 =	vand.u32 $0x300, v11;
	v11 =	vadd.s32 v7, v15  }
0x16e: {  	v11 =	vor.u32 v14, v11  }
0x16f: {  	v12 =	vor.u32 v6, v11  }
0x170: {  	s2 =	simm.s32 $0x3  }
0x171: {  	v11 =	vmov s2  }
0x172: {  	v16 =	vshll.u32 v11, $0xA;
	v13 =	vpop (erf)  }
0x173: {  	v11 =	vshll.u32 v11, $0x7;
	v16 =	vand.u32 $0x6000, v16;
	v13 =	vadd.f32 $1.000000000e+00, v13  }
0x174: {  	v11 =	vand.u32 $0x380, v11;
	v17 =	vadd.s32 v7, v16;
	v18 =	vld.idx.msk [tilespmem:v12+s18+$0x0], $0xffff  }
0x175: {  	(erf) = vrcp.f32 v13;
	v13 =	vor.u32 v11, v17  }
0x176: {  	v17 =	vor.u32 v6, v13;
	_ =	sdelay $0x2  }
0x177: {  	v13 =	vadd.f32 v18, v18;
	_ =	sdelay $0x1  }
0x178: {  	v13 =	vmul.f32 $1.442695020e+00, v13;
	v18 =	vld.idx.msk [tilespmem:v17+s18+$0x0], $0xffff;
	_ =	sdelay $0x2  }
0x179: {  	v19 =	vadd.s32 v5, v9;
	(erf) = vpow2.f32 v13  }
0x17a: {  	v19 =	vor.u32 v10, v19;
	v13 =	vpop (erf)  }
0x17b: {  	v19 =	vor.u32 v4, v19;
	v13 =	vadd.f32 v13, v13;
	v18 =	vadd.f32 v18, v18;
	_ =	sdelay $0x1  }
0x17c: {  	v13 =	vsub.f32 $1.000000000e+00, v13;
	v18 =	vmul.f32 $1.442695020e+00, v18  }
0x17d: {  	s2 =	simm.s32 $0x2  }
0x17e: {  	[tilespmem:v8+s18+$0x0] =	vst.idx.msk $0xffff, v13;
	v13 =	vmov s2;
	(erf) = vpow2.f32 v18  }
0x17f: {  	v8 =	vld.idx.msk [tilespmem:v19+s18+$0x0], $0xffff;
	v18 =	vshll.u32 v13, $0xA  }
0x180: {  	v13 =	vshll.u32 v13, $0x7;
	v18 =	vand.u32 $0x6000, v18  }
0x181: {  	v20 =	vpop (erf);
	v21 =	vand.u32 $0x300, v13;
	v13 =	vadd.s32 v7, v18  }
0x182: {  	v20 =	vadd.f32 $1.000000000e+00, v20;
	v13 =	vor.u32 v21, v13  }
0x183: {  	v22 =	vor.u32 v6, v13  }
0x184: {  	(erf) = vrcp.f32 v20;
	v8 =	vadd.f32 v8, v8  }
0x185: {  	s2 =	simm.s32 $0x5  }
0x186: {  	v13 =	vmov s2;
	v8 =	vmul.f32 $1.442695020e+00, v8  }
0x187: {  	v23 =	vshll.u32 v13, $0xA;
	v13 =	vshll.u32 v13, $0x7;
	v20 =	vpop (erf)  }
0x188: {  	v23 =	vand.u32 $0x6000, v23;
	(erf) = vpow2.f32 v8;
	v8 =	vadd.f32 $1.000000000e+00, v20;
	v20 =	vld.idx.msk [tilespmem:v22+s18+$0x0], $0xffff  }
0x189: {  	v25 =	vand.u32 $0x380, v13;
	v24 =	vadd.s32 v7, v23  }
0x18a: {  	(erf) = vrcp.f32 v8;
	v8 =	vor.u32 v25, v24  }
0x18b: {  	v26 =	vor.u32 v6, v8  }
0x18c: {  	v8 =	vadd.s32 v5, v15  }
0x18d: {  	v24 =	vpop (erf);
	v8 =	vor.u32 v14, v8;
	v20 =	vadd.f32 v20, v20  }
0x18e: {  	v13 =	vor.u32 v4, v8;
	v8 =	vadd.f32 v24, v24  }
0x18f: {  	v20 =	vmul.f32 $1.442695020e+00, v20  }
0x190: {  	v8 =	vsub.f32 $1.000000000e+00, v8;
	v24 =	vld.idx.msk [tilespmem:v26+s18+$0x0], $0xffff  }
0x191: {  	v27 =	vpop (erf);
	(erf) = vpow2.f32 v20;
	v20 =	vadd.s32 v5, v16  }
0x192: {  	v27 =	vadd.f32 $1.000000000e+00, v27;
	[tilespmem:v12+s18+$0x0] =	vst.idx.msk $0xffff, v8  }
0x193: {  	v12 =	vld.idx.msk [tilespmem:v13+s18+$0x0], $0xffff  }
0x194: {  	v8 =	vor.u32 v11, v20;
	(erf) = vrcp.f32 v27;
	v20 =	vpop (erf)  }
0x195: {  	v8 =	vor.u32 v4, v8;
	v20 =	vadd.f32 v20, v20;
	v24 =	vadd.f32 v24, v24;
	_ =	sdelay $0x1  }
0x196: {  	v20 =	vsub.f32 $1.000000000e+00, v20;
	v24 =	vmul.f32 $1.442695020e+00, v24  }
0x197: {  	s2 =	simm.s32 $0x4;
	v12 =	vadd.f32 v12, v12  }
0x198: {  	[tilespmem:v17+s18+$0x0] =	vst.idx.msk $0xffff, v20;
	(erf) = vpow2.f32 v24;
	v24 =	vmov s2  }
0x199: {  	v27 =	vadd.s32 v3, v9;
	v20 =	vld.idx.msk [tilespmem:v8+s18+$0x0], $0xffff;
	v28 =	vshll.u32 v24, $0xA  }
0x19a: {  	v17 =	vor.u32 v10, v27;
	v27 =	vadd.s32 v1, v9;
	v9 =	vmul.f32 $1.442695020e+00, v12  }
0x19b: {  	v24 =	vshll.u32 v24, $0x7;
	v27 =	vor.u32 v10, v27;
	v10 =	vadd.s32 v3, v16;
	v12 =	vpop (erf)  }
0x19c: {  	v30 =	vand.u32 $0x6000, v28;
	(erf) = vpow2.f32 v9;
	v12 =	vadd.f32 $1.000000000e+00, v12;
	v28 =	vpop (erf)  }
0x19d: {  	v31 =	vand.u32 $0x300, v24;
	v9 =	vor.u32 v2, v17;
	v17 =	vadd.f32 v28, v28  }
0x19e: {  	v24 =	vadd.s32 v7, v30;
	(erf) = vrcp.f32 v12;
	v20 =	vadd.f32 v20, v20  }
0x19f: {  	s2 =	simm.s32 $0x7;
	v43 =	vor.u32 v11, v10;
	v24 =	vor.u32 v31, v24;
	v17 =	vsub.f32 $1.000000000e+00, v17  }
0x1a0: {  	v12 =	vor.u32 v6, v24;
	v10 =	vmul.f32 $1.442695020e+00, v20;
	v20 =	vmov s2  }
0x1a1: {  	v24 =	vadd.s32 v3, v15;
	v15 =	vadd.s32 v1, v15;
	[tilespmem:v19+s18+$0x0] =	vst.idx.msk $0xffff, v17;
	v17 =	vshll.u32 v20, $0xA  }
0x1a2: {  	(erf) = vpow2.f32 v10;
	v17 =	vand.u32 $0x6000, v17;
	v10 =	vshll.u32 v20, $0x7  }
0x1a3: {  	v19 =	vpop (erf);
	v44 =	vand.u32 $0x380, v10;
	v10 =	vor.u32 v14, v15;
	v15 =	vadd.s32 v5, v18  }
0x1a4: {  	v28 =	vld.idx.msk [tilespmem:v9+s18+$0x0], $0xffff;
	v19 =	vadd.f32 $1.000000000e+00, v19;
	v20 =	vadd.s32 v7, v17;
	v15 =	vor.u32 v21, v15  }
0x1a5: {  	v45 =	vor.u32 v14, v24;
	v29 =	vld.idx.msk [tilespmem:v12+s18+$0x0], $0xffff;
	v14 =	vor.u32 v44, v20  }
0x1a6: {  	v24 =	vpop (erf);
	(erf) = vrcp.f32 v19;
	v20 =	vor.u32 v6, v14  }
0x1a7: {  	s2 =	simm.s32 $0x6;
	v14 =	vadd.s32 v1, v16;
	v16 =	vadd.f32 $1.000000000e+00, v24;
	v19 =	vor.u32 v4, v15;
	v15 =	vpop (erf)  }
0x1a8: {  	v52 =	vmov s2;
	v15 =	vadd.f32 v15, v15  }
0x1a9: {  	v24 =	vadd.s32 v5, v23;
	v46 =	vadd.f32 v28, v28;
	(erf) = vrcp.f32 v16  }
0x1aa: {  	v29 =	vadd.f32 v29, v29;
	v28 =	vor.u32 v11, v14;
	v15 =	vsub.f32 $1.000000000e+00, v15  }
0x1ab: {  	v11 =	vor.u32 v25, v24;
	v16 =	vadd.s32 v3, v23;
	v14 =	vmul.f32 $1.442695020e+00, v46;
	v47 =	vld.idx.msk [tilespmem:v20+s18+$0x0], $0xffff  }
0x1ac: {  	v24 =	vmul.f32 $1.442695020e+00, v29;
	v29 =	vor.u32 v25, v16;
	v16 =	vadd.s32 v3, v18;
	v48 =	vpop (erf);
	[tilespmem:v22+s18+$0x0] =	vst.idx.msk $0xffff, v15  }
0x1ad: {  	(erf) = vpow2.f32 v14;
	v14 =	vadd.s32 v1, v18;
	v15 =	vadd.f32 $1.000000000e+00, v48;
	v18 =	vld.idx.msk [tilespmem:v19+s18+$0x0], $0xffff  }
0x1ae: {  	v49 =	vor.u32 v21, v16;
	(erf) = vpow2.f32 v24;
	v16 =	vor.u32 v21, v14  }
0x1af: {  	v14 =	vadd.s32 v1, v23;
	v22 =	vadd.s32 v5, v17;
	v23 =	vpop (erf);
	(erf) = vrcp.f32 v15  }
0x1b0: {  	v24 =	vor.u32 v4, v11;
	v15 =	vadd.f32 v23, v23;
	v11 =	vadd.f32 v47, v47  }
0x1b1: {  	v54 =	vshll.u32 v52, $0xA;
	v51 =	vor.u32 v44, v22  }
0x1b2: {  	v15 =	vsub.f32 $1.000000000e+00, v15;
	v22 =	vpop (erf);
	v11 =	vmul.f32 $1.442695020e+00, v11;
	v18 =	vadd.f32 v18, v18  }
0x1b3: {  	v14 =	vor.u32 v25, v14;
	v25 =	vor.u32 v2, v45;
	v22 =	vadd.f32 v22, v22  }
0x1b4: {  	v55 =	vand.u32 $0x6000, v54;
	[tilespmem:v26+s18+$0x0] =	vst.idx.msk $0xffff, v15;
	(erf) = vpow2.f32 v11;
	v11 =	vmul.f32 $1.442695020e+00, v18  }
0x1b5: {  	v32 =	vadd.s32 v7, v55;
	v21 =	vadd.s32 v5, v30;
	v15 =	vld.idx.msk [tilespmem:v24+s18+$0x0], $0xffff;
	v18 =	vsub.f32 $1.000000000e+00, v22  }
0x1b6: {  	v50 =	vor.u32 v31, v21;
	v21 =	vadd.s32 v3, v17;
	v23 =	vadd.s32 v3, v30;
	v26 =	vpop (erf)  }
0x1b7: {  	v23 =	vor.u32 v31, v23;
	v22 =	vor.u32 v2, v43;
	v53 =	vpop (erf);
	[tilespmem:v13+s18+$0x0] =	vst.idx.msk $0xffff, v18  }
0x1b8: {  	v37 =	vadd.f32 $1.000000000e+00, v53;
	v13 =	vshll.u32 v52, $0x7;
	(erf) = vpow2.f32 v11;
	v18 =	vld.idx.msk [tilespmem:v25+s18+$0x0], $0xffff;
	v11 =	vpop (erf)  }
0x1b9: {  	v26 =	vadd.f32 $1.000000000e+00, v26;
	v13 =	vand.u32 $0x300, v13;
	v11 =	vadd.f32 v11, v11  }
0x1ba: {  	v32 =	vor.u32 v13, v32;
	(erf) = vrcp.f32 v37;
	v56 =	vadd.f32 v15, v15  }
0x1bb: {  	v15 =	vadd.s32 v1, v30;
	v33 =	vor.u32 v6, v32;
	v30 =	vsub.f32 $1.000000000e+00, v11  }
0x1bc: {  	s2 =	simm.s32 $0x9;
	(erf) = vrcp.f32 v26;
	v11 =	vadd.s32 v1, v17;
	v17 =	vmul.f32 $1.442695020e+00, v56  }
0x1bd: {  	v15 =	vor.u32 v31, v15;
	v26 =	vpop (erf);
	[tilespmem:v8+s18+$0x0] =	vst.idx.msk $0xffff, v30;
	v8 =	vadd.f32 v18, v18;
	v18 =	vmov s2  }
0x1be: {  	v26 =	vadd.f32 $1.000000000e+00, v26;
	(erf) = vpow2.f32 v17;
	v31 =	vshll.u32 v18, $0xA  }
0x1bf: {  	v17 =	vmul.f32 $1.442695020e+00, v8;
	v31 =	vand.u32 $0x6000, v31;
	v8 =	vshll.u32 v18, $0x7  }
0x1c0: {  	v57 =	vadd.s32 v7, v31;
	v58 =	vand.u32 $0x380, v8  }
0x1c1: {  	v8 =	vor.u32 v0, v27;
	v27 =	vor.u32 v58, v57  }
0x1c2: {  	v30 =	vld.idx.msk [tilespmem:v22+s18+$0x0], $0xffff  }
0x1c3: {  	v18 =	vld.idx.msk [tilespmem:v33+s18+$0x0], $0xffff;
	(erf) = vrcp.f32 v26;
	v26 =	vpop (erf)  }
0x1c4: {  	v32 =	vor.u32 v6, v27;
	v27 =	vpop (erf)  }
0x1c5: {  	(erf) = vpow2.f32 v17;
	v26 =	vadd.f32 $1.000000000e+00, v26;
	v27 =	vadd.f32 v27, v27  }
0x1c6: {  	v37 =	vor.u32 v4, v50  }
0x1c7: {  	v30 =	vadd.f32 v30, v30;
	v60 =	vpop (erf);
	(erf) = vrcp.f32 v26;
	v27 =	vsub.f32 $1.000000000e+00, v27  }
0x1c8: {  	v18 =	vadd.f32 v18, v18  }
0x1c9: {  	v17 =	vadd.s32 v5, v55;
	v30 =	vmul.f32 $1.442695020e+00, v30;
	v26 =	vadd.f32 v60, v60;
	[tilespmem:v12+s18+$0x0] =	vst.idx.msk $0xffff, v27;
	v12 =	vpop (erf)  }
0x1ca: {  	v61 =	vor.u32 v13, v17;
	v17 =	vmul.f32 $1.442695020e+00, v18;
	v12 =	vadd.f32 $1.000000000e+00, v12  }
0x1cb: {  	(erf) = vpow2.f32 v30;
	v18 =	vsub.f32 $1.000000000e+00, v26;
	v27 =	vld.idx.msk [tilespmem:v37+s18+$0x0], $0xffff  }
0x1cc: {  	v21 =	vor.u32 v44, v21;
	v62 =	vld.idx.msk [tilespmem:v32+s18+$0x0], $0xffff;
	(erf) = vpow2.f32 v17  }
0x1cd: {  	v59 =	vadd.s32 v5, v31;
	v30 =	vadd.s32 v3, v55;
	[tilespmem:v9+s18+$0x0] =	vst.idx.msk $0xffff, v18;
	v9 =	vpop (erf);
	(erf) = vrcp.f32 v12  }
0x1ce: {  	v26 =	vadd.s32 v3, v31;
	v31 =	vadd.s32 v1, v31;
	v17 =	vor.u32 v13, v30;
	v12 =	vpop (erf)  }
0x1cf: {  	v18 =	vor.u32 v58, v26;
	v26 =	vor.u32 v4, v51;
	v63 =	vadd.f32 $1.000000000e+00, v12  }
0x1d0: {  	v30 =	vld.idx.msk [tilespmem:v8+s18+$0x0], $0xffff;
	v9 =	vadd.f32 v9, v9;
	v12 =	vor.u32 v58, v31;
	v31 =	vadd.f32 v27, v27;
	v43 =	vpop (erf)  }
0x1d1: {  	v42 =	vadd.f32 v62, v62;
	v34 =	vadd.f32 v43, v43;
	(erf) = vrcp.f32 v63  }
0x1d2: {  	v11 =	vor.u32 v44, v11;
	v9 =	vsub.f32 $1.000000000e+00, v9;
	v31 =	vmul.f32 $1.442695020e+00, v31  }
0x1d3: {  	s2 =	simm.s32 $0x8;
	v44 =	vmul.f32 $1.442695020e+00, v42;
	v27 =	vor.u32 v2, v49;
	v34 =	vsub.f32 $1.000000000e+00, v34  }
0x1d4: {  	v46 =	vmov s2;
	[tilespmem:v20+s18+$0x0] =	vst.idx.msk $0xffff, v9;
	v9 =	vor.u32 v0, v28;
	v20 =	vor.u32 v2, v29;
	v45 =	vpop (erf)  }
0x1d5: {  	v28 =	vadd.f32 v30, v30;
	v30 =	vld.idx.msk [tilespmem:v26+s18+$0x0], $0xffff;
	(erf) = vpow2.f32 v44;
	v29 =	vpop (erf);
	[tilespmem:v19+s18+$0x0] =	vst.idx.msk $0xffff, v34;
	v19 =	vshll.u32 v46, $0xA  }
0x1d6: {  	(erf) = vpow2.f32 v31;
	v31 =	vpop (erf);
	v49 =	vand.u32 $0x6000, v19  }
0x1d7: {  	v10 =	vor.u32 v0, v10;
	s2 =	simm.s32 $0xB;
	v19 =	vadd.f32 v31, v31;
	v31 =	vadd.s32 v7, v49  }
0x1d8: {  	v47 =	vshll.u32 v46, $0x7;
	v52 =	vmov s2;
	v29 =	vadd.f32 $1.000000000e+00, v29;
	v48 =	vld.idx.msk [tilespmem:v27+s18+$0x0], $0xffff  }
0x1d9: {  	v50 =	vand.u32 $0x300, v47;
	v36 =	vadd.f32 $1.000000000e+00, v45;
	v28 =	vmul.f32 $1.442695020e+00, v28  }
0x1da: {  	(erf) = vrcp.f32 v29;
	v30 =	vadd.f32 v30, v30;
	v29 =	vor.u32 v50, v31;
	v31 =	vpop (erf)  }
0x1db: {  	(erf) = vrcp.f32 v36;
	v19 =	vsub.f32 $1.000000000e+00, v19;
	v31 =	vadd.f32 v31, v31  }
0x1dc: {  	v30 =	vmul.f32 $1.442695020e+00, v30;
	v29 =	vor.u32 v6, v29;
	(erf) = vpow2.f32 v28  }
0x1dd: {  	v51 =	vadd.f32 v48, v48;
	[tilespmem:v24+s18+$0x0] =	vst.idx.msk $0xffff, v19;
	v24 =	vshll.u32 v52, $0xA;
	v19 =	vsub.f32 $1.000000000e+00, v31  }
0x1de: {  	v53 =	vpop (erf);
	(erf) = vpow2.f32 v30;
	v24 =	vand.u32 $0x6000, v24;
	v31 =	vshll.u32 v52, $0x7  }
0x1df: {  	v54 =	vld.idx.msk [tilespmem:v20+s18+$0x0], $0xffff;
	v30 =	vadd.f32 $1.000000000e+00, v53;
	v43 =	vand.u32 $0x380, v31;
	[tilespmem:v25+s18+$0x0] =	vst.idx.msk $0xffff, v19;
	v19 =	vadd.s32 v7, v24  }
0x1e0: {  	v39 =	vadd.s32 v1, v55;
	v16 =	vor.u32 v0, v16;
	v19 =	vor.u32 v43, v19  }
0x1e1: {  	v14 =	vor.u32 v0, v14;
	v55 =	vmul.f32 $1.442695020e+00, v51;
	v56 =	vld.idx.msk [tilespmem:v29+s18+$0x0], $0xffff;
	v25 =	vpop (erf);
	(erf) = vrcp.f32 v30  }
0x1e2: {  	v35 =	vor.u32 v58, v59;
	v13 =	vor.u32 v13, v39;
	v44 =	vld.idx.msk [tilespmem:v10+s18+$0x0], $0xffff;
	v25 =	vadd.f32 $1.000000000e+00, v25  }
0x1e3: {  	v63 =	vadd.s32 v3, v49;
	v31 =	vor.u32 v6, v19;
	v19 =	vpop (erf);
	(erf) = vpow2.f32 v55  }
0x1e4: {  	v28 =	vadd.s32 v5, v49;
	v38 =	vadd.f32 v54, v54;
	v57 =	vpop (erf);
	(erf) = vrcp.f32 v25  }
0x1e5: {  	v34 =	vor.u32 v50, v28;
	v28 =	vor.u32 v4, v61;
	v19 =	vadd.f32 v19, v19  }
0x1e6: {  	v58 =	vadd.f32 v56, v56;
	v38 =	vmul.f32 $1.442695020e+00, v38;
	v36 =	vadd.f32 v57, v57  }
0x1e7: {  	v39 =	vadd.s32 v1, v49;
	v59 =	vadd.f32 v44, v44;
	v19 =	vsub.f32 $1.000000000e+00, v19  }
0x1e8: {  	v60 =	vadd.s32 v3, v24;
	v40 =	vmul.f32 $1.442695020e+00, v58;
	v25 =	vpop (erf);
	(erf) = vpow2.f32 v38;
	v61 =	vld.idx.msk [tilespmem:v31+s18+$0x0], $0xffff  }
0x1e9: {  	v45 =	vpop (erf);
	v46 =	vadd.f32 $1.000000000e+00, v25;
	v36 =	vsub.f32 $1.000000000e+00, v36;
	v25 =	vmul.f32 $1.442695020e+00, v59;
	[tilespmem:v33+s18+$0x0] =	vst.idx.msk $0xffff, v19  }
0x1ea: {  	v30 =	vadd.s32 v5, v24;
	(erf) = vpow2.f32 v40;
	v45 =	vadd.f32 $1.000000000e+00, v45;
	v44 =	vpop (erf);
	v62 =	vld.idx.msk [tilespmem:v28+s18+$0x0], $0xffff  }
0x1eb: {  	[tilespmem:v22+s18+$0x0] =	vst.idx.msk $0xffff, v36;
	(erf) = vpow2.f32 v25;
	v48 =	vadd.f32 v44, v44;
	v36 =	vor.u32 v4, v35  }
0x1ec: {  	v22 =	vor.u32 v50, v63;
	v25 =	vor.u32 v50, v39;
	v35 =	vor.u32 v2, v23;
	v47 =	vld.idx.msk [tilespmem:v9+s18+$0x0], $0xffff;
	v49 =	vpop (erf)  }
0x1ed: {  	(erf) = vrcp.f32 v45;
	v33 =	vadd.f32 v61, v61;
	v39 =	vsub.f32 $1.000000000e+00, v48;
	v23 =	vpop (erf)  }
0x1ee: {  	(erf) = vrcp.f32 v46;
	v50 =	vadd.f32 $1.000000000e+00, v49;
	v23 =	vadd.f32 v23, v23  }
0x1ef: {  	v24 =	vadd.s32 v1, v24;
	v30 =	vor.u32 v43, v30;
	[tilespmem:v32+s18+$0x0] =	vst.idx.msk $0xffff, v39  }
0x1f0: {  	v33 =	vmul.f32 $1.442695020e+00, v33;
	v38 =	vadd.f32 v62, v62;
	v52 =	vld.idx.msk [tilespmem:v36+s18+$0x0], $0xffff;
	(erf) = vrcp.f32 v50  }
0x1f1: {  	v24 =	vor.u32 v43, v24;
	v19 =	vor.u32 v43, v60;
	v40 =	vadd.f32 v47, v47  }
0x1f2: {  	s2 =	simm.s32 $0xA;
	v38 =	vmul.f32 $1.442695020e+00, v38;
	(erf) = vpow2.f32 v33;
	v51 =	vsub.f32 $1.000000000e+00, v23;
	v23 =	vpop (erf)  }
0x1f3: {  	v33 =	vor.u32 v2, v21;
	v21 =	vmov s2;
	v55 =	vmul.f32 $1.442695020e+00, v40;
	v53 =	vpop (erf)  }
0x1f4: {  	v57 =	vshll.u32 v21, $0xA;
	v21 =	vshll.u32 v21, $0x7;
	v54 =	vadd.f32 $1.000000000e+00, v23;
	v23 =	vpop (erf)  }
0x1f5: {  	(erf) = vpow2.f32 v38;
	[tilespmem:v37+s18+$0x0] =	vst.idx.msk $0xffff, v51;
	v41 =	vadd.f32 v52, v52;
	v59 =	vadd.f32 $1.000000000e+00, v23  }
0x1f6: {  	v21 =	vand.u32 $0x300, v21;
	v39 =	vld.idx.msk [tilespmem:v35+s18+$0x0], $0xffff;
	v56 =	vadd.f32 $1.000000000e+00, v53;
	v58 =	vpop (erf);
	v23 =	vand.u32 $0x6000, v57  }
0x1f7: {  	v40 =	vmul.f32 $1.442695020e+00, v41;
	v60 =	vpop (erf);
	v61 =	vadd.s32 v7, v23;
	(erf) = vrcp.f32 v59  }
0x1f8: {  	v38 =	vadd.f32 v58, v58;
	v62 =	vor.u32 v21, v61;
	(erf) = vrcp.f32 v56  }
0x1f9: {  	v32 =	vadd.f32 v60, v60;
	v37 =	vor.u32 v6, v62;
	v63 =	vpop (erf);
	(erf) = vrcp.f32 v54  }
0x1fa: {  	s31 =	simm.s32 $0xC;
	v42 =	vsub.f32 $1.000000000e+00, v38;
	v41 =	vadd.f32 v63, v63;
	(erf) = vpow2.f32 v55  }
.LBB2_5:
0x1fb: {  	s0 =	sadd.s32 $0x1, s31;
	v43 =	vadd.s32 v5, v23;
	v44 =	vpop (erf);
	v39 =	vadd.f32 v39, v39;
	v32 =	vsub.f32 $1.000000000e+00, v32  }
0x1fc: {  	p0 =	slt.u32 s31, $0x1E;
	[tilespmem:v26+s18+$0x0] =	vst.idx.msk $0xffff, v42;
	v38 =	vmovc v25;
	v26 =	vmovc v36;
	v42 =	vmov v11;
	v11 =	vmov v12;
	v12 =	vmov v24;
	s2 =	smov.u32 s31;
	s31 =	sadd.s32 $0x2, s31  }
0x1fd: {  	v24 =	vmov s0;
	v25 =	vadd.f32 $1.000000000e+00, v44;
	v36 =	vld.idx.msk [tilespmem:v33+s18+$0x0], $0xffff;
	v41 =	vsub.f32 $1.000000000e+00, v41  }
0x1fe: {  	v44 =	vshll.u32 v24, $0xA;
	(erf) = vpow2.f32 v40;
	v40 =	vpop (erf);
	v39 =	vmul.f32 $1.442695020e+00, v39;
	[tilespmem:v8+s18+$0x0] =	vst.idx.msk $0xffff, v32  }
0x1ff: {  	v43 =	vor.u32 v21, v43;
	v45 =	vshll.u32 v24, $0x7;
	v32 =	vand.u32 $0x6000, v44;
	v24 =	vld.idx.msk [tilespmem:v37+s18+$0x0], $0xffff;
	[tilespmem:v27+s18+$0x0] =	vst.idx.msk $0xffff, v41  }
0x200: {  	v8 =	vmovc v9;
	v44 =	vand.u32 $0x380, v45;
	v27 =	vmovc v35;
	v46 =	vadd.s32 v7, v32;
	(erf) = vrcp.f32 v25;
	v25 =	vld.idx.msk [tilespmem:v16+s18+$0x0], $0xffff  }
0x201: {  	v40 =	vadd.f32 $1.000000000e+00, v40;
	v35 =	vadd.s32 v5, v32;
	v47 =	vor.u32 v44, v46;
	v41 =	vpop (erf)  }
0x202: {  	v46 =	vor.u32 v4, v34;
	v45 =	vor.u32 v6, v47;
	v9 =	vpop (erf);
	v49 =	vadd.f32 v41, v41  }
0x203: {  	v36 =	vadd.f32 v36, v36;
	v50 =	vadd.f32 v9, v9;
	(erf) = vpow2.f32 v39;
	v39 =	vpop (erf)  }
0x204: {  	v35 =	vor.u32 v44, v35;
	v39 =	vadd.f32 v39, v39;
	v41 =	vpop (erf);
	v47 =	vsub.f32 $1.000000000e+00, v49  }
0x205: {  	v34 =	vmovc v43;
	v9 =	vmovc v14;
	v24 =	vadd.f32 v24, v24;
	v48 =	vsub.f32 $1.000000000e+00, v50;
	(erf) = vrcp.f32 v40  }
0x206: {  	v36 =	vmul.f32 $1.442695020e+00, v36;
	v25 =	vadd.f32 v25, v25;
	v39 =	vsub.f32 $1.000000000e+00, v39;
	[tilespmem:v10+s18+$0x0] =	vst.idx.msk $0xffff, v47;
	v10 =	vmovc v16  }
0x207: {  	v40 =	vadd.s32 v3, v32;
	v41 =	vadd.f32 $1.000000000e+00, v41;
	v49 =	vmul.f32 $1.442695020e+00, v24;
	v16 =	vld.idx.msk [tilespmem:v45+s18+$0x0], $0xffff;
	[tilespmem:v29+s18+$0x0] =	vst.idx.msk $0xffff, v48;
	v29 =	vpop (erf)  }
0x208: {  	v25 =	vmul.f32 $1.442695020e+00, v25;
	v43 =	vld.idx.msk [tilespmem:v46+s18+$0x0], $0xffff;
	v47 =	vadd.f32 $1.000000000e+00, v29;
	(erf) = vpow2.f32 v36;
	[tilespmem:v20+s18+$0x0] =	vst.idx.msk $0xffff, v39;
	v20 =	vmovc v33  }
0x209: {  	v40 =	vor.u32 v44, v40;
	v36 =	vadd.s32 v3, v23;
	(erf) = vpow2.f32 v49;
	v24 =	vpop (erf);
	v33 =	vld.idx.msk [tilespmem:v14+s18+$0x0], $0xffff  }
0x20a: {  	v23 =	vadd.s32 v1, v23;
	v29 =	vmovc v37;
	v14 =	vor.u32 v21, v36;
	(erf) = vpow2.f32 v25  }
0x20b: {  	v25 =	vor.u32 v21, v23;
	v21 =	vadd.f32 v24, v24;
	(erf) = vrcp.f32 v47  }
0x20c: {  	v36 =	vor.u32 v4, v30;
	v23 =	vadd.s32 v1, v32;
	v30 =	vpop (erf);
	(erf) = vrcp.f32 v41  }
0x20d: {  	v24 =	vor.u32 v44, v23;
	v16 =	vadd.f32 v16, v16;
	v23 =	vadd.f32 $1.000000000e+00, v30;
	v30 =	vmovc v35  }
0x20e: {  	v21 =	vsub.f32 $1.000000000e+00, v21;
	v39 =	vadd.f32 v43, v43;
	v35 =	vor.u32 v2, v17;
	v17 =	vpop (erf)  }
0x20f: {  	v16 =	vmul.f32 $1.442695020e+00, v16;
	v37 =	vadd.f32 v17, v17;
	(erf) = vrcp.f32 v23;
	v17 =	vmovc v22;
	v22 =	vmovc v14  }
0x210: {  	v39 =	vmul.f32 $1.442695020e+00, v39;
	v14 =	vor.u32 v0, v42;
	v23 =	vadd.f32 v33, v33;
	[tilespmem:v31+s18+$0x0] =	vst.idx.msk $0xffff, v21  }
0x211: {  	(erf) = vpow2.f32 v16;
	v41 =	vld.idx.msk [tilespmem:v36+s18+$0x0], $0xffff;
	v31 =	vsub.f32 $1.000000000e+00, v37;
	v32 =	vpop (erf);
	v16 =	vor.u32 v0, v15  }
0x212: {  	v33 =	vor.u32 v2, v18;
	v44 =	vmul.f32 $1.442695020e+00, v23;
	v15 =	vpop (erf);
	v43 =	vadd.f32 $1.000000000e+00, v32  }
0x213: {  	v37 =	vmov s2;
	v15 =	vadd.f32 $1.000000000e+00, v15;
	(erf) = vpow2.f32 v39;
	[tilespmem:v28+s18+$0x0] =	vst.idx.msk $0xffff, v31;
	v21 =	vpop (erf)  }
0x214: {  	v23 =	vshll.u32 v37, $0xA;
	v32 =	vshll.u32 v37, $0x7;
	v28 =	vpop (erf);
	v39 =	vld.idx.msk [tilespmem:v35+s18+$0x0], $0xffff;
	v47 =	vadd.f32 $1.000000000e+00, v21  }
.Ltmp1:
0x215: {  	v23 =	vand.u32 $0x6000, v23;
	v21 =	vand.u32 $0x300, v32;
	v42 =	vadd.f32 v28, v28;
	v18 =	vpop (erf);
	(pc) =	sbr.rel @p0 .LBB2_5-.Ltmp1, $4  }
0x216: {  	v37 =	vadd.s32 v7, v23;
	v31 =	vmovc v45;
	v28 =	vmovc v46;
	v32 =	vadd.f32 v18, v18;
	(erf) = vrcp.f32 v47  }
0x217: {  	v37 =	vor.u32 v21, v37;
	v41 =	vadd.f32 v41, v41;
	v18 =	vmovc v19;
	v19 =	vmovc v40;
	(erf) = vrcp.f32 v15  }
0x218: {  	v37 =	vor.u32 v6, v37;
	v42 =	vsub.f32 $1.000000000e+00, v42;
	(erf) = vrcp.f32 v43;
	v15 =	vpop (erf)  }
0x219: {  	v40 =	vmul.f32 $1.442695020e+00, v41;
	v41 =	vadd.f32 v15, v15;
	(erf) = vpow2.f32 v44;
	v15 =	vmovc v13;
	v13 =	vmovc v38  }
0x21a: {  	_ =	sdelay $0x3  }
0x21b: {  	[tilespmem:v26+s18+$0x0] =	vst.idx.msk $0xffff, v42;
	v26 =	vsub.f32 $1.000000000e+00, v41;
	_ =	sdelay $0x3  }
0x21c: {  	v47 =	vld.idx.msk [tilespmem:v37+s18+$0x0], $0xffff;
	[tilespmem:v27+s18+$0x0] =	vst.idx.msk $0xffff, v26;
	v26 =	vpop (erf)  }
0x21d: {  	v38 =	vld.idx.msk [tilespmem:v33+s18+$0x0], $0xffff;
	v27 =	vadd.f32 v39, v39;
	v26 =	vadd.f32 $1.000000000e+00, v26;
	_ =	sdelay $0x1  }
0x21e: {  	(erf) = vpow2.f32 v40;
	v27 =	vmul.f32 $1.442695020e+00, v27  }
0x21f: {  	v48 =	vld.idx.msk [tilespmem:v16+s18+$0x0], $0xffff;
	v49 =	vpop (erf);
	(erf) = vrcp.f32 v26  }
0x220: {  	v26 =	vpop (erf);
	(erf) = vpow2.f32 v27;
	v27 =	vadd.f32 v47, v47  }
0x221: {  	v38 =	vadd.f32 v38, v38  }
0x222: {  	v40 =	vadd.f32 $1.000000000e+00, v49;
	v27 =	vmul.f32 $1.442695020e+00, v27  }
0x223: {  	v34 =	vor.u32 v4, v34;
	v38 =	vmul.f32 $1.442695020e+00, v38;
	v50 =	vpop (erf)  }
0x224: {  	v39 =	vadd.f32 v48, v48;
	(erf) = vrcp.f32 v40;
	v41 =	vadd.f32 v50, v50  }
0x225: {  	(erf) = vpow2.f32 v38  }
0x226: {  	v51 =	vmul.f32 $1.442695020e+00, v39;
	v52 =	vsub.f32 $1.000000000e+00, v41;
	(erf) = vpow2.f32 v27;
	v27 =	vpop (erf)  }
0x227: {  	v53 =	vpop (erf)  }
0x228: {  	(erf) = vpow2.f32 v51;
	[tilespmem:v29+s18+$0x0] =	vst.idx.msk $0xffff, v52;
	v29 =	vpop (erf)  }
0x229: {  	v39 =	vld.idx.msk [tilespmem:v34+s18+$0x0], $0xffff;
	v29 =	vadd.f32 $1.000000000e+00, v29;
	v54 =	vpop (erf)  }
0x22a: {  	v55 =	vpop (erf)  }
0x22b: {  	v27 =	vadd.f32 v27, v27;
	(erf) = vrcp.f32 v29;
	v29 =	vadd.f32 $1.000000000e+00, v55  }
0x22c: {  	v38 =	vadd.f32 $1.000000000e+00, v53  }
0x22d: {  	v30 =	vor.u32 v4, v30;
	v27 =	vsub.f32 $1.000000000e+00, v27;
	v40 =	vadd.f32 v54, v54  }
0x22e: {  	v57 =	vor.u32 v2, v17;
	v56 =	vpop (erf);
	(erf) = vrcp.f32 v38;
	v39 =	vadd.f32 v39, v39  }
0x22f: {  	v40 =	vsub.f32 $1.000000000e+00, v40;
	v17 =	vadd.f32 v56, v56;
	(erf) = vrcp.f32 v29;
	v29 =	vpop (erf)  }
0x230: {  	[tilespmem:v20+s18+$0x0] =	vst.idx.msk $0xffff, v27;
	v58 =	vpop (erf)  }
0x231: {  	v59 =	vld.idx.msk [tilespmem:v14+s18+$0x0], $0xffff;
	v20 =	vmul.f32 $1.442695020e+00, v39;
	[tilespmem:v31+s18+$0x0] =	vst.idx.msk $0xffff, v40;
	v17 =	vsub.f32 $1.000000000e+00, v17;
	v27 =	vpop (erf)  }
0x232: {  	v31 =	vld.idx.msk [tilespmem:v30+s18+$0x0], $0xffff;
	v27 =	vadd.f32 $1.000000000e+00, v27  }
0x233: {  	(erf) = vpow2.f32 v20;
	v38 =	vadd.f32 $1.000000000e+00, v58  }
0x234: {  	(erf) = vrcp.f32 v27  }
0x235: {  	[tilespmem:v28+s18+$0x0] =	vst.idx.msk $0xffff, v17;
	v17 =	vpop (erf);
	(erf) = vrcp.f32 v38  }
0x236: {  	v20 =	vld.idx.msk [tilespmem:v57+s18+$0x0], $0xffff;
	v27 =	vadd.f32 v59, v59;
	v28 =	vadd.f32 v17, v17  }
0x237: {  	v60 =	vor.u32 v2, v18;
	v18 =	vadd.f32 $1.000000000e+00, v29;
	v29 =	vadd.f32 v31, v31;
	v17 =	vpop (erf)  }
0x238: {  	v15 =	vor.u32 v0, v15;
	v31 =	vpop (erf);
	v27 =	vmul.f32 $1.442695020e+00, v27;
	v28 =	vsub.f32 $1.000000000e+00, v28  }
0x239: {  	(erf) = vrcp.f32 v18;
	v18 =	vmul.f32 $1.442695020e+00, v29;
	v31 =	vadd.f32 v31, v31;
	_ =	sdelay $0x1  }
0x23a: {  	v20 =	vadd.f32 v20, v20;
	(erf) = vpow2.f32 v27;
	v27 =	vsub.f32 $1.000000000e+00, v31  }
0x23b: {  	[tilespmem:v36+s18+$0x0] =	vst.idx.msk $0xffff, v28;
	v28 =	vpop (erf)  }
0x23c: {  	v29 =	vadd.s32 v5, v23;
	v20 =	vmul.f32 $1.442695020e+00, v20;
	(erf) = vpow2.f32 v18;
	v31 =	vld.idx.msk [tilespmem:v60+s18+$0x0], $0xffff;
	[tilespmem:v35+s18+$0x0] =	vst.idx.msk $0xffff, v27;
	v18 =	vpop (erf)  }
0x23d: {  	v27 =	vor.u32 v21, v29;
	v29 =	vld.idx.msk [tilespmem:v15+s18+$0x0], $0xffff;
	v61 =	vpop (erf)  }
0x23e: {  	(erf) = vpow2.f32 v20;
	v20 =	vor.u32 v4, v27;
	v27 =	vadd.f32 v61, v61  }
0x23f: {  	v28 =	vadd.f32 $1.000000000e+00, v28  }
0x240: {  	v27 =	vsub.f32 $1.000000000e+00, v27  }
0x241: {  	(erf) = vrcp.f32 v28  }
0x242: {  	v28 =	vadd.f32 v31, v31;
	v29 =	vadd.f32 v29, v29  }
0x243: {  	v31 =	vpop (erf);
	[tilespmem:v37+s18+$0x0] =	vst.idx.msk $0xffff, v27  }
0x244: {  	v28 =	vmul.f32 $1.442695020e+00, v28;
	v29 =	vmul.f32 $1.442695020e+00, v29;
	v62 =	vld.idx.msk [tilespmem:v20+s18+$0x0], $0xffff;
	v27 =	vpop (erf)  }
0x245: {  	v63 =	vpop (erf)  }
0x246: {  	(erf) = vpow2.f32 v28;
	v28 =	vadd.f32 v31, v31;
	v36 =	vadd.f32 $1.000000000e+00, v63  }
0x247: {  	v11 =	vor.u32 v0, v11;
	(erf) = vpow2.f32 v29;
	v27 =	vadd.f32 $1.000000000e+00, v27  }
0x248: {  	v28 =	vsub.f32 $1.000000000e+00, v28;
	v29 =	vpop (erf);
	(erf) = vrcp.f32 v36  }
0x249: {  	v29 =	vadd.f32 $1.000000000e+00, v29;
	(erf) = vrcp.f32 v27;
	v27 =	vadd.f32 v62, v62  }
0x24a: {  	v22 =	vor.u32 v2, v22;
	v31 =	vpop (erf)  }
0x24b: {  	[tilespmem:v33+s18+$0x0] =	vst.idx.msk $0xffff, v28;
	v31 =	vadd.f32 v31, v31;
	(erf) = vrcp.f32 v29;
	v27 =	vmul.f32 $1.442695020e+00, v27  }
0x24c: {  	v29 =	vld.idx.msk [tilespmem:v11+s18+$0x0], $0xffff  }
0x24d: {  	v28 =	vsub.f32 $1.000000000e+00, v31;
	_ =	sdelay $0x1  }
0x24e: {  	[tilespmem:v34+s18+$0x0] =	vst.idx.msk $0xffff, v28;
	(erf) = vpow2.f32 v27;
	v27 =	vpop (erf)  }
0x24f: {  	v28 =	vld.idx.msk [tilespmem:v22+s18+$0x0], $0xffff;
	v31 =	vpop (erf)  }
0x250: {  	v29 =	vadd.f32 v29, v29;
	v37 =	vpop (erf)  }
0x251: {  	v19 =	vor.u32 v2, v19;
	v31 =	vadd.f32 $1.000000000e+00, v31;
	v33 =	vadd.f32 v37, v37  }
0x252: {  	v27 =	vadd.f32 $1.000000000e+00, v27;
	v39 =	vpop (erf)  }
0x253: {  	v29 =	vmul.f32 $1.442695020e+00, v29;
	v40 =	vpop (erf);
	(erf) = vrcp.f32 v31;
	v31 =	vsub.f32 $1.000000000e+00, v33  }
0x254: {  	v13 =	vor.u32 v0, v13;
	v28 =	vadd.f32 v28, v28;
	v35 =	vadd.f32 v40, v40  }
0x255: {  	[tilespmem:v30+s18+$0x0] =	vst.idx.msk $0xffff, v31  }
0x256: {  	(erf) = vrcp.f32 v27;
	v28 =	vmul.f32 $1.442695020e+00, v28;
	v27 =	vsub.f32 $1.000000000e+00, v35;
	v30 =	vld.idx.msk [tilespmem:v19+s18+$0x0], $0xffff  }
0x257: {  	(erf) = vpow2.f32 v29;
	v29 =	vpop (erf)  }
0x258: {  	(erf) = vpow2.f32 v28;
	[tilespmem:v57+s18+$0x0] =	vst.idx.msk $0xffff, v27;
	v27 =	vadd.f32 $1.000000000e+00, v29  }
0x259: {  	v28 =	vld.idx.msk [tilespmem:v13+s18+$0x0], $0xffff  }
0x25a: {  	(erf) = vrcp.f32 v27  }
0x25b: {  	v27 =	vadd.f32 v30, v30;
	_ =	sdelay $0x1  }
0x25c: {  	v27 =	vmul.f32 $1.442695020e+00, v27  }
0x25d: {  	v29 =	vpop (erf);
	v28 =	vadd.f32 v28, v28  }
0x25e: {  	v30 =	vpop (erf)  }
0x25f: {  	v31 =	vadd.s32 v3, v23;
	v41 =	vpop (erf);
	v28 =	vmul.f32 $1.442695020e+00, v28  }
0x260: {  	v30 =	vadd.f32 v30, v30;
	v33 =	vadd.f32 $1.000000000e+00, v41;
	(erf) = vpow2.f32 v27;
	v27 =	vpop (erf)  }
0x261: {  	v12 =	vor.u32 v0, v12;
	(erf) = vpow2.f32 v28;
	v27 =	vadd.f32 $1.000000000e+00, v27  }
0x262: {  	v30 =	vsub.f32 $1.000000000e+00, v30;
	v28 =	vor.u32 v21, v31;
	(erf) = vrcp.f32 v33;
	v31 =	vpop (erf)  }
0x263: {  	v28 =	vor.u32 v2, v28;
	v31 =	vadd.f32 v31, v31;
	(erf) = vrcp.f32 v27;
	_ =	sdelay $0x1  }
0x264: {  	[tilespmem:v60+s18+$0x0] =	vst.idx.msk $0xffff, v30;
	v27 =	vsub.f32 $1.000000000e+00, v31  }
0x265: {  	v30 =	vld.idx.msk [tilespmem:v12+s18+$0x0], $0xffff  }
0x266: {  	[tilespmem:v20+s18+$0x0] =	vst.idx.msk $0xffff, v27  }
0x267: {  	v20 =	vld.idx.msk [tilespmem:v28+s18+$0x0], $0xffff  }
0x268: {  	v27 =	vpop (erf)  }
0x269: {  	v31 =	vpop (erf)  }
0x26a: {  	v30 =	vadd.f32 v30, v30;
	v33 =	vpop (erf)  }
0x26b: {  	v27 =	vadd.f32 $1.000000000e+00, v27;
	v31 =	vadd.f32 $1.000000000e+00, v31;
	v42 =	vpop (erf)  }
0x26c: {  	v25 =	vor.u32 v0, v25;
	v20 =	vadd.f32 v20, v20;
	v35 =	vadd.f32 v42, v42  }
0x26d: {  	v30 =	vmul.f32 $1.442695020e+00, v30;
	(erf) = vrcp.f32 v31  }
0x26e: {  	(erf) = vrcp.f32 v27;
	v20 =	vmul.f32 $1.442695020e+00, v20;
	v27 =	vsub.f32 $1.000000000e+00, v35  }
0x26f: {  	(erf) = vpow2.f32 v30  }
0x270: {  	(erf) = vpow2.f32 v20;
	[tilespmem:v22+s18+$0x0] =	vst.idx.msk $0xffff, v27  }
0x271: {  	v20 =	vld.idx.msk [tilespmem:v25+s18+$0x0], $0xffff;
	_ =	sdelay $0x4  }
0x272: {  	v22 =	vpop (erf);
	v20 =	vadd.f32 v20, v20  }
0x273: {  	v27 =	vpop (erf)  }
0x274: {  	v30 =	vpop (erf);
	v20 =	vmul.f32 $1.442695020e+00, v20  }
0x275: {  	v30 =	vadd.f32 $1.000000000e+00, v30;
	v31 =	vpop (erf)  }
0x276: {  	(erf) = vpow2.f32 v20;
	v20 =	vadd.f32 $1.000000000e+00, v31  }
0x277: {  	(erf) = vrcp.f32 v30  }
0x278: {  	(erf) = vrcp.f32 v20;
	_ =	sdelay $0x6  }
0x279: {  	v20 =	vpop (erf)  }
0x27a: {  	v23 =	vadd.s32 v1, v23;
	v30 =	vpop (erf)  }
0x27b: {  	v21 =	vor.u32 v21, v23;
	v23 =	vor.u32 v0, v24;
	v24 =	vadd.f32 v27, v27;
	v27 =	vpop (erf)  }
0x27c: {  	v21 =	vor.u32 v0, v21;
	v27 =	vadd.f32 v27, v27  }
0x27d: {  	v24 =	vsub.f32 $1.000000000e+00, v24  }
0x27e: {  	v27 =	vsub.f32 $1.000000000e+00, v27  }
0x27f: {  	[tilespmem:v19+s18+$0x0] =	vst.idx.msk $0xffff, v24  }
0x280: {  	v19 =	vld.idx.msk [tilespmem:v23+s18+$0x0], $0xffff;
	[tilespmem:v28+s18+$0x0] =	vst.idx.msk $0xffff, v27  }
0x281: {  	v24 =	vld.idx.msk [tilespmem:v21+s18+$0x0], $0xffff;
	_ =	sdelay $0x3  }
0x282: {  	v19 =	vadd.f32 v19, v19  }
0x283: {  	v20 =	vadd.f32 $1.000000000e+00, v20;
	v24 =	vadd.f32 v24, v24  }
0x284: {  	v19 =	vmul.f32 $1.442695020e+00, v19  }
0x285: {  	(erf) = vrcp.f32 v20;
	v20 =	vmul.f32 $1.442695020e+00, v24  }
0x286: {  	(erf) = vpow2.f32 v19  }
0x287: {  	(erf) = vpow2.f32 v20;
	_ =	sdelay $0x6  }
0x288: {  	v19 =	vpop (erf)  }
0x289: {  	v20 =	vpop (erf)  }
0x28a: {  	v20 =	vadd.f32 $1.000000000e+00, v20;
	v24 =	vpop (erf)  }
0x28b: {  	v24 =	vadd.f32 $1.000000000e+00, v24  }
0x28c: {  	(erf) = vrcp.f32 v20  }
0x28d: {  	v20 =	vadd.f32 v26, v26;
	(erf) = vrcp.f32 v24  }
0x28e: {  	v17 =	vadd.f32 v17, v17;
	v24 =	vsub.f32 $1.000000000e+00, v32  }
0x28f: {  	v18 =	vadd.f32 v18, v18;
	v20 =	vsub.f32 $1.000000000e+00, v20  }
0x290: {  	[tilespmem:v8+s18+$0x0] =	vst.idx.msk $0xffff, v24;
	v8 =	vsub.f32 $1.000000000e+00, v17;
	v17 =	vadd.f32 v39, v39  }
0x291: {  	[tilespmem:v10+s18+$0x0] =	vst.idx.msk $0xffff, v20;
	v10 =	vsub.f32 $1.000000000e+00, v18;
	v18 =	vadd.f32 v29, v29  }
0x292: {  	[tilespmem:v9+s18+$0x0] =	vst.idx.msk $0xffff, v8;
	v8 =	vsub.f32 $1.000000000e+00, v17;
	v9 =	vadd.f32 v33, v33  }
0x293: {  	[tilespmem:v16+s18+$0x0] =	vst.idx.msk $0xffff, v10;
	v10 =	vsub.f32 $1.000000000e+00, v18;
	v16 =	vadd.f32 v22, v22  }
0x294: {  	[tilespmem:v14+s18+$0x0] =	vst.idx.msk $0xffff, v8;
	v8 =	vsub.f32 $1.000000000e+00, v9;
	v9 =	vadd.f32 v30, v30  }
0x295: {  	[tilespmem:v15+s18+$0x0] =	vst.idx.msk $0xffff, v10;
	v10 =	vsub.f32 $1.000000000e+00, v16;
	v15 =	vpop (erf);
	v14 =	vadd.f32 v19, v19  }
0x296: {  	[tilespmem:v11+s18+$0x0] =	vst.idx.msk $0xffff, v8;
	v8 =	vsub.f32 $1.000000000e+00, v9;
	v9 =	vadd.f32 v15, v15;
	v11 =	vpop (erf)  }
0x297: {  	[tilespmem:v13+s18+$0x0] =	vst.idx.msk $0xffff, v10;
	v10 =	vsub.f32 $1.000000000e+00, v14;
	v11 =	vadd.f32 v11, v11  }
0x298: {  	[tilespmem:v12+s18+$0x0] =	vst.idx.msk $0xffff, v8;
	v8 =	vsub.f32 $1.000000000e+00, v9  }
0x299: {  	s0 =	sadd.s32 s29, s10;
	s2 =	simm.s32 $0x1;
	[tilespmem:v25+s18+$0x0] =	vst.idx.msk $0xffff, v10;
	v9 =	vsub.f32 $1.000000000e+00, v11  }
0x29a: {  	s0 =	sshll.u32 s0, $0x7;
	[tilespmem:v23+s18+$0x0] =	vst.idx.msk $0xffff, v8;
	v8 =	vmov s2  }
0x29b: {  	s0 =	sadd.s32 s4, s0;
	s2 =	simm.s32 $0x0;
	[tilespmem:v21+s18+$0x0] =	vst.idx.msk $0xffff, v9;
	v9 =	vshll.u32 v8, $0xA  }
0x29c: {  	v8 =	vshll.u32 v8, $0x7;
	[hbm4b:s0+s2] =	stream.linear.scatter [tilespmem:s18], [sflag:$0x5], $0x8000, $0x38;
	v9 =	vand.u32 $0x6000, v9;
	[tilespmem:$0x18080] =	vst v63  }
0x29d: {  	s0 =	sadd.s32 s29, s12;
	v14 =	vand.u32 $0x380, v8;
	_ =	swait.ge [sflag:s22], $0x8000;
	v10 =	vadd.s32 v7, v9  }
0x29e: {  	s0 =	sshll.u32 s0, $0x7;
	[sflag:s22] =	ssyncset.done $0x0;
	v8 =	vor.u32 v14, v10  }
0x29f: {  	s0 =	sadd.s32 s1, s0;
	[sflag:s22] =	ssyncadd.s32 $0xFFFF8000;
	v8 =	vor.u32 v6, v8  }
0x2a0: {  	[tilespmem:s2], [sflag:$0x1] =	stream.linear.gather [hbm4b:s0+s2], $0x8000, $0x38;
	[tilespmem:$0x18080] =	vst v63  }
0x2a1: {  	_ =	swait.ge [sflag:s23], $0x8000  }
0x2a2: {  	[sflag:s23] =	ssyncset.done $0x0  }
0x2a3: {  	[sflag:s23] =	ssyncadd.s32 $0xFFFF8000  }
0x2a4: {  	v10 =	vld.idx.msk [tilespmem:v8+s19+$0x0], $0xffff;
	_ =	sdelay $0x4  }
0x2a5: {  	v10 =	vadd.f32 v10, v10;
	_ =	sdelay $0x1  }
0x2a6: {  	v10 =	vmul.f32 $1.442695020e+00, v10;
	_ =	sdelay $0x1  }
0x2a7: {  	(erf) = vpow2.f32 v10  }
0x2a8: {  	v10 =	vmov s2  }
0x2a9: {  	v11 =	vshll.u32 v10, $0xA  }
0x2aa: {  	v10 =	vshll.u32 v10, $0x7;
	v15 =	vand.u32 $0x6000, v11  }
0x2ab: {  	v10 =	vand.u32 $0x300, v10;
	v11 =	vadd.s32 v7, v15  }
0x2ac: {  	v11 =	vor.u32 v10, v11  }
0x2ad: {  	v12 =	vor.u32 v6, v11  }
0x2ae: {  	s2 =	simm.s32 $0x3  }
0x2af: {  	v11 =	vmov s2  }
0x2b0: {  	v16 =	vshll.u32 v11, $0xA;
	v13 =	vpop (erf)  }
0x2b1: {  	v11 =	vshll.u32 v11, $0x7;
	v16 =	vand.u32 $0x6000, v16;
	v13 =	vadd.f32 $1.000000000e+00, v13  }
0x2b2: {  	v11 =	vand.u32 $0x380, v11;
	v17 =	vadd.s32 v7, v16;
	v18 =	vld.idx.msk [tilespmem:v12+s19+$0x0], $0xffff  }
0x2b3: {  	(erf) = vrcp.f32 v13;
	v13 =	vor.u32 v11, v17  }
0x2b4: {  	v17 =	vor.u32 v6, v13;
	_ =	sdelay $0x2  }
0x2b5: {  	v13 =	vadd.f32 v18, v18;
	_ =	sdelay $0x1  }
0x2b6: {  	v13 =	vmul.f32 $1.442695020e+00, v13;
	v18 =	vld.idx.msk [tilespmem:v17+s19+$0x0], $0xffff;
	_ =	sdelay $0x2  }
0x2b7: {  	v19 =	vadd.s32 v5, v9;
	(erf) = vpow2.f32 v13  }
0x2b8: {  	v19 =	vor.u32 v14, v19;
	v13 =	vpop (erf)  }
0x2b9: {  	v19 =	vor.u32 v4, v19;
	v13 =	vadd.f32 v13, v13;
	v18 =	vadd.f32 v18, v18;
	_ =	sdelay $0x1  }
0x2ba: {  	v13 =	vsub.f32 $1.000000000e+00, v13;
	v18 =	vmul.f32 $1.442695020e+00, v18  }
0x2bb: {  	s2 =	simm.s32 $0x2  }
0x2bc: {  	[tilespmem:v8+s19+$0x0] =	vst.idx.msk $0xffff, v13;
	v13 =	vmov s2;
	(erf) = vpow2.f32 v18  }
0x2bd: {  	v8 =	vld.idx.msk [tilespmem:v19+s19+$0x0], $0xffff;
	v18 =	vshll.u32 v13, $0xA  }
0x2be: {  	v13 =	vshll.u32 v13, $0x7;
	v18 =	vand.u32 $0x6000, v18  }
0x2bf: {  	v20 =	vpop (erf);
	v21 =	vand.u32 $0x300, v13;
	v13 =	vadd.s32 v7, v18  }
0x2c0: {  	v20 =	vadd.f32 $1.000000000e+00, v20;
	v13 =	vor.u32 v21, v13  }
0x2c1: {  	v22 =	vor.u32 v6, v13  }
0x2c2: {  	(erf) = vrcp.f32 v20;
	v8 =	vadd.f32 v8, v8  }
0x2c3: {  	s2 =	simm.s32 $0x5  }
0x2c4: {  	v13 =	vmov s2;
	v8 =	vmul.f32 $1.442695020e+00, v8  }
0x2c5: {  	v23 =	vshll.u32 v13, $0xA;
	v13 =	vshll.u32 v13, $0x7;
	v20 =	vpop (erf)  }
0x2c6: {  	v23 =	vand.u32 $0x6000, v23;
	(erf) = vpow2.f32 v8;
	v8 =	vadd.f32 $1.000000000e+00, v20;
	v20 =	vld.idx.msk [tilespmem:v22+s19+$0x0], $0xffff  }
0x2c7: {  	v25 =	vand.u32 $0x380, v13;
	v24 =	vadd.s32 v7, v23  }
0x2c8: {  	(erf) = vrcp.f32 v8;
	v8 =	vor.u32 v25, v24  }
0x2c9: {  	v26 =	vor.u32 v6, v8  }
0x2ca: {  	v8 =	vadd.s32 v5, v15  }
0x2cb: {  	v24 =	vpop (erf);
	v8 =	vor.u32 v10, v8;
	v20 =	vadd.f32 v20, v20  }
0x2cc: {  	v13 =	vor.u32 v4, v8;
	v8 =	vadd.f32 v24, v24  }
0x2cd: {  	v20 =	vmul.f32 $1.442695020e+00, v20  }
0x2ce: {  	v8 =	vsub.f32 $1.000000000e+00, v8;
	v24 =	vld.idx.msk [tilespmem:v26+s19+$0x0], $0xffff  }
0x2cf: {  	(erf) = vpow2.f32 v20;
	v20 =	vadd.s32 v5, v16  }
0x2d0: {  	v27 =	vpop (erf);
	[tilespmem:v12+s19+$0x0] =	vst.idx.msk $0xffff, v8  }
0x2d1: {  	v27 =	vadd.f32 $1.000000000e+00, v27;
	v12 =	vld.idx.msk [tilespmem:v13+s19+$0x0], $0xffff  }
0x2d2: {  	v8 =	vor.u32 v11, v20;
	v20 =	vpop (erf)  }
0x2d3: {  	(erf) = vrcp.f32 v27;
	v20 =	vadd.f32 v20, v20;
	v24 =	vadd.f32 v24, v24  }
0x2d4: {  	v8 =	vor.u32 v4, v8  }
0x2d5: {  	v20 =	vsub.f32 $1.000000000e+00, v20;
	v24 =	vmul.f32 $1.442695020e+00, v24  }
0x2d6: {  	v27 =	vadd.s32 v3, v9;
	v12 =	vadd.f32 v12, v12  }
0x2d7: {  	s2 =	simm.s32 $0x4;
	[tilespmem:v17+s19+$0x0] =	vst.idx.msk $0xffff, v20;
	v17 =	vor.u32 v14, v27;
	(erf) = vpow2.f32 v24  }
0x2d8: {  	v24 =	vmov s2;
	v27 =	vadd.s32 v1, v9;
	v9 =	vmul.f32 $1.442695020e+00, v12  }
0x2d9: {  	v20 =	vld.idx.msk [tilespmem:v8+s19+$0x0], $0xffff;
	v28 =	vshll.u32 v24, $0xA;
	v24 =	vshll.u32 v24, $0x7;
	v27 =	vor.u32 v14, v27  }
0x2da: {  	v14 =	vadd.s32 v3, v16;
	v12 =	vpop (erf);
	v30 =	vand.u32 $0x6000, v28;
	(erf) = vpow2.f32 v9  }
0x2db: {  	v31 =	vand.u32 $0x300, v24;
	v12 =	vadd.f32 $1.000000000e+00, v12;
	v24 =	vadd.s32 v7, v30  }
0x2dc: {  	v9 =	vor.u32 v2, v17;
	v43 =	vor.u32 v11, v14;
	v28 =	vpop (erf);
	v24 =	vor.u32 v31, v24  }
0x2dd: {  	v17 =	vadd.f32 v28, v28;
	(erf) = vrcp.f32 v12;
	v12 =	vor.u32 v6, v24  }
0x2de: {  	v24 =	vadd.s32 v3, v15;
	v15 =	vadd.s32 v1, v15;
	v20 =	vadd.f32 v20, v20  }
0x2df: {  	s2 =	simm.s32 $0x7;
	v45 =	vor.u32 v10, v24;
	v10 =	vor.u32 v10, v15;
	v17 =	vsub.f32 $1.000000000e+00, v17  }
0x2e0: {  	v15 =	vadd.s32 v5, v18;
	v14 =	vmul.f32 $1.442695020e+00, v20;
	v20 =	vmov s2  }
0x2e1: {  	v15 =	vor.u32 v21, v15;
	[tilespmem:v19+s19+$0x0] =	vst.idx.msk $0xffff, v17;
	v17 =	vshll.u32 v20, $0xA  }
0x2e2: {  	v19 =	vpop (erf);
	(erf) = vpow2.f32 v14;
	v17 =	vand.u32 $0x6000, v17;
	v14 =	vshll.u32 v20, $0x7  }
0x2e3: {  	v28 =	vld.idx.msk [tilespmem:v9+s19+$0x0], $0xffff;
	v19 =	vadd.f32 $1.000000000e+00, v19;
	v20 =	vadd.s32 v7, v17;
	v44 =	vand.u32 $0x380, v14  }
0x2e4: {  	v29 =	vld.idx.msk [tilespmem:v12+s19+$0x0], $0xffff;
	v14 =	vor.u32 v44, v20  }
0x2e5: {  	v24 =	vpop (erf);
	(erf) = vrcp.f32 v19;
	v20 =	vor.u32 v6, v14  }
0x2e6: {  	s2 =	simm.s32 $0x6;
	v19 =	vor.u32 v4, v15;
	v14 =	vadd.s32 v1, v16;
	v16 =	vadd.f32 $1.000000000e+00, v24;
	v15 =	vpop (erf)  }
0x2e7: {  	v52 =	vmov s2;
	v15 =	vadd.f32 v15, v15  }
0x2e8: {  	v24 =	vadd.s32 v5, v23;
	v46 =	vadd.f32 v28, v28;
	(erf) = vrcp.f32 v16  }
0x2e9: {  	v29 =	vadd.f32 v29, v29;
	v28 =	vor.u32 v11, v14;
	v15 =	vsub.f32 $1.000000000e+00, v15  }
0x2ea: {  	v11 =	vor.u32 v25, v24;
	v16 =	vadd.s32 v3, v23;
	v14 =	vmul.f32 $1.442695020e+00, v46;
	v47 =	vld.idx.msk [tilespmem:v20+s19+$0x0], $0xffff  }
0x2eb: {  	v24 =	vmul.f32 $1.442695020e+00, v29;
	v29 =	vor.u32 v25, v16;
	v16 =	vadd.s32 v3, v18;
	v48 =	vpop (erf);
	[tilespmem:v22+s19+$0x0] =	vst.idx.msk $0xffff, v15  }
0x2ec: {  	(erf) = vpow2.f32 v14;
	v14 =	vadd.s32 v1, v18;
	v15 =	vadd.f32 $1.000000000e+00, v48;
	v18 =	vld.idx.msk [tilespmem:v19+s19+$0x0], $0xffff  }
0x2ed: {  	v49 =	vor.u32 v21, v16;
	v22 =	vadd.s32 v5, v17;
	(erf) = vpow2.f32 v24  }
0x2ee: {  	v16 =	vor.u32 v21, v14;
	v14 =	vadd.s32 v1, v23;
	v23 =	vpop (erf);
	(erf) = vrcp.f32 v15  }
0x2ef: {  	v24 =	vor.u32 v4, v11;
	v15 =	vadd.f32 v23, v23;
	v11 =	vadd.f32 v47, v47  }
0x2f0: {  	v54 =	vshll.u32 v52, $0xA;
	v51 =	vor.u32 v44, v22  }
0x2f1: {  	v15 =	vsub.f32 $1.000000000e+00, v15;
	v22 =	vpop (erf);
	v11 =	vmul.f32 $1.442695020e+00, v11;
	v18 =	vadd.f32 v18, v18  }
0x2f2: {  	v14 =	vor.u32 v25, v14;
	v25 =	vor.u32 v2, v45;
	v22 =	vadd.f32 v22, v22  }
0x2f3: {  	v55 =	vand.u32 $0x6000, v54;
	[tilespmem:v26+s19+$0x0] =	vst.idx.msk $0xffff, v15;
	(erf) = vpow2.f32 v11;
	v11 =	vmul.f32 $1.442695020e+00, v18  }
0x2f4: {  	v32 =	vadd.s32 v7, v55;
	v21 =	vadd.s32 v5, v30;
	v15 =	vld.idx.msk [tilespmem:v24+s19+$0x0], $0xffff;
	v18 =	vsub.f32 $1.000000000e+00, v22  }
0x2f5: {  	v50 =	vor.u32 v31, v21;
	v21 =	vadd.s32 v3, v17;
	v23 =	vadd.s32 v3, v30;
	v26 =	vpop (erf)  }
0x2f6: {  	v23 =	vor.u32 v31, v23;
	v22 =	vor.u32 v2, v43;
	v53 =	vpop (erf);
	[tilespmem:v13+s19+$0x0] =	vst.idx.msk $0xffff, v18  }
0x2f7: {  	v13 =	vshll.u32 v52, $0x7;
	(erf) = vpow2.f32 v11;
	v37 =	vadd.f32 $1.000000000e+00, v53;
	v18 =	vld.idx.msk [tilespmem:v25+s19+$0x0], $0xffff;
	v11 =	vpop (erf)  }
0x2f8: {  	v26 =	vadd.f32 $1.000000000e+00, v26;
	v13 =	vand.u32 $0x300, v13;
	v11 =	vadd.f32 v11, v11  }
0x2f9: {  	v32 =	vor.u32 v13, v32;
	(erf) = vrcp.f32 v37;
	v56 =	vadd.f32 v15, v15  }
0x2fa: {  	v33 =	vor.u32 v6, v32;
	v15 =	vadd.s32 v1, v30;
	v30 =	vsub.f32 $1.000000000e+00, v11  }
0x2fb: {  	s2 =	simm.s32 $0x9;
	(erf) = vrcp.f32 v26;
	v11 =	vadd.s32 v1, v17;
	v17 =	vmul.f32 $1.442695020e+00, v56  }
0x2fc: {  	v15 =	vor.u32 v31, v15;
	v26 =	vpop (erf);
	[tilespmem:v8+s19+$0x0] =	vst.idx.msk $0xffff, v30;
	v8 =	vadd.f32 v18, v18;
	v18 =	vmov s2  }
0x2fd: {  	(erf) = vpow2.f32 v17;
	v26 =	vadd.f32 $1.000000000e+00, v26;
	v31 =	vshll.u32 v18, $0xA  }
0x2fe: {  	v17 =	vmul.f32 $1.442695020e+00, v8;
	v31 =	vand.u32 $0x6000, v31;
	v8 =	vshll.u32 v18, $0x7  }
0x2ff: {  	v57 =	vadd.s32 v7, v31;
	v58 =	vand.u32 $0x380, v8  }
0x300: {  	v8 =	vor.u32 v0, v27;
	v27 =	vor.u32 v58, v57  }
0x301: {  	v30 =	vld.idx.msk [tilespmem:v22+s19+$0x0], $0xffff  }
0x302: {  	v18 =	vld.idx.msk [tilespmem:v33+s19+$0x0], $0xffff;
	(erf) = vrcp.f32 v26;
	v26 =	vpop (erf)  }
0x303: {  	v32 =	vor.u32 v6, v27;
	v27 =	vpop (erf)  }
0x304: {  	(erf) = vpow2.f32 v17;
	v26 =	vadd.f32 $1.000000000e+00, v26;
	v27 =	vadd.f32 v27, v27  }
0x305: {  	v37 =	vor.u32 v4, v50  }
0x306: {  	v30 =	vadd.f32 v30, v30;
	v60 =	vpop (erf);
	(erf) = vrcp.f32 v26;
	v27 =	vsub.f32 $1.000000000e+00, v27  }
0x307: {  	v18 =	vadd.f32 v18, v18  }
0x308: {  	v17 =	vadd.s32 v5, v55;
	v30 =	vmul.f32 $1.442695020e+00, v30;
	v26 =	vadd.f32 v60, v60;
	[tilespmem:v12+s19+$0x0] =	vst.idx.msk $0xffff, v27;
	v12 =	vpop (erf)  }
0x309: {  	v61 =	vor.u32 v13, v17;
	v17 =	vmul.f32 $1.442695020e+00, v18;
	v12 =	vadd.f32 $1.000000000e+00, v12  }
0x30a: {  	(erf) = vpow2.f32 v30;
	v18 =	vsub.f32 $1.000000000e+00, v26;
	v27 =	vld.idx.msk [tilespmem:v37+s19+$0x0], $0xffff  }
0x30b: {  	v21 =	vor.u32 v44, v21;
	v62 =	vld.idx.msk [tilespmem:v32+s19+$0x0], $0xffff;
	(erf) = vpow2.f32 v17  }
0x30c: {  	v59 =	vadd.s32 v5, v31;
	v30 =	vadd.s32 v3, v55;
	[tilespmem:v9+s19+$0x0] =	vst.idx.msk $0xffff, v18;
	v9 =	vpop (erf);
	(erf) = vrcp.f32 v12  }
0x30d: {  	v26 =	vadd.s32 v3, v31;
	v31 =	vadd.s32 v1, v31;
	v17 =	vor.u32 v13, v30;
	v12 =	vpop (erf)  }
0x30e: {  	v18 =	vor.u32 v58, v26;
	v26 =	vor.u32 v4, v51;
	v63 =	vadd.f32 $1.000000000e+00, v12  }
0x30f: {  	v30 =	vld.idx.msk [tilespmem:v8+s19+$0x0], $0xffff;
	v9 =	vadd.f32 v9, v9;
	v12 =	vor.u32 v58, v31;
	v31 =	vadd.f32 v27, v27;
	v43 =	vpop (erf)  }
0x310: {  	v42 =	vadd.f32 v62, v62;
	v34 =	vadd.f32 v43, v43;
	(erf) = vrcp.f32 v63  }
0x311: {  	v11 =	vor.u32 v44, v11;
	v9 =	vsub.f32 $1.000000000e+00, v9;
	v31 =	vmul.f32 $1.442695020e+00, v31  }
0x312: {  	s2 =	simm.s32 $0x8;
	v44 =	vmul.f32 $1.442695020e+00, v42;
	v27 =	vor.u32 v2, v49;
	v34 =	vsub.f32 $1.000000000e+00, v34  }
0x313: {  	v46 =	vmov s2;
	[tilespmem:v20+s19+$0x0] =	vst.idx.msk $0xffff, v9;
	v9 =	vor.u32 v0, v28;
	v20 =	vor.u32 v2, v29;
	v45 =	vpop (erf)  }
0x314: {  	v28 =	vadd.f32 v30, v30;
	v30 =	vld.idx.msk [tilespmem:v26+s19+$0x0], $0xffff;
	(erf) = vpow2.f32 v44;
	v29 =	vpop (erf);
	[tilespmem:v19+s19+$0x0] =	vst.idx.msk $0xffff, v34;
	v19 =	vshll.u32 v46, $0xA  }
0x315: {  	(erf) = vpow2.f32 v31;
	v31 =	vpop (erf);
	v49 =	vand.u32 $0x6000, v19  }
0x316: {  	v10 =	vor.u32 v0, v10;
	s2 =	simm.s32 $0xB;
	v19 =	vadd.f32 v31, v31;
	v31 =	vadd.s32 v7, v49  }
0x317: {  	v47 =	vshll.u32 v46, $0x7;
	v52 =	vmov s2;
	v29 =	vadd.f32 $1.000000000e+00, v29;
	v48 =	vld.idx.msk [tilespmem:v27+s19+$0x0], $0xffff  }
0x318: {  	v50 =	vand.u32 $0x300, v47;
	v36 =	vadd.f32 $1.000000000e+00, v45;
	v28 =	vmul.f32 $1.442695020e+00, v28  }
0x319: {  	(erf) = vrcp.f32 v29;
	v30 =	vadd.f32 v30, v30;
	v29 =	vor.u32 v50, v31;
	v31 =	vpop (erf)  }
0x31a: {  	(erf) = vrcp.f32 v36;
	v19 =	vsub.f32 $1.000000000e+00, v19;
	v31 =	vadd.f32 v31, v31  }
0x31b: {  	v30 =	vmul.f32 $1.442695020e+00, v30;
	v29 =	vor.u32 v6, v29;
	(erf) = vpow2.f32 v28  }
0x31c: {  	v51 =	vadd.f32 v48, v48;
	[tilespmem:v24+s19+$0x0] =	vst.idx.msk $0xffff, v19;
	v24 =	vshll.u32 v52, $0xA;
	v19 =	vsub.f32 $1.000000000e+00, v31  }
0x31d: {  	v53 =	vpop (erf);
	(erf) = vpow2.f32 v30;
	v24 =	vand.u32 $0x6000, v24;
	v31 =	vshll.u32 v52, $0x7  }
0x31e: {  	v54 =	vld.idx.msk [tilespmem:v20+s19+$0x0], $0xffff;
	v30 =	vadd.f32 $1.000000000e+00, v53;
	v43 =	vand.u32 $0x380, v31;
	[tilespmem:v25+s19+$0x0] =	vst.idx.msk $0xffff, v19;
	v19 =	vadd.s32 v7, v24  }
0x31f: {  	v39 =	vadd.s32 v1, v55;
	v16 =	vor.u32 v0, v16;
	v19 =	vor.u32 v43, v19  }
0x320: {  	v14 =	vor.u32 v0, v14;
	v55 =	vmul.f32 $1.442695020e+00, v51;
	v56 =	vld.idx.msk [tilespmem:v29+s19+$0x0], $0xffff;
	v25 =	vpop (erf);
	(erf) = vrcp.f32 v30  }
0x321: {  	v35 =	vor.u32 v58, v59;
	v13 =	vor.u32 v13, v39;
	v44 =	vld.idx.msk [tilespmem:v10+s19+$0x0], $0xffff;
	v25 =	vadd.f32 $1.000000000e+00, v25  }
0x322: {  	v63 =	vadd.s32 v3, v49;
	v31 =	vor.u32 v6, v19;
	v19 =	vpop (erf);
	(erf) = vpow2.f32 v55  }
0x323: {  	v28 =	vadd.s32 v5, v49;
	v38 =	vadd.f32 v54, v54;
	v57 =	vpop (erf);
	(erf) = vrcp.f32 v25  }
0x324: {  	v34 =	vor.u32 v50, v28;
	v28 =	vor.u32 v4, v61;
	v19 =	vadd.f32 v19, v19  }
0x325: {  	v58 =	vadd.f32 v56, v56;
	v38 =	vmul.f32 $1.442695020e+00, v38;
	v36 =	vadd.f32 v57, v57  }
0x326: {  	v39 =	vadd.s32 v1, v49;
	v59 =	vadd.f32 v44, v44;
	v19 =	vsub.f32 $1.000000000e+00, v19  }
0x327: {  	v60 =	vadd.s32 v3, v24;
	v40 =	vmul.f32 $1.442695020e+00, v58;
	v25 =	vpop (erf);
	(erf) = vpow2.f32 v38;
	v61 =	vld.idx.msk [tilespmem:v31+s19+$0x0], $0xffff  }
0x328: {  	v45 =	vpop (erf);
	v46 =	vadd.f32 $1.000000000e+00, v25;
	v36 =	vsub.f32 $1.000000000e+00, v36;
	v25 =	vmul.f32 $1.442695020e+00, v59;
	[tilespmem:v33+s19+$0x0] =	vst.idx.msk $0xffff, v19  }
0x329: {  	v30 =	vadd.s32 v5, v24;
	(erf) = vpow2.f32 v40;
	v45 =	vadd.f32 $1.000000000e+00, v45;
	v44 =	vpop (erf);
	v62 =	vld.idx.msk [tilespmem:v28+s19+$0x0], $0xffff  }
0x32a: {  	[tilespmem:v22+s19+$0x0] =	vst.idx.msk $0xffff, v36;
	(erf) = vpow2.f32 v25;
	v48 =	vadd.f32 v44, v44;
	v36 =	vor.u32 v4, v35  }
0x32b: {  	v22 =	vor.u32 v50, v63;
	v25 =	vor.u32 v50, v39;
	v35 =	vor.u32 v2, v23;
	v47 =	vld.idx.msk [tilespmem:v9+s19+$0x0], $0xffff;
	v49 =	vpop (erf)  }
0x32c: {  	(erf) = vrcp.f32 v45;
	v33 =	vadd.f32 v61, v61;
	v39 =	vsub.f32 $1.000000000e+00, v48;
	v23 =	vpop (erf)  }
0x32d: {  	(erf) = vrcp.f32 v46;
	v50 =	vadd.f32 $1.000000000e+00, v49;
	v23 =	vadd.f32 v23, v23  }
0x32e: {  	v24 =	vadd.s32 v1, v24;
	v30 =	vor.u32 v43, v30;
	[tilespmem:v32+s19+$0x0] =	vst.idx.msk $0xffff, v39  }
0x32f: {  	v33 =	vmul.f32 $1.442695020e+00, v33;
	v38 =	vadd.f32 v62, v62;
	v52 =	vld.idx.msk [tilespmem:v36+s19+$0x0], $0xffff;
	(erf) = vrcp.f32 v50  }
0x330: {  	v24 =	vor.u32 v43, v24;
	v19 =	vor.u32 v43, v60;
	v40 =	vadd.f32 v47, v47  }
0x331: {  	s2 =	simm.s32 $0xA;
	v38 =	vmul.f32 $1.442695020e+00, v38;
	(erf) = vpow2.f32 v33;
	v51 =	vsub.f32 $1.000000000e+00, v23;
	v23 =	vpop (erf)  }
0x332: {  	v33 =	vor.u32 v2, v21;
	v21 =	vmov s2;
	v55 =	vmul.f32 $1.442695020e+00, v40;
	v53 =	vpop (erf)  }
0x333: {  	v57 =	vshll.u32 v21, $0xA;
	v21 =	vshll.u32 v21, $0x7;
	v54 =	vadd.f32 $1.000000000e+00, v23;
	v23 =	vpop (erf)  }
0x334: {  	(erf) = vpow2.f32 v38;
	[tilespmem:v37+s19+$0x0] =	vst.idx.msk $0xffff, v51;
	v41 =	vadd.f32 v52, v52;
	v59 =	vadd.f32 $1.000000000e+00, v23  }
0x335: {  	v21 =	vand.u32 $0x300, v21;
	v39 =	vld.idx.msk [tilespmem:v35+s19+$0x0], $0xffff;
	v56 =	vadd.f32 $1.000000000e+00, v53;
	v58 =	vpop (erf);
	v23 =	vand.u32 $0x6000, v57  }
0x336: {  	v40 =	vmul.f32 $1.442695020e+00, v41;
	v60 =	vpop (erf);
	v61 =	vadd.s32 v7, v23;
	(erf) = vrcp.f32 v59  }
0x337: {  	v38 =	vadd.f32 v58, v58;
	v62 =	vor.u32 v21, v61;
	(erf) = vrcp.f32 v56  }
0x338: {  	v32 =	vadd.f32 v60, v60;
	v37 =	vor.u32 v6, v62;
	v63 =	vpop (erf);
	(erf) = vrcp.f32 v54  }
0x339: {  	s31 =	simm.s32 $0xC;
	v42 =	vsub.f32 $1.000000000e+00, v38;
	v41 =	vadd.f32 v63, v63;
	(erf) = vpow2.f32 v55  }
.LBB2_7:
0x33a: {  	s0 =	sadd.s32 $0x1, s31;
	v43 =	vadd.s32 v5, v23;
	v44 =	vpop (erf);
	v39 =	vadd.f32 v39, v39;
	v32 =	vsub.f32 $1.000000000e+00, v32  }
0x33b: {  	p0 =	slt.u32 s31, $0x1E;
	[tilespmem:v26+s19+$0x0] =	vst.idx.msk $0xffff, v42;
	v38 =	vmovc v25;
	v26 =	vmovc v36;
	v42 =	vmov v11;
	v11 =	vmov v12;
	v12 =	vmov v24;
	s2 =	smov.u32 s31;
	s31 =	sadd.s32 $0x2, s31  }
0x33c: {  	v24 =	vmov s0;
	v25 =	vadd.f32 $1.000000000e+00, v44;
	v36 =	vld.idx.msk [tilespmem:v33+s19+$0x0], $0xffff;
	v41 =	vsub.f32 $1.000000000e+00, v41  }
0x33d: {  	v44 =	vshll.u32 v24, $0xA;
	(erf) = vpow2.f32 v40;
	v40 =	vpop (erf);
	v39 =	vmul.f32 $1.442695020e+00, v39;
	[tilespmem:v8+s19+$0x0] =	vst.idx.msk $0xffff, v32  }
0x33e: {  	v43 =	vor.u32 v21, v43;
	v45 =	vshll.u32 v24, $0x7;
	v32 =	vand.u32 $0x6000, v44;
	v24 =	vld.idx.msk [tilespmem:v37+s19+$0x0], $0xffff;
	[tilespmem:v27+s19+$0x0] =	vst.idx.msk $0xffff, v41  }
0x33f: {  	v8 =	vmovc v9;
	v44 =	vand.u32 $0x380, v45;
	v27 =	vmovc v35;
	v46 =	vadd.s32 v7, v32;
	(erf) = vrcp.f32 v25;
	v25 =	vld.idx.msk [tilespmem:v16+s19+$0x0], $0xffff  }
0x340: {  	v40 =	vadd.f32 $1.000000000e+00, v40;
	v35 =	vadd.s32 v5, v32;
	v47 =	vor.u32 v44, v46;
	v41 =	vpop (erf)  }
0x341: {  	v46 =	vor.u32 v4, v34;
	v45 =	vor.u32 v6, v47;
	v9 =	vpop (erf);
	v49 =	vadd.f32 v41, v41  }
0x342: {  	v36 =	vadd.f32 v36, v36;
	v50 =	vadd.f32 v9, v9;
	(erf) = vpow2.f32 v39;
	v39 =	vpop (erf)  }
0x343: {  	v35 =	vor.u32 v44, v35;
	v39 =	vadd.f32 v39, v39;
	v41 =	vpop (erf);
	v47 =	vsub.f32 $1.000000000e+00, v49  }
0x344: {  	v34 =	vmovc v43;
	v9 =	vmovc v14;
	v24 =	vadd.f32 v24, v24;
	v48 =	vsub.f32 $1.000000000e+00, v50;
	(erf) = vrcp.f32 v40  }
0x345: {  	v36 =	vmul.f32 $1.442695020e+00, v36;
	v25 =	vadd.f32 v25, v25;
	v39 =	vsub.f32 $1.000000000e+00, v39;
	[tilespmem:v10+s19+$0x0] =	vst.idx.msk $0xffff, v47;
	v10 =	vmovc v16  }
0x346: {  	v40 =	vadd.s32 v3, v32;
	v41 =	vadd.f32 $1.000000000e+00, v41;
	v49 =	vmul.f32 $1.442695020e+00, v24;
	v16 =	vld.idx.msk [tilespmem:v45+s19+$0x0], $0xffff;
	[tilespmem:v29+s19+$0x0] =	vst.idx.msk $0xffff, v48;
	v29 =	vpop (erf)  }
0x347: {  	v25 =	vmul.f32 $1.442695020e+00, v25;
	v43 =	vld.idx.msk [tilespmem:v46+s19+$0x0], $0xffff;
	v47 =	vadd.f32 $1.000000000e+00, v29;
	(erf) = vpow2.f32 v36;
	[tilespmem:v20+s19+$0x0] =	vst.idx.msk $0xffff, v39;
	v20 =	vmovc v33  }
0x348: {  	v40 =	vor.u32 v44, v40;
	v36 =	vadd.s32 v3, v23;
	(erf) = vpow2.f32 v49;
	v24 =	vpop (erf);
	v33 =	vld.idx.msk [tilespmem:v14+s19+$0x0], $0xffff  }
0x349: {  	v23 =	vadd.s32 v1, v23;
	v29 =	vmovc v37;
	v14 =	vor.u32 v21, v36;
	(erf) = vpow2.f32 v25  }
0x34a: {  	v25 =	vor.u32 v21, v23;
	v21 =	vadd.f32 v24, v24;
	(erf) = vrcp.f32 v47  }
0x34b: {  	v36 =	vor.u32 v4, v30;
	v23 =	vadd.s32 v1, v32;
	v30 =	vpop (erf);
	(erf) = vrcp.f32 v41  }
0x34c: {  	v24 =	vor.u32 v44, v23;
	v16 =	vadd.f32 v16, v16;
	v23 =	vadd.f32 $1.000000000e+00, v30;
	v30 =	vmovc v35  }
0x34d: {  	v21 =	vsub.f32 $1.000000000e+00, v21;
	v39 =	vadd.f32 v43, v43;
	v35 =	vor.u32 v2, v17;
	v17 =	vpop (erf)  }
0x34e: {  	v16 =	vmul.f32 $1.442695020e+00, v16;
	v37 =	vadd.f32 v17, v17;
	(erf) = vrcp.f32 v23;
	v17 =	vmovc v22;
	v22 =	vmovc v14  }
0x34f: {  	v39 =	vmul.f32 $1.442695020e+00, v39;
	v14 =	vor.u32 v0, v42;
	v23 =	vadd.f32 v33, v33;
	[tilespmem:v31+s19+$0x0] =	vst.idx.msk $0xffff, v21  }
0x350: {  	(erf) = vpow2.f32 v16;
	v41 =	vld.idx.msk [tilespmem:v36+s19+$0x0], $0xffff;
	v31 =	vsub.f32 $1.000000000e+00, v37;
	v32 =	vpop (erf);
	v16 =	vor.u32 v0, v15  }
0x351: {  	v33 =	vor.u32 v2, v18;
	v44 =	vmul.f32 $1.442695020e+00, v23;
	v15 =	vpop (erf);
	v43 =	vadd.f32 $1.000000000e+00, v32  }
0x352: {  	v37 =	vmov s2;
	v15 =	vadd.f32 $1.000000000e+00, v15;
	(erf) = vpow2.f32 v39;
	[tilespmem:v28+s19+$0x0] =	vst.idx.msk $0xffff, v31;
	v21 =	vpop (erf)  }
0x353: {  	v23 =	vshll.u32 v37, $0xA;
	v32 =	vshll.u32 v37, $0x7;
	v28 =	vpop (erf);
	v39 =	vld.idx.msk [tilespmem:v35+s19+$0x0], $0xffff;
	v47 =	vadd.f32 $1.000000000e+00, v21  }
.Ltmp2:
0x354: {  	v23 =	vand.u32 $0x6000, v23;
	v21 =	vand.u32 $0x300, v32;
	v42 =	vadd.f32 v28, v28;
	v18 =	vpop (erf);
	(pc) =	sbr.rel @p0 .LBB2_7-.Ltmp2, $4  }
0x355: {  	v37 =	vadd.s32 v7, v23;
	v31 =	vmovc v45;
	v28 =	vmovc v46;
	v32 =	vadd.f32 v18, v18;
	(erf) = vrcp.f32 v47  }
0x356: {  	v37 =	vor.u32 v21, v37;
	v41 =	vadd.f32 v41, v41;
	v18 =	vmovc v19;
	v19 =	vmovc v40;
	(erf) = vrcp.f32 v15  }
0x357: {  	v37 =	vor.u32 v6, v37;
	v42 =	vsub.f32 $1.000000000e+00, v42;
	(erf) = vrcp.f32 v43;
	v15 =	vpop (erf)  }
0x358: {  	v40 =	vmul.f32 $1.442695020e+00, v41;
	v41 =	vadd.f32 v15, v15;
	(erf) = vpow2.f32 v44;
	v15 =	vmovc v13;
	v13 =	vmovc v38  }
0x359: {  	_ =	sdelay $0x3  }
0x35a: {  	[tilespmem:v26+s19+$0x0] =	vst.idx.msk $0xffff, v42;
	v62 =	vsub.f32 $1.000000000e+00, v41  }
0x35b: {  	v42 =	vpop (erf);
	v38 =	vld.idx.msk [tilespmem:v33+s19+$0x0], $0xffff  }
0x35c: {  	v63 =	vld.idx.msk [tilespmem:v37+s19+$0x0], $0xffff;
	v43 =	vadd.f32 v39, v39;
	v26 =	vadd.f32 $1.000000000e+00, v42;
	[tilespmem:v27+s19+$0x0] =	vst.idx.msk $0xffff, v62  }
0x35d: {  	v44 =	vld.idx.msk [tilespmem:v16+s19+$0x0], $0xffff  }
0x35e: {  	(erf) = vpow2.f32 v40;
	v27 =	vmul.f32 $1.442695020e+00, v43  }
0x35f: {  	v45 =	vpop (erf);
	(erf) = vrcp.f32 v26  }
0x360: {  	v26 =	vpop (erf);
	(erf) = vpow2.f32 v27;
	v38 =	vadd.f32 v38, v38  }
0x361: {  	v40 =	vadd.f32 $1.000000000e+00, v45;
	v46 =	vadd.f32 v63, v63  }
0x362: {  	v34 =	vor.u32 v4, v34;
	v47 =	vpop (erf);
	v38 =	vmul.f32 $1.442695020e+00, v38;
	v39 =	vadd.f32 v44, v44  }
0x363: {  	(erf) = vrcp.f32 v40;
	v41 =	vadd.f32 v47, v47;
	v27 =	vmul.f32 $1.442695020e+00, v46  }
0x364: {  	(erf) = vpow2.f32 v38;
	v48 =	vmul.f32 $1.442695020e+00, v39  }
0x365: {  	v50 =	vpop (erf);
	v49 =	vsub.f32 $1.000000000e+00, v41;
	(erf) = vpow2.f32 v27  }
0x366: {  	v51 =	vpop (erf);
	(erf) = vpow2.f32 v48  }
0x367: {  	v52 =	vpop (erf);
	[tilespmem:v29+s19+$0x0] =	vst.idx.msk $0xffff, v49  }
0x368: {  	v29 =	vadd.f32 $1.000000000e+00, v52;
	v39 =	vld.idx.msk [tilespmem:v34+s19+$0x0], $0xffff;
	v53 =	vpop (erf)  }
0x369: {  	v30 =	vor.u32 v4, v30;
	v38 =	vadd.f32 $1.000000000e+00, v51;
	v27 =	vadd.f32 v50, v50;
	v54 =	vpop (erf)  }
0x36a: {  	v40 =	vadd.f32 v53, v53;
	(erf) = vrcp.f32 v29;
	v55 =	vadd.f32 $1.000000000e+00, v54  }
0x36b: {  	v27 =	vsub.f32 $1.000000000e+00, v27;
	(erf) = vrcp.f32 v38  }
0x36c: {  	v41 =	vor.u32 v2, v17;
	v56 =	vpop (erf);
	v40 =	vsub.f32 $1.000000000e+00, v40;
	(erf) = vrcp.f32 v55  }
0x36d: {  	[tilespmem:v20+s19+$0x0] =	vst.idx.msk $0xffff, v27;
	v58 =	vadd.f32 v56, v56;
	v39 =	vadd.f32 v39, v39;
	v57 =	vpop (erf)  }
0x36e: {  	v62 =	vld.idx.msk [tilespmem:v14+s19+$0x0], $0xffff;
	[tilespmem:v31+s19+$0x0] =	vst.idx.msk $0xffff, v40;
	v59 =	vpop (erf)  }
0x36f: {  	v17 =	vsub.f32 $1.000000000e+00, v58;
	v31 =	vld.idx.msk [tilespmem:v30+s19+$0x0], $0xffff;
	v60 =	vmul.f32 $1.442695020e+00, v39;
	v61 =	vpop (erf)  }
0x370: {  	v27 =	vadd.f32 $1.000000000e+00, v61  }
0x371: {  	[tilespmem:v28+s19+$0x0] =	vst.idx.msk $0xffff, v17;
	v38 =	vadd.f32 $1.000000000e+00, v59;
	(erf) = vpow2.f32 v60  }
0x372: {  	v63 =	vld.idx.msk [tilespmem:v41+s19+$0x0], $0xffff;
	(erf) = vrcp.f32 v27  }
0x373: {  	v40 =	vpop (erf);
	(erf) = vrcp.f32 v38  }
0x374: {  	v15 =	vor.u32 v0, v15;
	v42 =	vadd.f32 v62, v62;
	v45 =	vadd.f32 v31, v31;
	v17 =	vpop (erf)  }
0x375: {  	v44 =	vadd.f32 $1.000000000e+00, v57;
	v43 =	vadd.f32 v40, v40;
	v38 =	vor.u32 v2, v18;
	v46 =	vpop (erf)  }
0x376: {  	v27 =	vmul.f32 $1.442695020e+00, v42;
	v47 =	vmul.f32 $1.442695020e+00, v45;
	v31 =	vadd.f32 v46, v46  }
0x377: {  	v28 =	vsub.f32 $1.000000000e+00, v43;
	v20 =	vadd.f32 v63, v63;
	(erf) = vrcp.f32 v44  }
0x378: {  	(erf) = vpow2.f32 v27;
	v48 =	vsub.f32 $1.000000000e+00, v31  }
0x379: {  	[tilespmem:v36+s19+$0x0] =	vst.idx.msk $0xffff, v28;
	v20 =	vmul.f32 $1.442695020e+00, v20;
	(erf) = vpow2.f32 v47  }
0x37a: {  	v49 =	vpop (erf);
	v51 =	vld.idx.msk [tilespmem:v38+s19+$0x0], $0xffff;
	[tilespmem:v35+s19+$0x0] =	vst.idx.msk $0xffff, v48  }
0x37b: {  	v50 =	vadd.s32 v5, v23;
	v53 =	vld.idx.msk [tilespmem:v15+s19+$0x0], $0xffff;
	v28 =	vadd.f32 $1.000000000e+00, v49;
	v18 =	vpop (erf);
	(erf) = vpow2.f32 v20  }
0x37c: {  	v52 =	vor.u32 v21, v50;
	v54 =	vpop (erf)  }
0x37d: {  	v20 =	vor.u32 v4, v52;
	(erf) = vrcp.f32 v28;
	v55 =	vadd.f32 v54, v54;
	_ =	sdelay $0x1  }
0x37e: {  	v56 =	vadd.f32 v51, v51;
	v27 =	vsub.f32 $1.000000000e+00, v55  }
0x37f: {  	v57 =	vpop (erf);
	v29 =	vadd.f32 v53, v53  }
0x380: {  	v58 =	vpop (erf);
	v28 =	vmul.f32 $1.442695020e+00, v56;
	[tilespmem:v37+s19+$0x0] =	vst.idx.msk $0xffff, v27  }
0x381: {  	v60 =	vpop (erf);
	v29 =	vmul.f32 $1.442695020e+00, v29;
	v59 =	vld.idx.msk [tilespmem:v20+s19+$0x0], $0xffff  }
0x382: {  	v36 =	vadd.f32 $1.000000000e+00, v60;
	(erf) = vpow2.f32 v28  }
0x383: {  	v61 =	vadd.f32 v57, v57;
	v27 =	vadd.f32 $1.000000000e+00, v58;
	(erf) = vpow2.f32 v29;
	v62 =	vpop (erf)  }
0x384: {  	v11 =	vor.u32 v0, v11;
	(erf) = vrcp.f32 v36;
	v29 =	vadd.f32 $1.000000000e+00, v62  }
0x385: {  	v22 =	vor.u32 v2, v22;
	v28 =	vsub.f32 $1.000000000e+00, v61;
	(erf) = vrcp.f32 v27;
	v35 =	vpop (erf)  }
0x386: {  	v31 =	vadd.f32 v35, v35;
	v63 =	vadd.f32 v59, v59;
	(erf) = vrcp.f32 v29;
	_ =	sdelay $0x1  }
0x387: {  	[tilespmem:v33+s19+$0x0] =	vst.idx.msk $0xffff, v28;
	v36 =	vsub.f32 $1.000000000e+00, v31;
	v27 =	vmul.f32 $1.442695020e+00, v63  }
0x388: {  	v37 =	vld.idx.msk [tilespmem:v11+s19+$0x0], $0xffff  }
0x389: {  	[tilespmem:v34+s19+$0x0] =	vst.idx.msk $0xffff, v36;
	(erf) = vpow2.f32 v27  }
0x38a: {  	v39 =	vpop (erf);
	v28 =	vld.idx.msk [tilespmem:v22+s19+$0x0], $0xffff  }
0x38b: {  	v40 =	vpop (erf)  }
0x38c: {  	v42 =	vpop (erf)  }
0x38d: {  	v29 =	vadd.f32 v37, v37;
	v27 =	vadd.f32 $1.000000000e+00, v39;
	v34 =	vpop (erf)  }
0x38e: {  	v19 =	vor.u32 v2, v19;
	v31 =	vadd.f32 $1.000000000e+00, v40;
	v33 =	vadd.f32 v42, v42;
	v43 =	vpop (erf)  }
0x38f: {  	v13 =	vor.u32 v0, v13;
	v28 =	vadd.f32 v28, v28;
	v35 =	vadd.f32 v43, v43  }
0x390: {  	v29 =	vmul.f32 $1.442695020e+00, v29;
	(erf) = vrcp.f32 v31;
	v44 =	vsub.f32 $1.000000000e+00, v33  }
0x391: {  	(erf) = vrcp.f32 v27;
	v28 =	vmul.f32 $1.442695020e+00, v28;
	v45 =	vsub.f32 $1.000000000e+00, v35  }
0x392: {  	(erf) = vpow2.f32 v29;
	[tilespmem:v30+s19+$0x0] =	vst.idx.msk $0xffff, v44;
	v46 =	vpop (erf)  }
0x393: {  	v30 =	vld.idx.msk [tilespmem:v19+s19+$0x0], $0xffff;
	(erf) = vpow2.f32 v28;
	[tilespmem:v41+s19+$0x0] =	vst.idx.msk $0xffff, v45;
	v47 =	vadd.f32 $1.000000000e+00, v46  }
0x394: {  	v48 =	vld.idx.msk [tilespmem:v13+s19+$0x0], $0xffff  }
0x395: {  	(erf) = vrcp.f32 v47;
	_ =	sdelay $0x2  }
0x396: {  	v49 =	vadd.f32 v30, v30  }
0x397: {  	v29 =	vpop (erf);
	v28 =	vadd.f32 v48, v48  }
0x398: {  	v50 =	vpop (erf);
	v27 =	vmul.f32 $1.442695020e+00, v49  }
0x399: {  	v12 =	vor.u32 v0, v12;
	v52 =	vpop (erf);
	v28 =	vmul.f32 $1.442695020e+00, v28  }
0x39a: {  	v30 =	vadd.f32 v50, v50;
	v33 =	vadd.f32 $1.000000000e+00, v52;
	(erf) = vpow2.f32 v27;
	v53 =	vpop (erf)  }
0x39b: {  	v51 =	vadd.s32 v3, v23;
	v27 =	vadd.f32 $1.000000000e+00, v53;
	(erf) = vpow2.f32 v28  }
0x39c: {  	v54 =	vor.u32 v21, v51;
	v30 =	vsub.f32 $1.000000000e+00, v30;
	(erf) = vrcp.f32 v33;
	v55 =	vpop (erf)  }
0x39d: {  	v28 =	vor.u32 v2, v54;
	v31 =	vadd.f32 v55, v55;
	(erf) = vrcp.f32 v27;
	_ =	sdelay $0x1  }
0x39e: {  	[tilespmem:v38+s19+$0x0] =	vst.idx.msk $0xffff, v30;
	v56 =	vsub.f32 $1.000000000e+00, v31  }
0x39f: {  	v30 =	vld.idx.msk [tilespmem:v12+s19+$0x0], $0xffff  }
0x3a0: {  	[tilespmem:v20+s19+$0x0] =	vst.idx.msk $0xffff, v56  }
0x3a1: {  	v20 =	vld.idx.msk [tilespmem:v28+s19+$0x0], $0xffff  }
0x3a2: {  	v57 =	vpop (erf)  }
0x3a3: {  	v58 =	vpop (erf)  }
0x3a4: {  	v30 =	vadd.f32 v30, v30;
	v33 =	vpop (erf)  }
0x3a5: {  	v27 =	vadd.f32 $1.000000000e+00, v57;
	v31 =	vadd.f32 $1.000000000e+00, v58;
	v59 =	vpop (erf)  }
0x3a6: {  	v25 =	vor.u32 v0, v25;
	v35 =	vadd.f32 v59, v59;
	v20 =	vadd.f32 v20, v20  }
0x3a7: {  	v30 =	vmul.f32 $1.442695020e+00, v30;
	(erf) = vrcp.f32 v31  }
0x3a8: {  	(erf) = vrcp.f32 v27;
	v60 =	vsub.f32 $1.000000000e+00, v35;
	v20 =	vmul.f32 $1.442695020e+00, v20  }
0x3a9: {  	(erf) = vpow2.f32 v30  }
0x3aa: {  	[tilespmem:v22+s19+$0x0] =	vst.idx.msk $0xffff, v60;
	(erf) = vpow2.f32 v20  }
0x3ab: {  	v61 =	vld.idx.msk [tilespmem:v25+s19+$0x0], $0xffff;
	_ =	sdelay $0x4  }
0x3ac: {  	v62 =	vpop (erf);
	v20 =	vadd.f32 v61, v61  }
0x3ad: {  	v63 =	vpop (erf)  }
0x3ae: {  	v30 =	vpop (erf);
	v20 =	vmul.f32 $1.442695020e+00, v20  }
0x3af: {  	v30 =	vadd.f32 $1.000000000e+00, v30;
	v35 =	vpop (erf)  }
0x3b0: {  	(erf) = vpow2.f32 v20;
	v36 =	vadd.f32 $1.000000000e+00, v35  }
0x3b1: {  	(erf) = vrcp.f32 v30  }
0x3b2: {  	(erf) = vrcp.f32 v36;
	_ =	sdelay $0x6  }
0x3b3: {  	v37 =	vpop (erf)  }
0x3b4: {  	v38 =	vadd.s32 v1, v23;
	v30 =	vpop (erf)  }
0x3b5: {  	v40 =	vor.u32 v0, v24;
	v39 =	vor.u32 v21, v38;
	v41 =	vadd.f32 v63, v63;
	v42 =	vpop (erf)  }
0x3b6: {  	v21 =	vor.u32 v0, v39;
	v27 =	vadd.f32 v42, v42  }
0x3b7: {  	v24 =	vsub.f32 $1.000000000e+00, v41  }
0x3b8: {  	v27 =	vsub.f32 $1.000000000e+00, v27  }
0x3b9: {  	[tilespmem:v19+s19+$0x0] =	vst.idx.msk $0xffff, v24  }
0x3ba: {  	v19 =	vld.idx.msk [tilespmem:v40+s19+$0x0], $0xffff;
	[tilespmem:v28+s19+$0x0] =	vst.idx.msk $0xffff, v27  }
0x3bb: {  	v43 =	vld.idx.msk [tilespmem:v21+s19+$0x0], $0xffff;
	_ =	sdelay $0x3  }
0x3bc: {  	v19 =	vadd.f32 v19, v19  }
0x3bd: {  	v20 =	vadd.f32 $1.000000000e+00, v37;
	v24 =	vadd.f32 v43, v43  }
0x3be: {  	v19 =	vmul.f32 $1.442695020e+00, v19  }
0x3bf: {  	(erf) = vrcp.f32 v20;
	v44 =	vmul.f32 $1.442695020e+00, v24  }
0x3c0: {  	(erf) = vpow2.f32 v19  }
0x3c1: {  	(erf) = vpow2.f32 v44;
	_ =	sdelay $0x6  }
0x3c2: {  	v45 =	vpop (erf)  }
0x3c3: {  	v46 =	vpop (erf)  }
0x3c4: {  	v20 =	vadd.f32 $1.000000000e+00, v46;
	v47 =	vpop (erf)  }
0x3c5: {  	v24 =	vadd.f32 $1.000000000e+00, v47  }
0x3c6: {  	(erf) = vrcp.f32 v20  }
0x3c7: {  	v17 =	vadd.f32 v17, v17;
	v49 =	vsub.f32 $1.000000000e+00, v32;
	(erf) = vrcp.f32 v24  }
0x3c8: {  	v18 =	vadd.f32 v18, v18  }
0x3c9: {  	v50 =	vadd.f32 v34, v34;
	[tilespmem:v8+s19+$0x0] =	vst.idx.msk $0xffff, v49;
	v8 =	vsub.f32 $1.000000000e+00, v17  }
0x3ca: {  	v51 =	vsub.f32 $1.000000000e+00, v18;
	v52 =	vadd.f32 v29, v29  }
0x3cb: {  	[tilespmem:v9+s19+$0x0] =	vst.idx.msk $0xffff, v8;
	v8 =	vsub.f32 $1.000000000e+00, v50;
	v53 =	vadd.f32 v33, v33  }
0x3cc: {  	[tilespmem:v16+s19+$0x0] =	vst.idx.msk $0xffff, v51;
	v54 =	vsub.f32 $1.000000000e+00, v52;
	v55 =	vadd.f32 v62, v62  }
0x3cd: {  	[tilespmem:v14+s19+$0x0] =	vst.idx.msk $0xffff, v8;
	v8 =	vsub.f32 $1.000000000e+00, v53;
	v56 =	vadd.f32 v30, v30  }
0x3ce: {  	[tilespmem:v15+s19+$0x0] =	vst.idx.msk $0xffff, v54;
	v57 =	vsub.f32 $1.000000000e+00, v55;
	v58 =	vadd.f32 v45, v45  }
0x3cf: {  	v48 =	vadd.f32 v26, v26;
	[tilespmem:v11+s19+$0x0] =	vst.idx.msk $0xffff, v8;
	v8 =	vsub.f32 $1.000000000e+00, v56;
	v59 =	vpop (erf)  }
0x3d0: {  	[tilespmem:v13+s19+$0x0] =	vst.idx.msk $0xffff, v57;
	v62 =	vsub.f32 $1.000000000e+00, v58;
	v60 =	vadd.f32 v59, v59;
	v61 =	vpop (erf)  }
0x3d1: {  	p0 =	seq.s32 s28, $0x4;
	[tilespmem:v12+s19+$0x0] =	vst.idx.msk $0xffff, v8;
	v20 =	vsub.f32 $1.000000000e+00, v48;
	v11 =	vadd.f32 v61, v61  }
.Ltmp3:
0x3d2: {  	[tilespmem:v25+s19+$0x0] =	vst.idx.msk $0xffff, v62;
	v8 =	vsub.f32 $1.000000000e+00, v60;
	(pc) =	sbr.rel @p0 .LBB2_10-.Ltmp3, $4  }
0x3d3: {  	[tilespmem:v10+s19+$0x0] =	vst.idx.msk $0xffff, v20;
	v63 =	vsub.f32 $1.000000000e+00, v11  }
0x3d4: {  	s0 =	sshll.u32 s30, $0xC;
	[tilespmem:v40+s19+$0x0] =	vst.idx.msk $0xffff, v8  }
0x3d5: {  	s0 =	sadd.s32 s0, s11;
	[tilespmem:v21+s19+$0x0] =	vst.idx.msk $0xffff, v63  }
0x3d6: {  	[hbm4b:s0+s6] =	stream.linear.scatter [tilespmem:s19], [sflag:$0x6], $0x8000, $0x38;
	[tilespmem:$0x18080] =	vst v63  }
.Ltmp4:
0x3d7: {  	(pc) =	sbr.rel .LBB2_2-.Ltmp4, $4  }
0x3d8: {  	_ =	swait.ge [sflag:s24], $0x8000;
	s0 =	sadd.s32 s29, s13  }
0x3d9: {  	[sflag:s24] =	ssyncset.done $0x0;
	s0 =	sshll.u32 s0, $0x7  }
0x3da: {  	s28 =	sadd.s32 $0x1, s28;
	[sflag:s24] =	ssyncadd.s32 $0xFFFF8000;
	s0 =	sadd.s32 s1, s0  }
0x3db: {  	[tilespmem:s18], [sflag:$0x2] =	stream.linear.gather [hbm4b:s0+s6], $0x8000, $0x38;
	[tilespmem:$0x18080] =	vst v63  }
.LBB2_10:
0x3dc: {  	s0 =	simm.s32 $0x1  }
0x3dd: {  	v8 =	vmov s0  }
0x3de: {  	v9 =	vshll.u32 v8, $0xA  }
0x3df: {  	v8 =	vshll.u32 v8, $0x7;
	v9 =	vand.u32 $0x6000, v9  }
0x3e0: {  	v14 =	vand.u32 $0x380, v8;
	v10 =	vadd.s32 v7, v9  }
0x3e1: {  	v8 =	vor.u32 v14, v10  }
0x3e2: {  	v8 =	vor.u32 v6, v8;
	_ =	sdelay $0x1  }
0x3e3: {  	_ =	swait.ge [sflag:s20], $0x8000  }
0x3e4: {  	[sflag:s20] =	ssyncset.done $0x0  }
0x3e5: {  	[sflag:s20] =	ssyncadd.s32 $0xFFFF8000  }
0x3e6: {  	v10 =	vld.idx.msk [tilespmem:v8+s6+$0x0], $0xffff;
	_ =	sdelay $0x4  }
0x3e7: {  	v10 =	vadd.f32 v10, v10;
	_ =	sdelay $0x1  }
0x3e8: {  	v10 =	vmul.f32 $1.442695020e+00, v10;
	_ =	sdelay $0x1  }
0x3e9: {  	s29 =	simm.s32 $0x0;
	(erf) = vpow2.f32 v10  }
0x3ea: {  	v10 =	vmov s29  }
0x3eb: {  	v11 =	vshll.u32 v10, $0xA  }
0x3ec: {  	v10 =	vshll.u32 v10, $0x7;
	v15 =	vand.u32 $0x6000, v11  }
0x3ed: {  	v10 =	vand.u32 $0x300, v10;
	v11 =	vadd.s32 v7, v15  }
0x3ee: {  	v11 =	vor.u32 v10, v11  }
0x3ef: {  	v12 =	vor.u32 v6, v11  }
0x3f0: {  	s30 =	simm.s32 $0x3  }
0x3f1: {  	v11 =	vmov s30  }
0x3f2: {  	v16 =	vshll.u32 v11, $0xA;
	v13 =	vpop (erf)  }
0x3f3: {  	v11 =	vshll.u32 v11, $0x7;
	v16 =	vand.u32 $0x6000, v16;
	v13 =	vadd.f32 $1.000000000e+00, v13  }
0x3f4: {  	v11 =	vand.u32 $0x380, v11;
	v17 =	vadd.s32 v7, v16;
	v18 =	vld.idx.msk [tilespmem:v12+s6+$0x0], $0xffff  }
0x3f5: {  	(erf) = vrcp.f32 v13;
	v13 =	vor.u32 v11, v17  }
0x3f6: {  	v17 =	vor.u32 v6, v13;
	_ =	sdelay $0x2  }
0x3f7: {  	v13 =	vadd.f32 v18, v18;
	_ =	sdelay $0x1  }
0x3f8: {  	v13 =	vmul.f32 $1.442695020e+00, v13;
	v18 =	vld.idx.msk [tilespmem:v17+s6+$0x0], $0xffff;
	_ =	sdelay $0x2  }
0x3f9: {  	v19 =	vadd.s32 v5, v9;
	(erf) = vpow2.f32 v13  }
0x3fa: {  	v19 =	vor.u32 v14, v19;
	v13 =	vpop (erf)  }
0x3fb: {  	v19 =	vor.u32 v4, v19;
	v13 =	vadd.f32 v13, v13;
	v18 =	vadd.f32 v18, v18;
	_ =	sdelay $0x1  }
0x3fc: {  	v13 =	vsub.f32 $1.000000000e+00, v13;
	v18 =	vmul.f32 $1.442695020e+00, v18  }
0x3fd: {  	s31 =	simm.s32 $0x2  }
0x3fe: {  	[tilespmem:v8+s6+$0x0] =	vst.idx.msk $0xffff, v13;
	v13 =	vmov s31;
	(erf) = vpow2.f32 v18  }
0x3ff: {  	v8 =	vld.idx.msk [tilespmem:v19+s6+$0x0], $0xffff;
	v18 =	vshll.u32 v13, $0xA  }
0x400: {  	v13 =	vshll.u32 v13, $0x7;
	v18 =	vand.u32 $0x6000, v18  }
0x401: {  	v20 =	vpop (erf);
	v21 =	vand.u32 $0x300, v13;
	v13 =	vadd.s32 v7, v18  }
0x402: {  	v20 =	vadd.f32 $1.000000000e+00, v20;
	v13 =	vor.u32 v21, v13  }
0x403: {  	v22 =	vor.u32 v6, v13  }
0x404: {  	(erf) = vrcp.f32 v20;
	v8 =	vadd.f32 v8, v8  }
0x405: {  	s2 =	simm.s32 $0x5  }
0x406: {  	v13 =	vmov s2;
	v8 =	vmul.f32 $1.442695020e+00, v8  }
0x407: {  	v23 =	vshll.u32 v13, $0xA;
	v13 =	vshll.u32 v13, $0x7;
	v20 =	vpop (erf)  }
0x408: {  	v23 =	vand.u32 $0x6000, v23;
	(erf) = vpow2.f32 v8;
	v8 =	vadd.f32 $1.000000000e+00, v20;
	v20 =	vld.idx.msk [tilespmem:v22+s6+$0x0], $0xffff  }
0x409: {  	v25 =	vand.u32 $0x380, v13;
	v24 =	vadd.s32 v7, v23  }
0x40a: {  	(erf) = vrcp.f32 v8;
	v8 =	vor.u32 v25, v24  }
0x40b: {  	v26 =	vor.u32 v6, v8  }
0x40c: {  	v8 =	vadd.s32 v5, v15  }
0x40d: {  	v24 =	vpop (erf);
	v8 =	vor.u32 v10, v8;
	v20 =	vadd.f32 v20, v20  }
0x40e: {  	v13 =	vor.u32 v4, v8;
	v8 =	vadd.f32 v24, v24  }
0x40f: {  	v20 =	vmul.f32 $1.442695020e+00, v20  }
0x410: {  	v8 =	vsub.f32 $1.000000000e+00, v8;
	v24 =	vld.idx.msk [tilespmem:v26+s6+$0x0], $0xffff  }
0x411: {  	(erf) = vpow2.f32 v20;
	v20 =	vadd.s32 v5, v16  }
0x412: {  	v27 =	vpop (erf);
	[tilespmem:v12+s6+$0x0] =	vst.idx.msk $0xffff, v8  }
0x413: {  	v27 =	vadd.f32 $1.000000000e+00, v27;
	v12 =	vld.idx.msk [tilespmem:v13+s6+$0x0], $0xffff  }
0x414: {  	v8 =	vor.u32 v11, v20;
	v20 =	vpop (erf)  }
0x415: {  	(erf) = vrcp.f32 v27;
	v20 =	vadd.f32 v20, v20;
	v24 =	vadd.f32 v24, v24  }
0x416: {  	v8 =	vor.u32 v4, v8  }
0x417: {  	v20 =	vsub.f32 $1.000000000e+00, v20;
	v24 =	vmul.f32 $1.442695020e+00, v24  }
0x418: {  	v27 =	vadd.s32 v3, v9;
	v12 =	vadd.f32 v12, v12  }
0x419: {  	s29 =	simm.s32 $0x4;
	[tilespmem:v17+s6+$0x0] =	vst.idx.msk $0xffff, v20;
	v17 =	vor.u32 v14, v27;
	(erf) = vpow2.f32 v24  }
0x41a: {  	v24 =	vmov s29;
	v27 =	vadd.s32 v1, v9;
	v9 =	vmul.f32 $1.442695020e+00, v12  }
0x41b: {  	v20 =	vld.idx.msk [tilespmem:v8+s6+$0x0], $0xffff;
	v28 =	vshll.u32 v24, $0xA;
	v24 =	vshll.u32 v24, $0x7;
	v27 =	vor.u32 v14, v27  }
0x41c: {  	v14 =	vadd.s32 v3, v16;
	v12 =	vpop (erf);
	v30 =	vand.u32 $0x6000, v28;
	(erf) = vpow2.f32 v9  }
0x41d: {  	v31 =	vand.u32 $0x300, v24;
	v12 =	vadd.f32 $1.000000000e+00, v12;
	v24 =	vadd.s32 v7, v30  }
0x41e: {  	v9 =	vor.u32 v2, v17;
	v32 =	vor.u32 v11, v14;
	v28 =	vpop (erf);
	v24 =	vor.u32 v31, v24  }
0x41f: {  	v17 =	vadd.f32 v28, v28;
	(erf) = vrcp.f32 v12;
	v12 =	vor.u32 v6, v24  }
0x420: {  	v24 =	vadd.s32 v3, v15;
	v15 =	vadd.s32 v1, v15;
	v20 =	vadd.f32 v20, v20  }
0x421: {  	s30 =	simm.s32 $0x7;
	v33 =	vor.u32 v10, v24;
	v10 =	vor.u32 v10, v15;
	v17 =	vsub.f32 $1.000000000e+00, v17  }
0x422: {  	v15 =	vadd.s32 v5, v18;
	v14 =	vmul.f32 $1.442695020e+00, v20;
	v20 =	vmov s30  }
0x423: {  	v15 =	vor.u32 v21, v15;
	[tilespmem:v19+s6+$0x0] =	vst.idx.msk $0xffff, v17;
	v17 =	vshll.u32 v20, $0xA  }
0x424: {  	v19 =	vpop (erf);
	(erf) = vpow2.f32 v14;
	v17 =	vand.u32 $0x6000, v17;
	v14 =	vshll.u32 v20, $0x7  }
0x425: {  	v28 =	vld.idx.msk [tilespmem:v9+s6+$0x0], $0xffff;
	v19 =	vadd.f32 $1.000000000e+00, v19;
	v20 =	vadd.s32 v7, v17;
	v34 =	vand.u32 $0x380, v14  }
0x426: {  	v29 =	vld.idx.msk [tilespmem:v12+s6+$0x0], $0xffff;
	v14 =	vor.u32 v34, v20  }
0x427: {  	v24 =	vpop (erf);
	(erf) = vrcp.f32 v19;
	v20 =	vor.u32 v6, v14  }
0x428: {  	s31 =	simm.s32 $0x6;
	v19 =	vor.u32 v4, v15;
	v14 =	vadd.s32 v1, v16;
	v16 =	vadd.f32 $1.000000000e+00, v24;
	v15 =	vpop (erf)  }
0x429: {  	v57 =	vmov s31;
	v15 =	vadd.f32 v15, v15  }
0x42a: {  	v24 =	vadd.s32 v5, v23;
	v35 =	vadd.f32 v28, v28;
	(erf) = vrcp.f32 v16  }
0x42b: {  	v29 =	vadd.f32 v29, v29;
	v28 =	vor.u32 v11, v14;
	v15 =	vsub.f32 $1.000000000e+00, v15  }
0x42c: {  	v11 =	vor.u32 v25, v24;
	v16 =	vadd.s32 v3, v23;
	v14 =	vmul.f32 $1.442695020e+00, v35;
	v54 =	vld.idx.msk [tilespmem:v20+s6+$0x0], $0xffff  }
0x42d: {  	v24 =	vmul.f32 $1.442695020e+00, v29;
	v29 =	vor.u32 v25, v16;
	v16 =	vadd.s32 v3, v18;
	v36 =	vpop (erf);
	[tilespmem:v22+s6+$0x0] =	vst.idx.msk $0xffff, v15  }
0x42e: {  	(erf) = vpow2.f32 v14;
	v14 =	vadd.s32 v1, v18;
	v15 =	vadd.f32 $1.000000000e+00, v36;
	v18 =	vld.idx.msk [tilespmem:v19+s6+$0x0], $0xffff  }
0x42f: {  	v55 =	vor.u32 v21, v16;
	v22 =	vadd.s32 v5, v17;
	(erf) = vpow2.f32 v24  }
0x430: {  	v16 =	vor.u32 v21, v14;
	v14 =	vadd.s32 v1, v23;
	v23 =	vpop (erf);
	(erf) = vrcp.f32 v15  }
0x431: {  	v24 =	vor.u32 v4, v11;
	v15 =	vadd.f32 v23, v23;
	v11 =	vadd.f32 v54, v54  }
0x432: {  	v58 =	vshll.u32 v57, $0xA;
	v38 =	vor.u32 v34, v22  }
0x433: {  	v15 =	vsub.f32 $1.000000000e+00, v15;
	v22 =	vpop (erf);
	v11 =	vmul.f32 $1.442695020e+00, v11;
	v18 =	vadd.f32 v18, v18  }
0x434: {  	v14 =	vor.u32 v25, v14;
	v25 =	vor.u32 v2, v33;
	v22 =	vadd.f32 v22, v22  }
0x435: {  	v39 =	vand.u32 $0x6000, v58;
	[tilespmem:v26+s6+$0x0] =	vst.idx.msk $0xffff, v15;
	(erf) = vpow2.f32 v11;
	v11 =	vmul.f32 $1.442695020e+00, v18  }
0x436: {  	v21 =	vadd.s32 v5, v30;
	v23 =	vadd.s32 v3, v30;
	v15 =	vld.idx.msk [tilespmem:v24+s6+$0x0], $0xffff;
	v18 =	vsub.f32 $1.000000000e+00, v22  }
0x437: {  	v56 =	vor.u32 v31, v21;
	v21 =	vadd.s32 v3, v17;
	v23 =	vor.u32 v31, v23;
	v26 =	vpop (erf)  }
0x438: {  	v22 =	vor.u32 v2, v32;
	v32 =	vadd.s32 v7, v39;
	v37 =	vpop (erf);
	[tilespmem:v13+s6+$0x0] =	vst.idx.msk $0xffff, v18  }
0x439: {  	v13 =	vshll.u32 v57, $0x7;
	(erf) = vpow2.f32 v11;
	v37 =	vadd.f32 $1.000000000e+00, v37;
	v18 =	vld.idx.msk [tilespmem:v25+s6+$0x0], $0xffff;
	v11 =	vpop (erf)  }
0x43a: {  	v26 =	vadd.f32 $1.000000000e+00, v26;
	v13 =	vand.u32 $0x300, v13;
	v11 =	vadd.f32 v11, v11  }
0x43b: {  	v32 =	vor.u32 v13, v32;
	(erf) = vrcp.f32 v37;
	v59 =	vadd.f32 v15, v15  }
0x43c: {  	v33 =	vor.u32 v6, v32;
	v15 =	vadd.s32 v1, v30;
	v30 =	vsub.f32 $1.000000000e+00, v11  }
0x43d: {  	s2 =	simm.s32 $0x9;
	(erf) = vrcp.f32 v26;
	v11 =	vadd.s32 v1, v17;
	v17 =	vmul.f32 $1.442695020e+00, v59  }
0x43e: {  	v15 =	vor.u32 v31, v15;
	v26 =	vpop (erf);
	[tilespmem:v8+s6+$0x0] =	vst.idx.msk $0xffff, v30;
	v8 =	vadd.f32 v18, v18;
	v18 =	vmov s2  }
0x43f: {  	(erf) = vpow2.f32 v17;
	v26 =	vadd.f32 $1.000000000e+00, v26;
	v31 =	vshll.u32 v18, $0xA  }
0x440: {  	v17 =	vmul.f32 $1.442695020e+00, v8;
	v31 =	vand.u32 $0x6000, v31;
	v8 =	vshll.u32 v18, $0x7  }
0x441: {  	v60 =	vadd.s32 v7, v31;
	v61 =	vand.u32 $0x380, v8  }
0x442: {  	v8 =	vor.u32 v0, v27;
	v27 =	vor.u32 v61, v60  }
0x443: {  	v30 =	vld.idx.msk [tilespmem:v22+s6+$0x0], $0xffff  }
0x444: {  	v18 =	vld.idx.msk [tilespmem:v33+s6+$0x0], $0xffff;
	(erf) = vrcp.f32 v26;
	v26 =	vpop (erf)  }
0x445: {  	v32 =	vor.u32 v6, v27;
	v27 =	vpop (erf)  }
0x446: {  	(erf) = vpow2.f32 v17;
	v26 =	vadd.f32 $1.000000000e+00, v26;
	v27 =	vadd.f32 v27, v27  }
0x447: {  	v37 =	vor.u32 v4, v56  }
0x448: {  	v30 =	vadd.f32 v30, v30;
	v40 =	vpop (erf);
	(erf) = vrcp.f32 v26;
	v27 =	vsub.f32 $1.000000000e+00, v27  }
0x449: {  	v18 =	vadd.f32 v18, v18  }
0x44a: {  	v17 =	vadd.s32 v5, v39;
	v30 =	vmul.f32 $1.442695020e+00, v30;
	v26 =	vadd.f32 v40, v40;
	[tilespmem:v12+s6+$0x0] =	vst.idx.msk $0xffff, v27;
	v12 =	vpop (erf)  }
0x44b: {  	v63 =	vor.u32 v13, v17;
	v17 =	vmul.f32 $1.442695020e+00, v18;
	v12 =	vadd.f32 $1.000000000e+00, v12  }
0x44c: {  	(erf) = vpow2.f32 v30;
	v18 =	vsub.f32 $1.000000000e+00, v26;
	v27 =	vld.idx.msk [tilespmem:v37+s6+$0x0], $0xffff  }
0x44d: {  	v21 =	vor.u32 v34, v21;
	v11 =	vor.u32 v34, v11;
	v41 =	vld.idx.msk [tilespmem:v32+s6+$0x0], $0xffff;
	(erf) = vpow2.f32 v17  }
0x44e: {  	v62 =	vadd.s32 v5, v31;
	v30 =	vadd.s32 v3, v39;
	[tilespmem:v9+s6+$0x0] =	vst.idx.msk $0xffff, v18;
	v9 =	vpop (erf);
	(erf) = vrcp.f32 v12  }
0x44f: {  	v26 =	vadd.s32 v3, v31;
	v31 =	vadd.s32 v1, v31;
	v17 =	vor.u32 v13, v30;
	v12 =	vpop (erf)  }
0x450: {  	v18 =	vor.u32 v61, v26;
	v26 =	vor.u32 v4, v38;
	v42 =	vadd.f32 $1.000000000e+00, v12  }
0x451: {  	v30 =	vld.idx.msk [tilespmem:v8+s6+$0x0], $0xffff;
	v9 =	vadd.f32 v9, v9;
	v12 =	vor.u32 v61, v31;
	v31 =	vadd.f32 v27, v27;
	v44 =	vpop (erf)  }
0x452: {  	v43 =	vadd.f32 v41, v41;
	v34 =	vadd.f32 v44, v44;
	(erf) = vrcp.f32 v42  }
0x453: {  	v9 =	vsub.f32 $1.000000000e+00, v9;
	v31 =	vmul.f32 $1.442695020e+00, v31  }
0x454: {  	s29 =	simm.s32 $0x8;
	v45 =	vmul.f32 $1.442695020e+00, v43;
	v27 =	vor.u32 v2, v55;
	v34 =	vsub.f32 $1.000000000e+00, v34  }
0x455: {  	v47 =	vmov s29;
	[tilespmem:v20+s6+$0x0] =	vst.idx.msk $0xffff, v9;
	v9 =	vor.u32 v0, v28;
	v20 =	vor.u32 v2, v29;
	v46 =	vpop (erf)  }
0x456: {  	v28 =	vadd.f32 v30, v30;
	v30 =	vld.idx.msk [tilespmem:v26+s6+$0x0], $0xffff;
	(erf) = vpow2.f32 v45;
	v29 =	vpop (erf);
	[tilespmem:v19+s6+$0x0] =	vst.idx.msk $0xffff, v34;
	v19 =	vshll.u32 v47, $0xA  }
0x457: {  	(erf) = vpow2.f32 v31;
	v31 =	vpop (erf);
	v50 =	vand.u32 $0x6000, v19  }
0x458: {  	v48 =	vshll.u32 v47, $0x7;
	v19 =	vadd.f32 v31, v31;
	v31 =	vadd.s32 v7, v50  }
0x459: {  	v51 =	vand.u32 $0x300, v48;
	v10 =	vor.u32 v0, v10;
	s30 =	simm.s32 $0xB;
	v29 =	vadd.f32 $1.000000000e+00, v29;
	v49 =	vld.idx.msk [tilespmem:v27+s6+$0x0], $0xffff  }
0x45a: {  	v53 =	vmov s30;
	v36 =	vadd.f32 $1.000000000e+00, v46;
	v28 =	vmul.f32 $1.442695020e+00, v28  }
0x45b: {  	(erf) = vrcp.f32 v29;
	v30 =	vadd.f32 v30, v30;
	v29 =	vor.u32 v51, v31;
	v31 =	vpop (erf)  }
0x45c: {  	(erf) = vrcp.f32 v36;
	v19 =	vsub.f32 $1.000000000e+00, v19;
	v31 =	vadd.f32 v31, v31  }
0x45d: {  	v30 =	vmul.f32 $1.442695020e+00, v30;
	v29 =	vor.u32 v6, v29;
	(erf) = vpow2.f32 v28  }
0x45e: {  	v52 =	vadd.f32 v49, v49;
	[tilespmem:v24+s6+$0x0] =	vst.idx.msk $0xffff, v19;
	v24 =	vshll.u32 v53, $0xA;
	v19 =	vsub.f32 $1.000000000e+00, v31  }
0x45f: {  	v54 =	vpop (erf);
	(erf) = vpow2.f32 v30;
	v24 =	vand.u32 $0x6000, v24;
	v31 =	vshll.u32 v53, $0x7  }
0x460: {  	v55 =	vld.idx.msk [tilespmem:v20+s6+$0x0], $0xffff;
	v30 =	vadd.f32 $1.000000000e+00, v54;
	v43 =	vand.u32 $0x380, v31;
	[tilespmem:v25+s6+$0x0] =	vst.idx.msk $0xffff, v19;
	v19 =	vadd.s32 v7, v24  }
0x461: {  	v16 =	vor.u32 v0, v16;
	v14 =	vor.u32 v0, v14;
	v19 =	vor.u32 v43, v19  }
0x462: {  	v39 =	vadd.s32 v1, v39;
	v56 =	vmul.f32 $1.442695020e+00, v52;
	v42 =	vld.idx.msk [tilespmem:v29+s6+$0x0], $0xffff;
	v25 =	vpop (erf);
	(erf) = vrcp.f32 v30  }
0x463: {  	v35 =	vor.u32 v61, v62;
	v13 =	vor.u32 v13, v39;
	v44 =	vld.idx.msk [tilespmem:v10+s6+$0x0], $0xffff;
	v25 =	vadd.f32 $1.000000000e+00, v25  }
0x464: {  	v39 =	vadd.s32 v1, v50;
	v31 =	vor.u32 v6, v19;
	v19 =	vpop (erf);
	(erf) = vpow2.f32 v56  }
0x465: {  	v28 =	vadd.s32 v5, v50;
	v38 =	vadd.f32 v55, v55;
	v57 =	vpop (erf);
	(erf) = vrcp.f32 v25  }
0x466: {  	v34 =	vor.u32 v51, v28;
	v28 =	vor.u32 v4, v63;
	v19 =	vadd.f32 v19, v19  }
0x467: {  	v58 =	vadd.f32 v42, v42;
	v38 =	vmul.f32 $1.442695020e+00, v38;
	v36 =	vadd.f32 v57, v57  }
0x468: {  	v63 =	vadd.s32 v3, v50;
	v59 =	vadd.f32 v44, v44;
	v19 =	vsub.f32 $1.000000000e+00, v19  }
0x469: {  	v60 =	vadd.s32 v3, v24;
	v40 =	vmul.f32 $1.442695020e+00, v58;
	v25 =	vpop (erf);
	(erf) = vpow2.f32 v38;
	v61 =	vld.idx.msk [tilespmem:v31+s6+$0x0], $0xffff  }
0x46a: {  	v45 =	vpop (erf);
	v46 =	vadd.f32 $1.000000000e+00, v25;
	v36 =	vsub.f32 $1.000000000e+00, v36;
	v25 =	vmul.f32 $1.442695020e+00, v59;
	[tilespmem:v33+s6+$0x0] =	vst.idx.msk $0xffff, v19  }
0x46b: {  	v30 =	vadd.s32 v5, v24;
	(erf) = vpow2.f32 v40;
	v45 =	vadd.f32 $1.000000000e+00, v45;
	v44 =	vpop (erf);
	v62 =	vld.idx.msk [tilespmem:v28+s6+$0x0], $0xffff  }
0x46c: {  	[tilespmem:v22+s6+$0x0] =	vst.idx.msk $0xffff, v36;
	(erf) = vpow2.f32 v25;
	v48 =	vadd.f32 v44, v44;
	v36 =	vor.u32 v4, v35  }
0x46d: {  	v24 =	vadd.s32 v1, v24;
	v25 =	vor.u32 v51, v39;
	v35 =	vor.u32 v2, v23;
	v47 =	vld.idx.msk [tilespmem:v9+s6+$0x0], $0xffff;
	v49 =	vpop (erf)  }
0x46e: {  	(erf) = vrcp.f32 v45;
	v33 =	vadd.f32 v61, v61;
	v39 =	vsub.f32 $1.000000000e+00, v48;
	v23 =	vpop (erf)  }
0x46f: {  	(erf) = vrcp.f32 v46;
	v50 =	vadd.f32 $1.000000000e+00, v49;
	v23 =	vadd.f32 v23, v23  }
0x470: {  	v30 =	vor.u32 v43, v30;
	v24 =	vor.u32 v43, v24;
	[tilespmem:v32+s6+$0x0] =	vst.idx.msk $0xffff, v39  }
0x471: {  	v33 =	vmul.f32 $1.442695020e+00, v33;
	v38 =	vadd.f32 v62, v62;
	v52 =	vld.idx.msk [tilespmem:v36+s6+$0x0], $0xffff;
	(erf) = vrcp.f32 v50  }
0x472: {  	v19 =	vor.u32 v43, v60;
	v22 =	vor.u32 v51, v63;
	v40 =	vadd.f32 v47, v47  }
0x473: {  	s31 =	simm.s32 $0xA;
	v38 =	vmul.f32 $1.442695020e+00, v38;
	(erf) = vpow2.f32 v33;
	v51 =	vsub.f32 $1.000000000e+00, v23;
	v23 =	vpop (erf)  }
0x474: {  	v33 =	vor.u32 v2, v21;
	v21 =	vmov s31;
	v55 =	vmul.f32 $1.442695020e+00, v40;
	v53 =	vpop (erf)  }
0x475: {  	v57 =	vshll.u32 v21, $0xA;
	v21 =	vshll.u32 v21, $0x7;
	v54 =	vadd.f32 $1.000000000e+00, v23;
	v23 =	vpop (erf)  }
0x476: {  	(erf) = vpow2.f32 v38;
	[tilespmem:v37+s6+$0x0] =	vst.idx.msk $0xffff, v51;
	v41 =	vadd.f32 v52, v52;
	v59 =	vadd.f32 $1.000000000e+00, v23  }
0x477: {  	v21 =	vand.u32 $0x300, v21;
	v39 =	vld.idx.msk [tilespmem:v35+s6+$0x0], $0xffff;
	v56 =	vadd.f32 $1.000000000e+00, v53;
	v58 =	vpop (erf);
	v23 =	vand.u32 $0x6000, v57  }
0x478: {  	v40 =	vmul.f32 $1.442695020e+00, v41;
	v60 =	vpop (erf);
	v61 =	vadd.s32 v7, v23;
	(erf) = vrcp.f32 v59  }
0x479: {  	v38 =	vadd.f32 v58, v58;
	v62 =	vor.u32 v21, v61;
	(erf) = vrcp.f32 v56  }
0x47a: {  	v32 =	vadd.f32 v60, v60;
	v37 =	vor.u32 v6, v62;
	v63 =	vpop (erf);
	(erf) = vrcp.f32 v54  }
0x47b: {  	s28 =	simm.s32 $0xC;
	v42 =	vsub.f32 $1.000000000e+00, v38;
	v41 =	vadd.f32 v63, v63;
	(erf) = vpow2.f32 v55  }
.LBB2_11:
0x47c: {  	s0 =	sadd.s32 $0x1, s28;
	v43 =	vadd.s32 v5, v23;
	v44 =	vpop (erf);
	v39 =	vadd.f32 v39, v39;
	v32 =	vsub.f32 $1.000000000e+00, v32  }
0x47d: {  	p0 =	slt.u32 s28, $0x1E;
	[tilespmem:v26+s6+$0x0] =	vst.idx.msk $0xffff, v42;
	v38 =	vmovc v25;
	v26 =	vmovc v36;
	v42 =	vmov v11;
	v11 =	vmov v12;
	v12 =	vmov v24;
	s2 =	smov.u32 s28;
	s28 =	sadd.s32 $0x2, s28  }
0x47e: {  	v24 =	vmov s0;
	v25 =	vadd.f32 $1.000000000e+00, v44;
	v36 =	vld.idx.msk [tilespmem:v33+s6+$0x0], $0xffff;
	v41 =	vsub.f32 $1.000000000e+00, v41  }
0x47f: {  	v44 =	vshll.u32 v24, $0xA;
	(erf) = vpow2.f32 v40;
	v40 =	vpop (erf);
	v39 =	vmul.f32 $1.442695020e+00, v39;
	[tilespmem:v8+s6+$0x0] =	vst.idx.msk $0xffff, v32  }
0x480: {  	v43 =	vor.u32 v21, v43;
	v45 =	vshll.u32 v24, $0x7;
	v32 =	vand.u32 $0x6000, v44;
	v24 =	vld.idx.msk [tilespmem:v37+s6+$0x0], $0xffff;
	[tilespmem:v27+s6+$0x0] =	vst.idx.msk $0xffff, v41  }
0x481: {  	v8 =	vmovc v9;
	v44 =	vand.u32 $0x380, v45;
	v27 =	vmovc v35;
	v46 =	vadd.s32 v7, v32;
	(erf) = vrcp.f32 v25;
	v25 =	vld.idx.msk [tilespmem:v16+s6+$0x0], $0xffff  }
0x482: {  	v40 =	vadd.f32 $1.000000000e+00, v40;
	v35 =	vadd.s32 v5, v32;
	v47 =	vor.u32 v44, v46;
	v41 =	vpop (erf)  }
0x483: {  	v46 =	vor.u32 v4, v34;
	v45 =	vor.u32 v6, v47;
	v9 =	vpop (erf);
	v49 =	vadd.f32 v41, v41  }
0x484: {  	v36 =	vadd.f32 v36, v36;
	v50 =	vadd.f32 v9, v9;
	(erf) = vpow2.f32 v39;
	v39 =	vpop (erf)  }
0x485: {  	v35 =	vor.u32 v44, v35;
	v39 =	vadd.f32 v39, v39;
	v41 =	vpop (erf);
	v47 =	vsub.f32 $1.000000000e+00, v49  }
0x486: {  	v34 =	vmovc v43;
	v9 =	vmovc v14;
	v24 =	vadd.f32 v24, v24;
	v48 =	vsub.f32 $1.000000000e+00, v50;
	(erf) = vrcp.f32 v40  }
0x487: {  	v36 =	vmul.f32 $1.442695020e+00, v36;
	v25 =	vadd.f32 v25, v25;
	v39 =	vsub.f32 $1.000000000e+00, v39;
	[tilespmem:v10+s6+$0x0] =	vst.idx.msk $0xffff, v47;
	v10 =	vmovc v16  }
0x488: {  	v40 =	vadd.s32 v3, v32;
	v41 =	vadd.f32 $1.000000000e+00, v41;
	v49 =	vmul.f32 $1.442695020e+00, v24;
	v16 =	vld.idx.msk [tilespmem:v45+s6+$0x0], $0xffff;
	[tilespmem:v29+s6+$0x0] =	vst.idx.msk $0xffff, v48;
	v29 =	vpop (erf)  }
0x489: {  	v25 =	vmul.f32 $1.442695020e+00, v25;
	v43 =	vld.idx.msk [tilespmem:v46+s6+$0x0], $0xffff;
	v47 =	vadd.f32 $1.000000000e+00, v29;
	(erf) = vpow2.f32 v36;
	[tilespmem:v20+s6+$0x0] =	vst.idx.msk $0xffff, v39;
	v20 =	vmovc v33  }
0x48a: {  	v40 =	vor.u32 v44, v40;
	v36 =	vadd.s32 v3, v23;
	(erf) = vpow2.f32 v49;
	v24 =	vpop (erf);
	v33 =	vld.idx.msk [tilespmem:v14+s6+$0x0], $0xffff  }
0x48b: {  	v23 =	vadd.s32 v1, v23;
	v29 =	vmovc v37;
	v14 =	vor.u32 v21, v36;
	(erf) = vpow2.f32 v25  }
0x48c: {  	v25 =	vor.u32 v21, v23;
	v21 =	vadd.f32 v24, v24;
	(erf) = vrcp.f32 v47  }
0x48d: {  	v36 =	vor.u32 v4, v30;
	v23 =	vadd.s32 v1, v32;
	v30 =	vpop (erf);
	(erf) = vrcp.f32 v41  }
0x48e: {  	v24 =	vor.u32 v44, v23;
	v16 =	vadd.f32 v16, v16;
	v23 =	vadd.f32 $1.000000000e+00, v30;
	v30 =	vmovc v35  }
0x48f: {  	v21 =	vsub.f32 $1.000000000e+00, v21;
	v39 =	vadd.f32 v43, v43;
	v35 =	vor.u32 v2, v17;
	v17 =	vpop (erf)  }
0x490: {  	v16 =	vmul.f32 $1.442695020e+00, v16;
	v37 =	vadd.f32 v17, v17;
	(erf) = vrcp.f32 v23;
	v17 =	vmovc v22;
	v22 =	vmovc v14  }
0x491: {  	v39 =	vmul.f32 $1.442695020e+00, v39;
	v14 =	vor.u32 v0, v42;
	v23 =	vadd.f32 v33, v33;
	[tilespmem:v31+s6+$0x0] =	vst.idx.msk $0xffff, v21  }
0x492: {  	(erf) = vpow2.f32 v16;
	v41 =	vld.idx.msk [tilespmem:v36+s6+$0x0], $0xffff;
	v31 =	vsub.f32 $1.000000000e+00, v37;
	v32 =	vpop (erf);
	v16 =	vor.u32 v0, v15  }
0x493: {  	v33 =	vor.u32 v2, v18;
	v44 =	vmul.f32 $1.442695020e+00, v23;
	v15 =	vpop (erf);
	v43 =	vadd.f32 $1.000000000e+00, v32  }
0x494: {  	v37 =	vmov s2;
	v15 =	vadd.f32 $1.000000000e+00, v15;
	(erf) = vpow2.f32 v39;
	[tilespmem:v28+s6+$0x0] =	vst.idx.msk $0xffff, v31;
	v21 =	vpop (erf)  }
0x495: {  	v23 =	vshll.u32 v37, $0xA;
	v32 =	vshll.u32 v37, $0x7;
	v28 =	vpop (erf);
	v39 =	vld.idx.msk [tilespmem:v35+s6+$0x0], $0xffff;
	v47 =	vadd.f32 $1.000000000e+00, v21  }
.Ltmp5:
0x496: {  	v23 =	vand.u32 $0x6000, v23;
	v21 =	vand.u32 $0x300, v32;
	v42 =	vadd.f32 v28, v28;
	v18 =	vpop (erf);
	(pc) =	sbr.rel @p0 .LBB2_11-.Ltmp5, $4  }
0x497: {  	v37 =	vadd.s32 v7, v23;
	v31 =	vmovc v45;
	v28 =	vmovc v46;
	v32 =	vadd.f32 v18, v18;
	(erf) = vrcp.f32 v47  }
0x498: {  	v37 =	vor.u32 v21, v37;
	v41 =	vadd.f32 v41, v41;
	v18 =	vmovc v19;
	v19 =	vmovc v40;
	(erf) = vrcp.f32 v15  }
0x499: {  	v37 =	vor.u32 v6, v37;
	v42 =	vsub.f32 $1.000000000e+00, v42;
	(erf) = vrcp.f32 v43;
	v15 =	vpop (erf)  }
0x49a: {  	v40 =	vmul.f32 $1.442695020e+00, v41;
	v41 =	vadd.f32 v15, v15;
	(erf) = vpow2.f32 v44;
	v15 =	vmovc v13;
	v13 =	vmovc v38  }
0x49b: {  	_ =	sdelay $0x3  }
0x49c: {  	[tilespmem:v26+s6+$0x0] =	vst.idx.msk $0xffff, v42;
	v6 =	vsub.f32 $1.000000000e+00, v41  }
0x49d: {  	v48 =	vpop (erf);
	v7 =	vld.idx.msk [tilespmem:v33+s6+$0x0], $0xffff  }
0x49e: {  	v47 =	vld.idx.msk [tilespmem:v37+s6+$0x0], $0xffff;
	v49 =	vadd.f32 v39, v39;
	[tilespmem:v27+s6+$0x0] =	vst.idx.msk $0xffff, v6;
	v6 =	vadd.f32 $1.000000000e+00, v48  }
0x49f: {  	v38 =	vld.idx.msk [tilespmem:v16+s6+$0x0], $0xffff  }
0x4a0: {  	(erf) = vpow2.f32 v40;
	v27 =	vmul.f32 $1.442695020e+00, v49  }
0x4a1: {  	v50 =	vpop (erf);
	(erf) = vrcp.f32 v6  }
0x4a2: {  	v7 =	vadd.f32 v7, v7;
	v6 =	vpop (erf);
	(erf) = vpow2.f32 v27  }
0x4a3: {  	v39 =	vadd.f32 $1.000000000e+00, v50;
	v26 =	vadd.f32 v47, v47  }
0x4a4: {  	v27 =	vor.u32 v4, v34;
	v51 =	vpop (erf);
	v7 =	vmul.f32 $1.442695020e+00, v7;
	v38 =	vadd.f32 v38, v38  }
0x4a5: {  	v26 =	vmul.f32 $1.442695020e+00, v26;
	(erf) = vrcp.f32 v39;
	v34 =	vadd.f32 v51, v51  }
0x4a6: {  	(erf) = vpow2.f32 v7;
	v52 =	vmul.f32 $1.442695020e+00, v38  }
0x4a7: {  	v53 =	vpop (erf);
	v34 =	vsub.f32 $1.000000000e+00, v34;
	(erf) = vpow2.f32 v26  }
0x4a8: {  	v54 =	vpop (erf);
	(erf) = vpow2.f32 v52  }
0x4a9: {  	v55 =	vpop (erf);
	[tilespmem:v29+s6+$0x0] =	vst.idx.msk $0xffff, v34  }
0x4aa: {  	v29 =	vadd.f32 $1.000000000e+00, v55;
	v34 =	vld.idx.msk [tilespmem:v27+s6+$0x0], $0xffff;
	v56 =	vpop (erf)  }
0x4ab: {  	v7 =	vadd.f32 $1.000000000e+00, v54;
	v26 =	vadd.f32 v53, v53;
	v57 =	vpop (erf)  }
0x4ac: {  	(erf) = vrcp.f32 v29;
	v38 =	vadd.f32 v56, v56;
	v58 =	vadd.f32 $1.000000000e+00, v57  }
0x4ad: {  	v30 =	vor.u32 v4, v30;
	(erf) = vrcp.f32 v7  }
0x4ae: {  	v26 =	vsub.f32 $1.000000000e+00, v26;
	v59 =	vpop (erf);
	v38 =	vsub.f32 $1.000000000e+00, v38;
	(erf) = vrcp.f32 v58  }
0x4af: {  	v17 =	vor.u32 v2, v17;
	v7 =	vadd.f32 v59, v59;
	v34 =	vadd.f32 v34, v34;
	v60 =	vpop (erf)  }
0x4b0: {  	[tilespmem:v20+s6+$0x0] =	vst.idx.msk $0xffff, v26;
	v61 =	vpop (erf)  }
0x4b1: {  	v40 =	vld.idx.msk [tilespmem:v14+s6+$0x0], $0xffff;
	[tilespmem:v31+s6+$0x0] =	vst.idx.msk $0xffff, v38;
	v7 =	vsub.f32 $1.000000000e+00, v7;
	v62 =	vmul.f32 $1.442695020e+00, v34;
	v63 =	vpop (erf)  }
0x4b2: {  	v31 =	vld.idx.msk [tilespmem:v30+s6+$0x0], $0xffff;
	v26 =	vadd.f32 $1.000000000e+00, v63  }
0x4b3: {  	v41 =	vadd.f32 $1.000000000e+00, v61;
	[tilespmem:v28+s6+$0x0] =	vst.idx.msk $0xffff, v7;
	(erf) = vpow2.f32 v62  }
0x4b4: {  	v42 =	vld.idx.msk [tilespmem:v17+s6+$0x0], $0xffff;
	(erf) = vrcp.f32 v26  }
0x4b5: {  	v43 =	vpop (erf);
	(erf) = vrcp.f32 v41  }
0x4b6: {  	v44 =	vadd.f32 v40, v40;
	v7 =	vor.u32 v0, v15;
	v26 =	vadd.f32 v43, v43;
	v15 =	vpop (erf)  }
0x4b7: {  	v18 =	vor.u32 v2, v18;
	v29 =	vadd.f32 $1.000000000e+00, v60;
	v31 =	vadd.f32 v31, v31;
	v45 =	vpop (erf)  }
0x4b8: {  	v28 =	vmul.f32 $1.442695020e+00, v44;
	v26 =	vsub.f32 $1.000000000e+00, v26;
	v34 =	vadd.f32 v45, v45  }
0x4b9: {  	(erf) = vrcp.f32 v29;
	v46 =	vmul.f32 $1.442695020e+00, v31;
	v20 =	vadd.f32 v42, v42  }
0x4ba: {  	(erf) = vpow2.f32 v28;
	v47 =	vsub.f32 $1.000000000e+00, v34  }
0x4bb: {  	[tilespmem:v36+s6+$0x0] =	vst.idx.msk $0xffff, v26;
	(erf) = vpow2.f32 v46;
	v20 =	vmul.f32 $1.442695020e+00, v20  }
0x4bc: {  	v50 =	vld.idx.msk [tilespmem:v18+s6+$0x0], $0xffff;
	v48 =	vpop (erf);
	[tilespmem:v35+s6+$0x0] =	vst.idx.msk $0xffff, v47  }
0x4bd: {  	v49 =	vadd.s32 v5, v23;
	v26 =	vadd.f32 $1.000000000e+00, v48;
	v5 =	vpop (erf);
	v52 =	vld.idx.msk [tilespmem:v7+s6+$0x0], $0xffff;
	(erf) = vpow2.f32 v20  }
0x4be: {  	v51 =	vor.u32 v21, v49;
	v53 =	vpop (erf)  }
0x4bf: {  	v20 =	vor.u32 v4, v51;
	(erf) = vrcp.f32 v26;
	v54 =	vadd.f32 v53, v53;
	_ =	sdelay $0x1  }
0x4c0: {  	v55 =	vadd.f32 v50, v50;
	v4 =	vsub.f32 $1.000000000e+00, v54  }
0x4c1: {  	v56 =	vpop (erf);
	v29 =	vadd.f32 v52, v52  }
0x4c2: {  	v57 =	vpop (erf);
	v26 =	vmul.f32 $1.442695020e+00, v55;
	[tilespmem:v37+s6+$0x0] =	vst.idx.msk $0xffff, v4  }
0x4c3: {  	v59 =	vpop (erf);
	v58 =	vld.idx.msk [tilespmem:v20+s6+$0x0], $0xffff;
	v29 =	vmul.f32 $1.442695020e+00, v29  }
0x4c4: {  	v34 =	vadd.f32 $1.000000000e+00, v59;
	(erf) = vpow2.f32 v26  }
0x4c5: {  	v60 =	vadd.f32 v56, v56;
	v61 =	vadd.f32 $1.000000000e+00, v57;
	(erf) = vpow2.f32 v29;
	v62 =	vpop (erf)  }
0x4c6: {  	v4 =	vor.u32 v0, v11;
	(erf) = vrcp.f32 v34;
	v63 =	vadd.f32 $1.000000000e+00, v62  }
0x4c7: {  	v22 =	vor.u32 v2, v22;
	v26 =	vsub.f32 $1.000000000e+00, v60;
	v35 =	vpop (erf);
	(erf) = vrcp.f32 v61  }
0x4c8: {  	v29 =	vadd.f32 v35, v35;
	v34 =	vadd.f32 v58, v58;
	(erf) = vrcp.f32 v63;
	_ =	sdelay $0x1  }
0x4c9: {  	[tilespmem:v33+s6+$0x0] =	vst.idx.msk $0xffff, v26;
	v37 =	vsub.f32 $1.000000000e+00, v29;
	v36 =	vmul.f32 $1.442695020e+00, v34  }
0x4ca: {  	v38 =	vld.idx.msk [tilespmem:v4+s6+$0x0], $0xffff  }
0x4cb: {  	[tilespmem:v27+s6+$0x0] =	vst.idx.msk $0xffff, v37;
	(erf) = vpow2.f32 v36  }
0x4cc: {  	v39 =	vpop (erf);
	v26 =	vld.idx.msk [tilespmem:v22+s6+$0x0], $0xffff  }
0x4cd: {  	v40 =	vpop (erf)  }
0x4ce: {  	v41 =	vpop (erf)  }
0x4cf: {  	v42 =	vadd.f32 $1.000000000e+00, v39;
	v28 =	vadd.f32 v38, v38;
	v33 =	vpop (erf)  }
0x4d0: {  	v19 =	vor.u32 v2, v19;
	v27 =	vadd.f32 $1.000000000e+00, v40;
	v29 =	vadd.f32 v41, v41;
	v43 =	vpop (erf)  }
0x4d1: {  	v11 =	vor.u32 v0, v13;
	v26 =	vadd.f32 v26, v26;
	v44 =	vadd.f32 v43, v43  }
0x4d2: {  	v28 =	vmul.f32 $1.442695020e+00, v28;
	(erf) = vrcp.f32 v27;
	v45 =	vsub.f32 $1.000000000e+00, v29  }
0x4d3: {  	(erf) = vrcp.f32 v42;
	v26 =	vmul.f32 $1.442695020e+00, v26;
	v13 =	vsub.f32 $1.000000000e+00, v44  }
0x4d4: {  	(erf) = vpow2.f32 v28;
	[tilespmem:v30+s6+$0x0] =	vst.idx.msk $0xffff, v45;
	v46 =	vpop (erf)  }
0x4d5: {  	v47 =	vld.idx.msk [tilespmem:v19+s6+$0x0], $0xffff;
	(erf) = vpow2.f32 v26;
	[tilespmem:v17+s6+$0x0] =	vst.idx.msk $0xffff, v13;
	v48 =	vadd.f32 $1.000000000e+00, v46  }
0x4d6: {  	v17 =	vld.idx.msk [tilespmem:v11+s6+$0x0], $0xffff  }
0x4d7: {  	(erf) = vrcp.f32 v48;
	_ =	sdelay $0x2  }
0x4d8: {  	v49 =	vadd.f32 v47, v47  }
0x4d9: {  	v50 =	vpop (erf);
	v17 =	vadd.f32 v17, v17  }
0x4da: {  	v51 =	vpop (erf);
	v13 =	vmul.f32 $1.442695020e+00, v49  }
0x4db: {  	v3 =	vadd.s32 v3, v23;
	v12 =	vor.u32 v0, v12;
	v52 =	vpop (erf);
	v17 =	vmul.f32 $1.442695020e+00, v17  }
0x4dc: {  	v3 =	vor.u32 v21, v3;
	v28 =	vadd.f32 $1.000000000e+00, v52;
	(erf) = vpow2.f32 v13;
	v53 =	vpop (erf)  }
0x4dd: {  	v27 =	vadd.f32 v51, v51;
	v13 =	vadd.f32 $1.000000000e+00, v53;
	(erf) = vpow2.f32 v17  }
0x4de: {  	v56 =	vor.u32 v2, v3;
	(erf) = vrcp.f32 v28;
	v55 =	vpop (erf)  }
0x4df: {  	v54 =	vsub.f32 $1.000000000e+00, v27;
	v57 =	vadd.f32 v55, v55;
	(erf) = vrcp.f32 v13;
	_ =	sdelay $0x1  }
0x4e0: {  	[tilespmem:v18+s6+$0x0] =	vst.idx.msk $0xffff, v54;
	v3 =	vsub.f32 $1.000000000e+00, v57  }
0x4e1: {  	v58 =	vld.idx.msk [tilespmem:v12+s6+$0x0], $0xffff  }
0x4e2: {  	[tilespmem:v20+s6+$0x0] =	vst.idx.msk $0xffff, v3  }
0x4e3: {  	v3 =	vld.idx.msk [tilespmem:v56+s6+$0x0], $0xffff  }
0x4e4: {  	v59 =	vpop (erf)  }
0x4e5: {  	v60 =	vpop (erf)  }
0x4e6: {  	v13 =	vadd.f32 v58, v58;
	v61 =	vpop (erf)  }
0x4e7: {  	v17 =	vadd.f32 $1.000000000e+00, v59;
	v18 =	vadd.f32 $1.000000000e+00, v60;
	v62 =	vpop (erf)  }
0x4e8: {  	v25 =	vor.u32 v0, v25;
	v27 =	vadd.f32 v62, v62;
	v3 =	vadd.f32 v3, v3  }
0x4e9: {  	v13 =	vmul.f32 $1.442695020e+00, v13;
	(erf) = vrcp.f32 v18  }
0x4ea: {  	(erf) = vrcp.f32 v17;
	v63 =	vsub.f32 $1.000000000e+00, v27;
	v3 =	vmul.f32 $1.442695020e+00, v3  }
0x4eb: {  	(erf) = vpow2.f32 v13  }
0x4ec: {  	[tilespmem:v22+s6+$0x0] =	vst.idx.msk $0xffff, v63;
	(erf) = vpow2.f32 v3  }
0x4ed: {  	v27 =	vld.idx.msk [tilespmem:v25+s6+$0x0], $0xffff;
	_ =	sdelay $0x4  }
0x4ee: {  	v28 =	vpop (erf);
	v3 =	vadd.f32 v27, v27  }
0x4ef: {  	v29 =	vpop (erf)  }
0x4f0: {  	v30 =	vpop (erf);
	v3 =	vmul.f32 $1.442695020e+00, v3  }
0x4f1: {  	v18 =	vadd.f32 $1.000000000e+00, v30;
	v31 =	vpop (erf)  }
0x4f2: {  	(erf) = vpow2.f32 v3;
	v34 =	vadd.f32 $1.000000000e+00, v31  }
0x4f3: {  	(erf) = vrcp.f32 v18  }
0x4f4: {  	(erf) = vrcp.f32 v34;
	_ =	sdelay $0x6  }
0x4f5: {  	v35 =	vpop (erf)  }
0x4f6: {  	v1 =	vadd.s32 v1, v23;
	v18 =	vpop (erf)  }
0x4f7: {  	v1 =	vor.u32 v21, v1;
	v36 =	vor.u32 v0, v24;
	v17 =	vadd.f32 v29, v29;
	v37 =	vpop (erf)  }
0x4f8: {  	v38 =	vor.u32 v0, v1;
	v39 =	vadd.f32 v37, v37  }
0x4f9: {  	v17 =	vsub.f32 $1.000000000e+00, v17  }
0x4fa: {  	v1 =	vsub.f32 $1.000000000e+00, v39  }
0x4fb: {  	[tilespmem:v19+s6+$0x0] =	vst.idx.msk $0xffff, v17  }
0x4fc: {  	v17 =	vld.idx.msk [tilespmem:v36+s6+$0x0], $0xffff;
	[tilespmem:v56+s6+$0x0] =	vst.idx.msk $0xffff, v1  }
0x4fd: {  	v1 =	vld.idx.msk [tilespmem:v38+s6+$0x0], $0xffff;
	_ =	sdelay $0x3  }
0x4fe: {  	v40 =	vadd.f32 v17, v17  }
0x4ff: {  	v3 =	vadd.f32 $1.000000000e+00, v35;
	v1 =	vadd.f32 v1, v1  }
0x500: {  	v2 =	vmul.f32 $1.442695020e+00, v40  }
0x501: {  	(erf) = vrcp.f32 v3;
	v1 =	vmul.f32 $1.442695020e+00, v1  }
0x502: {  	(erf) = vpow2.f32 v2  }
0x503: {  	(erf) = vpow2.f32 v1;
	_ =	sdelay $0x6  }
0x504: {  	v41 =	vpop (erf)  }
0x505: {  	v2 =	vpop (erf)  }
0x506: {  	v2 =	vadd.f32 $1.000000000e+00, v2;
	v42 =	vpop (erf)  }
0x507: {  	v3 =	vadd.f32 $1.000000000e+00, v42  }
0x508: {  	(erf) = vrcp.f32 v2  }
0x509: {  	v45 =	vadd.f32 v15, v15;
	(erf) = vrcp.f32 v3  }
0x50a: {  	v5 =	vadd.f32 v5, v5;
	v44 =	vsub.f32 $1.000000000e+00, v32  }
0x50b: {  	v46 =	vsub.f32 $1.000000000e+00, v45;
	v47 =	vadd.f32 v33, v33  }
0x50c: {  	[tilespmem:v8+s6+$0x0] =	vst.idx.msk $0xffff, v44;
	v48 =	vsub.f32 $1.000000000e+00, v5;
	v49 =	vadd.f32 v50, v50  }
0x50d: {  	[tilespmem:v9+s6+$0x0] =	vst.idx.msk $0xffff, v46;
	v50 =	vsub.f32 $1.000000000e+00, v47;
	v51 =	vadd.f32 v61, v61  }
0x50e: {  	[tilespmem:v16+s6+$0x0] =	vst.idx.msk $0xffff, v48;
	v52 =	vsub.f32 $1.000000000e+00, v49;
	v55 =	vadd.f32 v18, v18  }
0x50f: {  	[tilespmem:v14+s6+$0x0] =	vst.idx.msk $0xffff, v50;
	v54 =	vsub.f32 $1.000000000e+00, v51;
	v53 =	vadd.f32 v28, v28  }
0x510: {  	v43 =	vadd.f32 v6, v6;
	[tilespmem:v7+s6+$0x0] =	vst.idx.msk $0xffff, v52;
	v58 =	vsub.f32 $1.000000000e+00, v55  }
0x511: {  	[tilespmem:v4+s6+$0x0] =	vst.idx.msk $0xffff, v54;
	v56 =	vsub.f32 $1.000000000e+00, v53;
	v1 =	vadd.f32 v41, v41;
	v57 =	vpop (erf)  }
0x512: {  	[tilespmem:v12+s6+$0x0] =	vst.idx.msk $0xffff, v58;
	v2 =	vsub.f32 $1.000000000e+00, v43;
	v59 =	vadd.f32 v57, v57;
	v60 =	vpop (erf)  }
0x513: {  	[tilespmem:v11+s6+$0x0] =	vst.idx.msk $0xffff, v56;
	v1 =	vsub.f32 $1.000000000e+00, v1;
	v61 =	vadd.f32 v60, v60  }
0x514: {  	[tilespmem:v10+s6+$0x0] =	vst.idx.msk $0xffff, v2;
	v62 =	vsub.f32 $1.000000000e+00, v59  }
0x515: {  	[tilespmem:v25+s6+$0x0] =	vst.idx.msk $0xffff, v1;
	v63 =	vsub.f32 $1.000000000e+00, v61  }
0x516: {  	[tilespmem:v36+s6+$0x0] =	vst.idx.msk $0xffff, v62  }
0x517: {  	[tilespmem:v38+s6+$0x0] =	vst.idx.msk $0xffff, v63  }
0x518: {  	[hbm4b:s14+s6] =	stream.linear.scatter [tilespmem:s6], [sflag:$0x4], $0x8000, $0x38;
	[tilespmem:$0x18080] =	vst v63  }
0x519: {  	_ =	swait.ge [sflag:s24], $0x8000  }
0x51a: {  	[sflag:s24] =	ssyncset.done $0x0  }
0x51b: {  	s26 =	sadd.s32 $0x1, s26;
	[sflag:s24] =	ssyncadd.s32 $0xFFFF8000  }
0x51c: {  	p0 =	sne.s32 s26, s15;
	_ =	swait.ge [sflag:s25], $0x8000  }
.Ltmp6:
0x51d: {  	[sflag:s25] =	ssyncset.done $0x0;
	(pc) =	sbr.rel @p0 .LBB2_1-.Ltmp6, $4  }
0x51e: {  	[sflag:s25] =	ssyncadd.s32 $0xFFFF8000  }
0x51f: {  	_ =	swait.ge [sflag:s22], $0x8000  }
0x520: {  	[sflag:s22] =	ssyncset.done $0x0  }
0x521: {  	[sflag:s22] =	ssyncadd.s32 $0xFFFF8000  }
0x522: {  	_ =	sfence.sel $0x180000  }
0x523: {  	[bflag:$0x0] =	sbarrier.arrive $0xFFFF  }
0x524: {  	_ =	strace $0x90000047  }
0x525: {  	s0 =	stileid.u32;
	[bflag:$0x2] =	sbarrier.arrive $0xFFFF  }
0x526: {  	p0 =	sne.s32 s0, $0x0;
	s0 =	rddreg [dreg:$0x3]  }
0x527: {  	s0 =	sadd.s32 @!p0 $0x100000, s0  }
0x528: {  	[sflag:s0] =	ssyncadd.tile.s32 @!p0 $0x1;
	_ =	shalt  }
.Lfunc_end2:
_tile_overlayer_lowered:
.L_overlay_start_2:
0x529: {  	(tag) =	ssettag $0x2  }
0x52a: {  	s0 =	rddreg [dreg:$0x0];
	s2 =	stileid.u32  }
0x52b: {  	s1 =	rddreg [dreg:$0x1];
	p0 =	sne.s32 s2, $0x0  }
0x52c: {  	s3 =	rddreg [dreg:$0x2];
	[bflag:$0x3] =	sbarrier.arrive $0xFFFF;
	s2 =	simm.s32 @!p0 $0x1C07  }
0x52d: {  	[timem:s3], [sflag:s2] =	dma.local @!p0 [hbm:s0], s1  }
0x52e: {  	s0 =	simm.s32 @!p0 $0x7  }
0x52f: {  	_ =	swait.ge @!p0 [sflag:s0], s1  }
0x530: {  	s1 =	ssub.s32 @!p0 $0x0, s1;
	[sflag:s0] =	ssyncset.done @!p0 $0x0  }
0x531: {  	[sflag:s0] =	ssyncadd.s32 @!p0 s1  }
0x532: {  	[bflag:$0x3] =	sbarrier.arrive $0xFFFF  }
0x533: {  	_ =	shalt  }

</sc_bundles>
